<compile_context>
chip_gen: v7x
topology: tpu7x:2x2x1
jax: 0.10.2.dev20260603
libtpu: 0.0.44.dev20260713+nightly
codegen_flags: <defaults>
</compile_context>

<pallas_src>
import jax
import jax.numpy as jnp
from jax import lax
from jax.experimental import pallas as pl
from jax.experimental.pallas import tpu as pltpu
from jax.experimental.pallas import tpu_sc as plsc

N_NODES = 10000
N_EDGES = 320000
D_IN = 128
D_OUT = 40
D_PAD = 48

NC = 2
NS = 16
NW = NC * NS
C = 128
N_PAD = 10240
NPT = N_PAD // NS
CH_PER_TILE = 80
N_CHUNKS = NW * CH_PER_TILE
E_PAD = N_CHUNKS * C
DUMMY_DST = N_PAD - 1


def _seg_sum_sc(D, with_deg):
  mesh = plsc.VectorSubcoreMesh(
      core_axis_name="c", subcore_axis_name="s", num_cores=NC,
      num_subcores=NS)

  out_type = [jax.ShapeDtypeStruct((NC, N_PAD, D), jnp.float32)]
  scratch = [
      pltpu.VMEM((8, C), jnp.int32),
      pltpu.VMEM((8, C), jnp.int32),
      pltpu.VMEM((C, D), jnp.float32),
      pltpu.VMEM_SHARED((N_PAD, D), jnp.float32),
      pltpu.SemaphoreType.DMA,
  ]
  if with_deg:
    out_type.append(jax.ShapeDtypeStruct((NC, N_PAD, 16), jnp.float32))
    scratch += [
        pltpu.VMEM((C, 16), jnp.float32),
        pltpu.VMEM_SHARED((N_PAD, 16), jnp.float32),
    ]

  def body(*refs):
    if with_deg:
      (src2, dst2, x_hbm, z_nd, ones_h, z_n16, out, deg_out,
       sidx, didx, rows, agg_sh, sem, ones_v, deg_sh) = refs
    else:
      (src2, dst2, x_hbm, z_nd, out,
       sidx, didx, rows, agg_sh, sem) = refs
    cid = lax.axis_index("c")
    sid = lax.axis_index("s")
    wid = sid * NC + cid
    r0 = sid * NPT

    pltpu.sync_copy(z_nd.at[pl.ds(r0, NPT)], agg_sh.at[pl.ds(r0, NPT)])
    if with_deg:
      pltpu.sync_copy(z_n16.at[pl.ds(r0, NPT)], deg_sh.at[pl.ds(r0, NPT)])
      pltpu.sync_copy(ones_h, ones_v)

    plsc.subcore_barrier()

    def group(g, carry):
      base = wid * CH_PER_TILE + g * 8
      pltpu.sync_copy(src2.at[pl.ds(base, 8)], sidx)
      pltpu.sync_copy(dst2.at[pl.ds(base, 8)], didx)
      for jj in range(8):
        pltpu.async_copy(x_hbm.at[sidx.at[jj]], rows, sem).wait()
        pltpu.sync_copy(rows, agg_sh.at[didx.at[jj]], add=True)
        if with_deg:
          pltpu.sync_copy(ones_v, deg_sh.at[didx.at[jj]], add=True)
      return carry

    lax.fori_loop(0, CH_PER_TILE // 8, group, 0)
    plsc.subcore_barrier()

    pltpu.sync_copy(agg_sh.at[pl.ds(r0, NPT)], out.at[cid, pl.ds(r0, NPT)])
    if with_deg:
      pltpu.sync_copy(deg_sh.at[pl.ds(r0, NPT)],
                      deg_out.at[cid, pl.ds(r0, NPT)])

  return pl.kernel(body, out_type=out_type, mesh=mesh,
                   scratch_types=scratch,
                   compiler_params=pltpu.CompilerParams(
                       use_tc_tiling_on_sc=False))


BLK = 1000


def _tc_layer(x, a0, a1, d0, d1, Wl, Wr, b, gW=None):
  D = Wl.shape[1]
  n = x.shape[0]
  grid = (n // BLK,)
  row_spec = lambda w: pl.BlockSpec((BLK, w), lambda i: (i, 0))
  full_spec = lambda s: pl.BlockSpec(s, lambda i: (0, 0))

  def body(*refs):
    if gW is None:
      x_r, a0_r, a1_r, d0_r, d1_r, wl_r, wr_r, b_r, h_r = refs
    else:
      x_r, a0_r, a1_r, d0_r, d1_r, wl_r, wr_r, b_r, gw_r, h_r, g_r = refs
    deg = jnp.maximum(d0_r[:, 0:1] + d1_r[:, 0:1], 1.0)
    agg = (a0_r[...] + a1_r[...]) / deg
    h = (jnp.dot(agg, wl_r[...], preferred_element_type=jnp.float32)
         + jnp.dot(x_r[...], wr_r[...], preferred_element_type=jnp.float32)
         + b_r[...])
    h = jnp.maximum(h, 0.0)
    h_r[...] = h
    if gW is not None:
      g_r[...] = jnp.dot(h, gw_r[...], preferred_element_type=jnp.float32)

  in_specs = [row_spec(x.shape[1]), row_spec(D), row_spec(D),
              row_spec(16), row_spec(16),
              full_spec(Wl.shape), full_spec(Wr.shape), full_spec(b.shape)]
  out_shape = [jax.ShapeDtypeStruct((n, D), jnp.float32)]
  out_specs = [row_spec(D)]
  args = [x, a0, a1, d0, d1, Wl, Wr, b]
  if gW is not None:
    in_specs.append(full_spec(gW.shape))
    out_shape.append(jax.ShapeDtypeStruct((n, gW.shape[1]), jnp.float32))
    out_specs.append(row_spec(gW.shape[1]))
    args.append(gW)

  return pl.pallas_call(body, grid=grid, in_specs=in_specs,
                        out_specs=out_specs, out_shape=out_shape)(*args)


def _tc_final(h2, a0, a1, d0, d1, Wr, b):
  n = h2.shape[0]
  grid = (n // BLK,)
  row_spec = lambda w: pl.BlockSpec((BLK, w), lambda i: (i, 0))
  full_spec = lambda s: pl.BlockSpec(s, lambda i: (0, 0))

  def body(h_r, a0_r, a1_r, d0_r, d1_r, wr_r, b_r, o_r):
    deg = jnp.maximum(d0_r[:, 0:1] + d1_r[:, 0:1], 1.0)
    mean = (a0_r[...] + a1_r[...]) / deg
    logits = (mean
              + jnp.dot(h_r[...], wr_r[...],
                        preferred_element_type=jnp.float32)
              + b_r[...])
    m = jnp.max(logits, axis=1, keepdims=True)
    e = jnp.exp(logits - m)
    o_r[...] = (logits - m) - jnp.log(jnp.sum(e, axis=1, keepdims=True))

  return pl.pallas_call(
      body, grid=grid,
      in_specs=[row_spec(128), row_spec(D_PAD), row_spec(D_PAD),
                row_spec(16), row_spec(16),
                full_spec(Wr.shape), full_spec(b.shape)],
      out_specs=row_spec(D_PAD),
      out_shape=jax.ShapeDtypeStruct((n, D_PAD), jnp.float32))(
          h2, a0, a1, d0, d1, Wr, b)


def kernel(x, edge_index, W1l, W1r, b1, W2l, W2r, b2, W3l, W3r, b3):
  n_extra = E_PAD - N_EDGES
  src = jnp.concatenate(
      [edge_index[0].astype(jnp.int32),
       jnp.zeros((n_extra,), jnp.int32)]).reshape(N_CHUNKS, C)
  dst = jnp.concatenate(
      [edge_index[1].astype(jnp.int32),
       jnp.full((n_extra,), DUMMY_DST, jnp.int32)]).reshape(N_CHUNKS, C)

  z_nd = jnp.zeros((N_PAD, D_IN), jnp.float32)
  z_np = jnp.zeros((N_PAD, D_PAD), jnp.float32)
  z_n16 = jnp.zeros((N_PAD, 16), jnp.float32)
  ones_h = jnp.ones((C, 16), jnp.float32)

  b1r = b1.reshape(1, -1)
  b2r = b2.reshape(1, -1)
  W3lp = jnp.pad(W3l, ((0, 0), (0, D_PAD - D_OUT)))
  W3rp = jnp.pad(W3r, ((0, 0), (0, D_PAD - D_OUT)))
  b3p = jnp.concatenate(
      [b3, jnp.full((D_PAD - D_OUT,), -1e30, jnp.float32)]).reshape(1, -1)

  agg1, degp = _seg_sum_sc(D_IN, True)(src, dst, x, z_nd, ones_h, z_n16)
  d0, d1 = degp[0, :N_NODES], degp[1, :N_NODES]
  (h1,) = _tc_layer(x, agg1[0, :N_NODES], agg1[1, :N_NODES], d0, d1,
                    W1l, W1r, b1r)

  (agg2,) = _seg_sum_sc(D_IN, False)(src, dst, h1, z_nd)
  h2, g3 = _tc_layer(h1, agg2[0, :N_NODES], agg2[1, :N_NODES], d0, d1,
                     W2l, W2r, b2r, gW=W3lp)

  (agg3,) = _seg_sum_sc(D_PAD, False)(src, dst, g3, z_np)
  out = _tc_final(h2, agg3[0, :N_NODES], agg3[1, :N_NODES], d0, d1,
                  W3rp, b3p)
  return out[:, :D_OUT]

# --- scband reference (transcript-rebuilt; emitter-appended) ---
"""Pipeline reference for scband-graph-sagemodel-13477607375484 (READ-ONLY COPY).

The authoritative reference and input builder live on the scoring server;
editing this copy changes nothing except your own understanding.
"""

import jax, jax.numpy as jnp
import numpy as np

N_NODES = 10000
N_EDGES = 320000
D_IN = 128
D_HID = 128
D_OUT = 40


def _glorot(key, shape):
    fan_in, fan_out = shape[0], shape[1]
    limit = np.sqrt(6.0 / (fan_in + fan_out))
    return jax.random.uniform(key, shape, dtype=jnp.float32, minval=-limit, maxval=limit)


def setup_inputs(seed: int = 0) -> dict:
    key = jax.random.key(seed)
    ks = jax.random.split(key, 10)
    x = jax.random.normal(ks[0], (N_NODES, D_IN), dtype=jnp.float32)
    edge_index = jax.random.randint(ks[1], (2, N_EDGES), 0, N_NODES, dtype=jnp.int64)
    return {
        'x': x,
        'edge_index': edge_index,
        'W1l': _glorot(ks[2], (D_IN, D_HID)),
        'W1r': _glorot(ks[3], (D_IN, D_HID)),
        'b1': jnp.zeros((D_HID,), dtype=jnp.float32),
        'W2l': _glorot(ks[4], (D_HID, D_HID)),
        'W2r': _glorot(ks[5], (D_HID, D_HID)),
        'b2': jnp.zeros((D_HID,), dtype=jnp.float32),
        'W3l': _glorot(ks[6], (D_HID, D_OUT)),
        'W3r': _glorot(ks[7], (D_HID, D_OUT)),
        'b3': jnp.zeros((D_OUT,), dtype=jnp.float32),
    }


def _sage_conv(x, edge_index, Wl, Wr, b):
    # PyG SAGEConv with mean aggregation:
    #   out = lin_l(mean_{j in N(i)} x_j) + lin_r(x_i)
    src = edge_index[0]
    dst = edge_index[1]
    msgs = jnp.take(x, src, axis=0)
    agg = jax.ops.segment_sum(msgs, dst, num_segments=x.shape[0])
    deg = jax.ops.segment_sum(jnp.ones((edge_index.shape[1],), dtype=x.dtype), dst, num_segments=x.shape[0])
    agg = agg / jnp.clip(deg, 1.0, None)[:, None]
    return agg @ Wl + x @ Wr + b


def reference(x, edge_index, W1l, W1r, b1, W2l, W2r, b2, W3l, W3r, b3):
    # Eval mode: dropout is identity.
    h = _sage_conv(x, edge_index, W1l, W1r, b1)
    h = jax.nn.relu(h)
    h = _sage_conv(h, edge_index, W2l, W2r, b2)
    h = jax.nn.relu(h)
    h = _sage_conv(h, edge_index, W3l, W3r, b3)
    return jax.nn.log_softmax(h, axis=1)

if __name__ == "__main__":
    import jax
    _d = setup_inputs()
    print(jax.jit(kernel)(*tuple(_d.values())))

</pallas_src>

<mosaic_0001>
#map = affine_map<(d0, d1) -> (0, 0)>
#map1 = affine_map<(d0, d1) -> (0, 0, 0)>
module attributes {stable_mosaic.version = 14 : i64} {
  func.func @body(%arg0: i32, %arg1: i32, %arg2: memref<2560x128xi32, #tpu.memory_space<hbm>>, %arg3: memref<2560x128xi32, #tpu.memory_space<hbm>>, %arg4: memref<10000x128xf32, #tpu.memory_space<hbm>>, %arg5: memref<10240x128xf32, #tpu.memory_space<hbm>>, %arg6: memref<128x16xf32, #tpu.memory_space<hbm>>, %arg7: memref<10240x16xf32, #tpu.memory_space<hbm>>, %arg8: memref<2x10240x128xf32, #tpu.memory_space<hbm>>, %arg9: memref<2x10240x16xf32, #tpu.memory_space<hbm>>, %arg10: memref<8x128xi32, #tpu.memory_space<vmem>>, %arg11: memref<8x128xi32, #tpu.memory_space<vmem>>, %arg12: memref<128x128xf32, #tpu.memory_space<vmem>>, %arg13: memref<10240x128xf32, #tpu.memory_space<vmem_shared>>, %arg14: memref<!tpu.dma_semaphore, #tpu.memory_space<semaphore_mem>>, %arg15: memref<128x16xf32, #tpu.memory_space<vmem>>, %arg16: memref<10240x16xf32, #tpu.memory_space<vmem_shared>>) attributes {dimension_semantics = [#tpu.dimension_semantics<core_parallel>, #tpu.dimension_semantics<subcore_parallel>], iteration_bounds = array<i64: 2, 16>, scalar_prefetch = 0 : i64, scratch_operands = 7 : i64, tpu.core_type = #tpu.core_type<sc_vector_subcore>, window_params = [{transform_indices = #map}, {transform_indices = #map}, {transform_indices = #map}, {transform_indices = #map}, {transform_indices = #map}, {transform_indices = #map}, {transform_indices = #map1}, {transform_indices = #map1}]} {
    %mul3A = arith.constant 2 : i32
    %mul3A_0 = arith.muli %arg1, %mul3A : i32
    %add3A = arith.addi %mul3A_0, %arg0 : i32
    %mul3A_1 = arith.constant 640 : i32
    %mul3A_2 = arith.muli %arg1, %mul3A_1 : i32
    "tpu.region"() ({
      %run_scoped3A = tpu.sem_alloc : memref<!tpu.dma_semaphore, #tpu.memory_space<semaphore_mem>>
      %dma_start3A = arith.constant 0 : i32
      %dma_start3A_9 = tpu.memref_slice %arg13[%mul3A_2, %dma_start3A] : memref<10240x128xf32, #tpu.memory_space<vmem_shared>> -> memref<640x128xf32, #tpu.memory_space<vmem_shared>>
      %dma_start3A_10 = arith.constant 0 : i32
      %dma_start3A_11 = tpu.memref_slice %arg5[%mul3A_2, %dma_start3A_10] : memref<10240x128xf32, #tpu.memory_space<hbm>> -> memref<640x128xf32, #tpu.memory_space<hbm>>
      tpu.enqueue_dma source(%dma_start3A_11 : memref<640x128xf32, #tpu.memory_space<hbm>>) target(%dma_start3A_9 : memref<640x128xf32, #tpu.memory_space<vmem_shared>>) target_semaphore(%run_scoped3A : memref<!tpu.dma_semaphore, #tpu.memory_space<semaphore_mem>>)
      %dma_wait3A = arith.constant 0 : i32
      %dma_wait3A_12 = tpu.memref_slice %arg13[%mul3A_2, %dma_wait3A] : memref<10240x128xf32, #tpu.memory_space<vmem_shared>> -> memref<640x128xf32, #tpu.memory_space<vmem_shared>>
      %dma_wait3A_13 = arith.constant 0 : i32
      %dma_wait3A_14 = tpu.memref_slice %arg5[%mul3A_2, %dma_wait3A_13] : memref<10240x128xf32, #tpu.memory_space<hbm>> -> memref<640x128xf32, #tpu.memory_space<hbm>>
      tpu.wait_dma2 semaphore(%run_scoped3A : memref<!tpu.dma_semaphore, #tpu.memory_space<semaphore_mem>>) src(%dma_wait3A_14 : memref<640x128xf32, #tpu.memory_space<hbm>>) dst(%dma_wait3A_12 : memref<640x128xf32, #tpu.memory_space<vmem_shared>>)
      tpu.yield
    }) : () -> ()
    "tpu.region"() ({
      %run_scoped3A = tpu.sem_alloc : memref<!tpu.dma_semaphore, #tpu.memory_space<semaphore_mem>>
      %dma_start3A = arith.constant 0 : i32
      %dma_start3A_9 = tpu.memref_slice %arg16[%mul3A_2, %dma_start3A] : memref<10240x16xf32, #tpu.memory_space<vmem_shared>> -> memref<640x16xf32, #tpu.memory_space<vmem_shared>>
      %dma_start3A_10 = arith.constant 0 : i32
      %dma_start3A_11 = tpu.memref_slice %arg7[%mul3A_2, %dma_start3A_10] : memref<10240x16xf32, #tpu.memory_space<hbm>> -> memref<640x16xf32, #tpu.memory_space<hbm>>
      tpu.enqueue_dma source(%dma_start3A_11 : memref<640x16xf32, #tpu.memory_space<hbm>>) target(%dma_start3A_9 : memref<640x16xf32, #tpu.memory_space<vmem_shared>>) target_semaphore(%run_scoped3A : memref<!tpu.dma_semaphore, #tpu.memory_space<semaphore_mem>>)
      %dma_wait3A = arith.constant 0 : i32
      %dma_wait3A_12 = tpu.memref_slice %arg16[%mul3A_2, %dma_wait3A] : memref<10240x16xf32, #tpu.memory_space<vmem_shared>> -> memref<640x16xf32, #tpu.memory_space<vmem_shared>>
      %dma_wait3A_13 = arith.constant 0 : i32
      %dma_wait3A_14 = tpu.memref_slice %arg7[%mul3A_2, %dma_wait3A_13] : memref<10240x16xf32, #tpu.memory_space<hbm>> -> memref<640x16xf32, #tpu.memory_space<hbm>>
      tpu.wait_dma2 semaphore(%run_scoped3A : memref<!tpu.dma_semaphore, #tpu.memory_space<semaphore_mem>>) src(%dma_wait3A_14 : memref<640x16xf32, #tpu.memory_space<hbm>>) dst(%dma_wait3A_12 : memref<640x16xf32, #tpu.memory_space<vmem_shared>>)
      tpu.yield
    }) : () -> ()
    "tpu.region"() ({
      %run_scoped3A = tpu.sem_alloc : memref<!tpu.dma_semaphore, #tpu.memory_space<semaphore_mem>>
      tpu.enqueue_dma source(%arg6 : memref<128x16xf32, #tpu.memory_space<hbm>>) target(%arg15 : memref<128x16xf32, #tpu.memory_space<vmem>>) target_semaphore(%run_scoped3A : memref<!tpu.dma_semaphore, #tpu.memory_space<semaphore_mem>>)
      tpu.wait_dma2 semaphore(%run_scoped3A : memref<!tpu.dma_semaphore, #tpu.memory_space<semaphore_mem>>) src(%arg6 : memref<128x16xf32, #tpu.memory_space<hbm>>) dst(%arg15 : memref<128x16xf32, #tpu.memory_space<vmem>>)
      tpu.yield
    }) : () -> ()
    %barrier3A = arith.constant 0 : index
    tpu.barrier barrier_id(%barrier3A)
    %scan3A = arith.constant 0 : i32
    %scan3A_3 = arith.constant 0 : i32
    %scan3A_4 = arith.constant 10 : i32
    %scan3A_5 = arith.addi %scan3A_3, %scan3A_4 : i32
    %scan3A_6 = arith.constant 1 : i32
    scf.for %scan3A_9 = %scan3A_3 to %scan3A_5 step %scan3A_6  : i32 {
      %mul3A_10 = arith.constant 80 : i32
      %mul3A_11 = arith.muli %add3A, %mul3A_10 : i32
      %mul3A_12 = arith.constant 8 : i32
      %mul3A_13 = arith.muli %scan3A_9, %mul3A_12 : i32
      %add3A_14 = arith.addi %mul3A_11, %mul3A_13 : i32
      "tpu.region"() ({
        %run_scoped3A_140 = tpu.sem_alloc : memref<!tpu.dma_semaphore, #tpu.memory_space<semaphore_mem>>
        %dma_start3A_141 = arith.constant 0 : i32
        %dma_start3A_142 = tpu.memref_slice %arg2[%add3A_14, %dma_start3A_141] : memref<2560x128xi32, #tpu.memory_space<hbm>> -> memref<8x128xi32, #tpu.memory_space<hbm>>
        %dma_start3A_143 = arith.constant 0 : i32
        %dma_start3A_144 = tpu.memref_slice %arg2[%add3A_14, %dma_start3A_143] : memref<2560x128xi32, #tpu.memory_space<hbm>> -> memref<8x128xi32, #tpu.memory_space<hbm>>
        tpu.enqueue_dma source(%dma_start3A_144 : memref<8x128xi32, #tpu.memory_space<hbm>>) target(%arg10 : memref<8x128xi32, #tpu.memory_space<vmem>>) target_semaphore(%run_scoped3A_140 : memref<!tpu.dma_semaphore, #tpu.memory_space<semaphore_mem>>)
        %dma_wait3A_145 = arith.constant 0 : i32
        %dma_wait3A_146 = tpu.memref_slice %arg2[%add3A_14, %dma_wait3A_145] : memref<2560x128xi32, #tpu.memory_space<hbm>> -> memref<8x128xi32, #tpu.memory_space<hbm>>
        %dma_wait3A_147 = arith.constant 0 : i32
        %dma_wait3A_148 = tpu.memref_slice %arg2[%add3A_14, %dma_wait3A_147] : memref<2560x128xi32, #tpu.memory_space<hbm>> -> memref<8x128xi32, #tpu.memory_space<hbm>>
        tpu.wait_dma2 semaphore(%run_scoped3A_140 : memref<!tpu.dma_semaphore, #tpu.memory_space<semaphore_mem>>) src(%dma_wait3A_148 : memref<8x128xi32, #tpu.memory_space<hbm>>) dst(%arg10 : memref<8x128xi32, #tpu.memory_space<vmem>>)
        tpu.yield
      }) : () -> ()
      "tpu.region"() ({
        %run_scoped3A_140 = tpu.sem_alloc : memref<!tpu.dma_semaphore, #tpu.memory_space<semaphore_mem>>
        %dma_start3A_141 = arith.constant 0 : i32
        %dma_start3A_142 = tpu.memref_slice %arg3[%add3A_14, %dma_start3A_141] : memref<2560x128xi32, #tpu.memory_space<hbm>> -> memref<8x128xi32, #tpu.memory_space<hbm>>
        %dma_start3A_143 = arith.constant 0 : i32
        %dma_start3A_144 = tpu.memref_slice %arg3[%add3A_14, %dma_start3A_143] : memref<2560x128xi32, #tpu.memory_space<hbm>> -> memref<8x128xi32, #tpu.memory_space<hbm>>
        tpu.enqueue_dma source(%dma_start3A_144 : memref<8x128xi32, #tpu.memory_space<hbm>>) target(%arg11 : memref<8x128xi32, #tpu.memory_space<vmem>>) target_semaphore(%run_scoped3A_140 : memref<!tpu.dma_semaphore, #tpu.memory_space<semaphore_mem>>)
        %dma_wait3A_145 = arith.constant 0 : i32
        %dma_wait3A_146 = tpu.memref_slice %arg3[%add3A_14, %dma_wait3A_145] : memref<2560x128xi32, #tpu.memory_space<hbm>> -> memref<8x128xi32, #tpu.memory_space<hbm>>
        %dma_wait3A_147 = arith.constant 0 : i32
        %dma_wait3A_148 = tpu.memref_slice %arg3[%add3A_14, %dma_wait3A_147] : memref<2560x128xi32, #tpu.memory_space<hbm>> -> memref<8x128xi32, #tpu.memory_space<hbm>>
        tpu.wait_dma2 semaphore(%run_scoped3A_140 : memref<!tpu.dma_semaphore, #tpu.memory_space<semaphore_mem>>) src(%dma_wait3A_148 : memref<8x128xi32, #tpu.memory_space<hbm>>) dst(%arg11 : memref<8x128xi32, #tpu.memory_space<vmem>>)
        tpu.yield
      }) : () -> ()
      %dma_start3A = arith.constant 0 : i32
      %dma_start3A_15 = arith.constant 0 : i32
      %dma_start3A_16 = tpu.memref_slice %arg10[%dma_start3A, %dma_start3A_15] : memref<8x128xi32, #tpu.memory_space<vmem>> -> memref<1x128xi32, #tpu.memory_space<vmem>>
      %dma_start3A_17 = tpu.memref_squeeze %dma_start3A_16 : memref<1x128xi32, #tpu.memory_space<vmem>> -> memref<128xi32, #tpu.memory_space<vmem>>
      %dma_start3A_18 = arith.constant 0 : i32
      %dma_start3A_19 = arith.constant 0 : i32
      %dma_start3A_20 = tpu.memref_slice %arg4[%dma_start3A_18, %dma_start3A_19] : memref<10000x128xf32, #tpu.memory_space<hbm>> -> memref<10000x128xf32, #tpu.memory_space<hbm>>
      tpu.enqueue_indirect_dma source(%dma_start3A_20 : memref<10000x128xf32, #tpu.memory_space<hbm>>) target(%arg12 : memref<128x128xf32, #tpu.memory_space<vmem>>) offsets(%dma_start3A_17 : memref<128xi32, #tpu.memory_space<vmem>>) semaphore(%arg14 : memref<!tpu.dma_semaphore, #tpu.memory_space<semaphore_mem>>)
      %dma_wait3A = arith.constant 0 : i32
      %dma_wait3A_21 = arith.constant 0 : i32
      %dma_wait3A_22 = tpu.memref_slice %arg10[%dma_wait3A, %dma_wait3A_21] : memref<8x128xi32, #tpu.memory_space<vmem>> -> memref<1x128xi32, #tpu.memory_space<vmem>>
      %dma_wait3A_23 = tpu.memref_squeeze %dma_wait3A_22 : memref<1x128xi32, #tpu.memory_space<vmem>> -> memref<128xi32, #tpu.memory_space<vmem>>
      %dma_wait3A_24 = arith.constant 0 : i32
      %dma_wait3A_25 = arith.constant 0 : i32
      %dma_wait3A_26 = tpu.memref_slice %arg4[%dma_wait3A_24, %dma_wait3A_25] : memref<10000x128xf32, #tpu.memory_space<hbm>> -> memref<10000x128xf32, #tpu.memory_space<hbm>>
      tpu.wait_indirect_dma semaphore(%arg14 : memref<!tpu.dma_semaphore, #tpu.memory_space<semaphore_mem>>) src(%dma_wait3A_26 : memref<10000x128xf32, #tpu.memory_space<hbm>>) dst(%arg12 : memref<128x128xf32, #tpu.memory_space<vmem>>)
      %run_scoped3A = arith.constant 0 : i32
      "tpu.region"() ({
        %run_scoped3A_140 = tpu.sem_alloc : memref<!tpu.dma_semaphore, #tpu.memory_space<semaphore_mem>>
        %dma_start3A_141 = arith.constant 0 : i32
        %dma_start3A_142 = tpu.memref_slice %arg11[%run_scoped3A, %dma_start3A_141] : memref<8x128xi32, #tpu.memory_space<vmem>> -> memref<1x128xi32, #tpu.memory_space<vmem>>
        %dma_start3A_143 = tpu.memref_squeeze %dma_start3A_142 : memref<1x128xi32, #tpu.memory_space<vmem>> -> memref<128xi32, #tpu.memory_space<vmem>>
        %dma_start3A_144 = arith.constant 0 : i32
        %dma_start3A_145 = arith.constant 0 : i32
        %dma_start3A_146 = tpu.memref_slice %arg13[%dma_start3A_144, %dma_start3A_145] : memref<10240x128xf32, #tpu.memory_space<vmem_shared>> -> memref<10240x128xf32, #tpu.memory_space<vmem_shared>>
        tpu.enqueue_indirect_dma source(%arg12 : memref<128x128xf32, #tpu.memory_space<vmem>>) target(%dma_start3A_146 : memref<10240x128xf32, #tpu.memory_space<vmem_shared>>) offsets(%dma_start3A_143 : memref<128xi32, #tpu.memory_space<vmem>>) semaphore(%run_scoped3A_140 : memref<!tpu.dma_semaphore, #tpu.memory_space<semaphore_mem>>) {add = true}
        %dma_wait3A_147 = arith.constant 0 : i32
        %dma_wait3A_148 = tpu.memref_slice %arg11[%run_scoped3A, %dma_wait3A_147] : memref<8x128xi32, #tpu.memory_space<vmem>> -> memref<1x128xi32, #tpu.memory_space<vmem>>
        %dma_wait3A_149 = tpu.memref_squeeze %dma_wait3A_148 : memref<1x128xi32, #tpu.memory_space<vmem>> -> memref<128xi32, #tpu.memory_space<vmem>>
        %dma_wait3A_150 = arith.constant 0 : i32
        %dma_wait3A_151 = arith.constant 0 : i32
        %dma_wait3A_152 = tpu.memref_slice %arg13[%dma_wait3A_150, %dma_wait3A_151] : memref<10240x128xf32, #tpu.memory_space<vmem_shared>> -> memref<10240x128xf32, #tpu.memory_space<vmem_shared>>
        tpu.wait_indirect_dma semaphore(%run_scoped3A_140 : memref<!tpu.dma_semaphore, #tpu.memory_space<semaphore_mem>>) src(%arg12 : memref<128x128xf32, #tpu.memory_space<vmem>>) dst(%dma_wait3A_152 : memref<10240x128xf32, #tpu.memory_space<vmem_shared>>)
        tpu.yield
      }) : () -> ()
      %run_scoped3A_27 = arith.constant 0 : i32
      "tpu.region"() ({
        %run_scoped3A_140 = tpu.sem_alloc : memref<!tpu.dma_semaphore, #tpu.memory_space<semaphore_mem>>
        %dma_start3A_141 = arith.constant 0 : i32
        %dma_start3A_142 = tpu.memref_slice %arg11[%run_scoped3A_27, %dma_start3A_141] : memref<8x128xi32, #tpu.memory_space<vmem>> -> memref<1x128xi32, #tpu.memory_space<vmem>>
        %dma_start3A_143 = tpu.memref_squeeze %dma_start3A_142 : memref<1x128xi32, #tpu.memory_space<vmem>> -> memref<128xi32, #tpu.memory_space<vmem>>
        %dma_start3A_144 = arith.constant 0 : i32
        %dma_start3A_145 = arith.constant 0 : i32
        %dma_start3A_146 = tpu.memref_slice %arg16[%dma_start3A_144, %dma_start3A_145] : memref<10240x16xf32, #tpu.memory_space<vmem_shared>> -> memref<10240x16xf32, #tpu.memory_space<vmem_shared>>
        tpu.enqueue_indirect_dma source(%arg15 : memref<128x16xf32, #tpu.memory_space<vmem>>) target(%dma_start3A_146 : memref<10240x16xf32, #tpu.memory_space<vmem_shared>>) offsets(%dma_start3A_143 : memref<128xi32, #tpu.memory_space<vmem>>) semaphore(%run_scoped3A_140 : memref<!tpu.dma_semaphore, #tpu.memory_space<semaphore_mem>>) {add = true}
        %dma_wait3A_147 = arith.constant 0 : i32
        %dma_wait3A_148 = tpu.memref_slice %arg11[%run_scoped3A_27, %dma_wait3A_147] : memref<8x128xi32, #tpu.memory_space<vmem>> -> memref<1x128xi32, #tpu.memory_space<vmem>>
        %dma_wait3A_149 = tpu.memref_squeeze %dma_wait3A_148 : memref<1x128xi32, #tpu.memory_space<vmem>> -> memref<128xi32, #tpu.memory_space<vmem>>
        %dma_wait3A_150 = arith.constant 0 : i32
        %dma_wait3A_151 = arith.constant 0 : i32
        %dma_wait3A_152 = tpu.memref_slice %arg16[%dma_wait3A_150, %dma_wait3A_151] : memref<10240x16xf32, #tpu.memory_space<vmem_shared>> -> memref<10240x16xf32, #tpu.memory_space<vmem_shared>>
        tpu.wait_indirect_dma semaphore(%run_scoped3A_140 : memref<!tpu.dma_semaphore, #tpu.memory_space<semaphore_mem>>) src(%arg15 : memref<128x16xf32, #tpu.memory_space<vmem>>) dst(%dma_wait3A_152 : memref<10240x16xf32, #tpu.memory_space<vmem_shared>>)
        tpu.yield
      }) : () -> ()
      %dma_start3A_28 = arith.constant 1 : i32
      %dma_start3A_29 = arith.constant 0 : i32
      %dma_start3A_30 = tpu.memref_slice %arg10[%dma_start3A_28, %dma_start3A_29] : memref<8x128xi32, #tpu.memory_space<vmem>> -> memref<1x128xi32, #tpu.memory_space<vmem>>
      %dma_start3A_31 = tpu.memref_squeeze %dma_start3A_30 : memref<1x128xi32, #tpu.memory_space<vmem>> -> memref<128xi32, #tpu.memory_space<vmem>>
      %dma_start3A_32 = arith.constant 0 : i32
      %dma_start3A_33 = arith.constant 0 : i32
      %dma_start3A_34 = tpu.memref_slice %arg4[%dma_start3A_32, %dma_start3A_33] : memref<10000x128xf32, #tpu.memory_space<hbm>> -> memref<10000x128xf32, #tpu.memory_space<hbm>>
      tpu.enqueue_indirect_dma source(%dma_start3A_34 : memref<10000x128xf32, #tpu.memory_space<hbm>>) target(%arg12 : memref<128x128xf32, #tpu.memory_space<vmem>>) offsets(%dma_start3A_31 : memref<128xi32, #tpu.memory_space<vmem>>) semaphore(%arg14 : memref<!tpu.dma_semaphore, #tpu.memory_space<semaphore_mem>>)
      %dma_wait3A_35 = arith.constant 1 : i32
      %dma_wait3A_36 = arith.constant 0 : i32
      %dma_wait3A_37 = tpu.memref_slice %arg10[%dma_wait3A_35, %dma_wait3A_36] : memref<8x128xi32, #tpu.memory_space<vmem>> -> memref<1x128xi32, #tpu.memory_space<vmem>>
      %dma_wait3A_38 = tpu.memref_squeeze %dma_wait3A_37 : memref<1x128xi32, #tpu.memory_space<vmem>> -> memref<128xi32, #tpu.memory_space<vmem>>
      %dma_wait3A_39 = arith.constant 0 : i32
      %dma_wait3A_40 = arith.constant 0 : i32
      %dma_wait3A_41 = tpu.memref_slice %arg4[%dma_wait3A_39, %dma_wait3A_40] : memref<10000x128xf32, #tpu.memory_space<hbm>> -> memref<10000x128xf32, #tpu.memory_space<hbm>>
      tpu.wait_indirect_dma semaphore(%arg14 : memref<!tpu.dma_semaphore, #tpu.memory_space<semaphore_mem>>) src(%dma_wait3A_41 : memref<10000x128xf32, #tpu.memory_space<hbm>>) dst(%arg12 : memref<128x128xf32, #tpu.memory_space<vmem>>)
      %run_scoped3A_42 = arith.constant 1 : i32
      "tpu.region"() ({
        %run_scoped3A_140 = tpu.sem_alloc : memref<!tpu.dma_semaphore, #tpu.memory_space<semaphore_mem>>
        %dma_start3A_141 = arith.constant 0 : i32
        %dma_start3A_142 = tpu.memref_slice %arg11[%run_scoped3A_42, %dma_start3A_141] : memref<8x128xi32, #tpu.memory_space<vmem>> -> memref<1x128xi32, #tpu.memory_space<vmem>>
        %dma_start3A_143 = tpu.memref_squeeze %dma_start3A_142 : memref<1x128xi32, #tpu.memory_space<vmem>> -> memref<128xi32, #tpu.memory_space<vmem>>
        %dma_start3A_144 = arith.constant 0 : i32
        %dma_start3A_145 = arith.constant 0 : i32
        %dma_start3A_146 = tpu.memref_slice %arg13[%dma_start3A_144, %dma_start3A_145] : memref<10240x128xf32, #tpu.memory_space<vmem_shared>> -> memref<10240x128xf32, #tpu.memory_space<vmem_shared>>
        tpu.enqueue_indirect_dma source(%arg12 : memref<128x128xf32, #tpu.memory_space<vmem>>) target(%dma_start3A_146 : memref<10240x128xf32, #tpu.memory_space<vmem_shared>>) offsets(%dma_start3A_143 : memref<128xi32, #tpu.memory_space<vmem>>) semaphore(%run_scoped3A_140 : memref<!tpu.dma_semaphore, #tpu.memory_space<semaphore_mem>>) {add = true}
        %dma_wait3A_147 = arith.constant 0 : i32
        %dma_wait3A_148 = tpu.memref_slice %arg11[%run_scoped3A_42, %dma_wait3A_147] : memref<8x128xi32, #tpu.memory_space<vmem>> -> memref<1x128xi32, #tpu.memory_space<vmem>>
        %dma_wait3A_149 = tpu.memref_squeeze %dma_wait3A_148 : memref<1x128xi32, #tpu.memory_space<vmem>> -> memref<128xi32, #tpu.memory_space<vmem>>
        %dma_wait3A_150 = arith.constant 0 : i32
        %dma_wait3A_151 = arith.constant 0 : i32
        %dma_wait3A_152 = tpu.memref_slice %arg13[%dma_wait3A_150, %dma_wait3A_151] : memref<10240x128xf32, #tpu.memory_space<vmem_shared>> -> memref<10240x128xf32, #tpu.memory_space<vmem_shared>>
        tpu.wait_indirect_dma semaphore(%run_scoped3A_140 : memref<!tpu.dma_semaphore, #tpu.memory_space<semaphore_mem>>) src(%arg12 : memref<128x128xf32, #tpu.memory_space<vmem>>) dst(%dma_wait3A_152 : memref<10240x128xf32, #tpu.memory_space<vmem_shared>>)
        tpu.yield
      }) : () -> ()
      %run_scoped3A_43 = arith.constant 1 : i32
      "tpu.region"() ({
        %run_scoped3A_140 = tpu.sem_alloc : memref<!tpu.dma_semaphore, #tpu.memory_space<semaphore_mem>>
        %dma_start3A_141 = arith.constant 0 : i32
        %dma_start3A_142 = tpu.memref_slice %arg11[%run_scoped3A_43, %dma_start3A_141] : memref<8x128xi32, #tpu.memory_space<vmem>> -> memref<1x128xi32, #tpu.memory_space<vmem>>
        %dma_start3A_143 = tpu.memref_squeeze %dma_start3A_142 : memref<1x128xi32, #tpu.memory_space<vmem>> -> memref<128xi32, #tpu.memory_space<vmem>>
        %dma_start3A_144 = arith.constant 0 : i32
        %dma_start3A_145 = arith.constant 0 : i32
        %dma_start3A_146 = tpu.memref_slice %arg16[%dma_start3A_144, %dma_start3A_145] : memref<10240x16xf32, #tpu.memory_space<vmem_shared>> -> memref<10240x16xf32, #tpu.memory_space<vmem_shared>>
        tpu.enqueue_indirect_dma source(%arg15 : memref<128x16xf32, #tpu.memory_space<vmem>>) target(%dma_start3A_146 : memref<10240x16xf32, #tpu.memory_space<vmem_shared>>) offsets(%dma_start3A_143 : memref<128xi32, #tpu.memory_space<vmem>>) semaphore(%run_scoped3A_140 : memref<!tpu.dma_semaphore, #tpu.memory_space<semaphore_mem>>) {add = true}
        %dma_wait3A_147 = arith.constant 0 : i32
        %dma_wait3A_148 = tpu.memref_slice %arg11[%run_scoped3A_43, %dma_wait3A_147] : memref<8x128xi32, #tpu.memory_space<vmem>> -> memref<1x128xi32, #tpu.memory_space<vmem>>
        %dma_wait3A_149 = tpu.memref_squeeze %dma_wait3A_148 : memref<1x128xi32, #tpu.memory_space<vmem>> -> memref<128xi32, #tpu.memory_space<vmem>>
        %dma_wait3A_150 = arith.constant 0 : i32
        %dma_wait3A_151 = arith.constant 0 : i32
        %dma_wait3A_152 = tpu.memref_slice %arg16[%dma_wait3A_150, %dma_wait3A_151] : memref<10240x16xf32, #tpu.memory_space<vmem_shared>> -> memref<10240x16xf32, #tpu.memory_space<vmem_shared>>
        tpu.wait_indirect_dma semaphore(%run_scoped3A_140 : memref<!tpu.dma_semaphore, #tpu.memory_space<semaphore_mem>>) src(%arg15 : memref<128x16xf32, #tpu.memory_space<vmem>>) dst(%dma_wait3A_152 : memref<10240x16xf32, #tpu.memory_space<vmem_shared>>)
        tpu.yield
      }) : () -> ()
      %dma_start3A_44 = arith.constant 2 : i32
      %dma_start3A_45 = arith.constant 0 : i32
      %dma_start3A_46 = tpu.memref_slice %arg10[%dma_start3A_44, %dma_start3A_45] : memref<8x128xi32, #tpu.memory_space<vmem>> -> memref<1x128xi32, #tpu.memory_space<vmem>>
      %dma_start3A_47 = tpu.memref_squeeze %dma_start3A_46 : memref<1x128xi32, #tpu.memory_space<vmem>> -> memref<128xi32, #tpu.memory_space<vmem>>
      %dma_start3A_48 = arith.constant 0 : i32
      %dma_start3A_49 = arith.constant 0 : i32
      %dma_start3A_50 = tpu.memref_slice %arg4[%dma_start3A_48, %dma_start3A_49] : memref<10000x128xf32, #tpu.memory_space<hbm>> -> memref<10000x128xf32, #tpu.memory_space<hbm>>
      tpu.enqueue_indirect_dma source(%dma_start3A_50 : memref<10000x128xf32, #tpu.memory_space<hbm>>) target(%arg12 : memref<128x128xf32, #tpu.memory_space<vmem>>) offsets(%dma_start3A_47 : memref<128xi32, #tpu.memory_space<vmem>>) semaphore(%arg14 : memref<!tpu.dma_semaphore, #tpu.memory_space<semaphore_mem>>)
      %dma_wait3A_51 = arith.constant 2 : i32
      %dma_wait3A_52 = arith.constant 0 : i32
      %dma_wait3A_53 = tpu.memref_slice %arg10[%dma_wait3A_51, %dma_wait3A_52] : memref<8x128xi32, #tpu.memory_space<vmem>> -> memref<1x128xi32, #tpu.memory_space<vmem>>
      %dma_wait3A_54 = tpu.memref_squeeze %dma_wait3A_53 : memref<1x128xi32, #tpu.memory_space<vmem>> -> memref<128xi32, #tpu.memory_space<vmem>>
      %dma_wait3A_55 = arith.constant 0 : i32
      %dma_wait3A_56 = arith.constant 0 : i32
      %dma_wait3A_57 = tpu.memref_slice %arg4[%dma_wait3A_55, %dma_wait3A_56] : memref<10000x128xf32, #tpu.memory_space<hbm>> -> memref<10000x128xf32, #tpu.memory_space<hbm>>
      tpu.wait_indirect_dma semaphore(%arg14 : memref<!tpu.dma_semaphore, #tpu.memory_space<semaphore_mem>>) src(%dma_wait3A_57 : memref<10000x128xf32, #tpu.memory_space<hbm>>) dst(%arg12 : memref<128x128xf32, #tpu.memory_space<vmem>>)
      %run_scoped3A_58 = arith.constant 2 : i32
      "tpu.region"() ({
        %run_scoped3A_140 = tpu.sem_alloc : memref<!tpu.dma_semaphore, #tpu.memory_space<semaphore_mem>>
        %dma_start3A_141 = arith.constant 0 : i32
        %dma_start3A_142 = tpu.memref_slice %arg11[%run_scoped3A_58, %dma_start3A_141] : memref<8x128xi32, #tpu.memory_space<vmem>> -> memref<1x128xi32, #tpu.memory_space<vmem>>
        %dma_start3A_143 = tpu.memref_squeeze %dma_start3A_142 : memref<1x128xi32, #tpu.memory_space<vmem>> -> memref<128xi32, #tpu.memory_space<vmem>>
        %dma_start3A_144 = arith.constant 0 : i32
        %dma_start3A_145 = arith.constant 0 : i32
        %dma_start3A_146 = tpu.memref_slice %arg13[%dma_start3A_144, %dma_start3A_145] : memref<10240x128xf32, #tpu.memory_space<vmem_shared>> -> memref<10240x128xf32, #tpu.memory_space<vmem_shared>>
        tpu.enqueue_indirect_dma source(%arg12 : memref<128x128xf32, #tpu.memory_space<vmem>>) target(%dma_start3A_146 : memref<10240x128xf32, #tpu.memory_space<vmem_shared>>) offsets(%dma_start3A_143 : memref<128xi32, #tpu.memory_space<vmem>>) semaphore(%run_scoped3A_140 : memref<!tpu.dma_semaphore, #tpu.memory_space<semaphore_mem>>) {add = true}
        %dma_wait3A_147 = arith.constant 0 : i32
        %dma_wait3A_148 = tpu.memref_slice %arg11[%run_scoped3A_58, %dma_wait3A_147] : memref<8x128xi32, #tpu.memory_space<vmem>> -> memref<1x128xi32, #tpu.memory_space<vmem>>
        %dma_wait3A_149 = tpu.memref_squeeze %dma_wait3A_148 : memref<1x128xi32, #tpu.memory_space<vmem>> -> memref<128xi32, #tpu.memory_space<vmem>>
        %dma_wait3A_150 = arith.constant 0 : i32
        %dma_wait3A_151 = arith.constant 0 : i32
        %dma_wait3A_152 = tpu.memref_slice %arg13[%dma_wait3A_150, %dma_wait3A_151] : memref<10240x128xf32, #tpu.memory_space<vmem_shared>> -> memref<10240x128xf32, #tpu.memory_space<vmem_shared>>
        tpu.wait_indirect_dma semaphore(%run_scoped3A_140 : memref<!tpu.dma_semaphore, #tpu.memory_space<semaphore_mem>>) src(%arg12 : memref<128x128xf32, #tpu.memory_space<vmem>>) dst(%dma_wait3A_152 : memref<10240x128xf32, #tpu.memory_space<vmem_shared>>)
        tpu.yield
      }) : () -> ()
      %run_scoped3A_59 = arith.constant 2 : i32
      "tpu.region"() ({
        %run_scoped3A_140 = tpu.sem_alloc : memref<!tpu.dma_semaphore, #tpu.memory_space<semaphore_mem>>
        %dma_start3A_141 = arith.constant 0 : i32
        %dma_start3A_142 = tpu.memref_slice %arg11[%run_scoped3A_59, %dma_start3A_141] : memref<8x128xi32, #tpu.memory_space<vmem>> -> memref<1x128xi32, #tpu.memory_space<vmem>>
        %dma_start3A_143 = tpu.memref_squeeze %dma_start3A_142 : memref<1x128xi32, #tpu.memory_space<vmem>> -> memref<128xi32, #tpu.memory_space<vmem>>
        %dma_start3A_144 = arith.constant 0 : i32
        %dma_start3A_145 = arith.constant 0 : i32
        %dma_start3A_146 = tpu.memref_slice %arg16[%dma_start3A_144, %dma_start3A_145] : memref<10240x16xf32, #tpu.memory_space<vmem_shared>> -> memref<10240x16xf32, #tpu.memory_space<vmem_shared>>
        tpu.enqueue_indirect_dma source(%arg15 : memref<128x16xf32, #tpu.memory_space<vmem>>) target(%dma_start3A_146 : memref<10240x16xf32, #tpu.memory_space<vmem_shared>>) offsets(%dma_start3A_143 : memref<128xi32, #tpu.memory_space<vmem>>) semaphore(%run_scoped3A_140 : memref<!tpu.dma_semaphore, #tpu.memory_space<semaphore_mem>>) {add = true}
        %dma_wait3A_147 = arith.constant 0 : i32
        %dma_wait3A_148 = tpu.memref_slice %arg11[%run_scoped3A_59, %dma_wait3A_147] : memref<8x128xi32, #tpu.memory_space<vmem>> -> memref<1x128xi32, #tpu.memory_space<vmem>>
        %dma_wait3A_149 = tpu.memref_squeeze %dma_wait3A_148 : memref<1x128xi32, #tpu.memory_space<vmem>> -> memref<128xi32, #tpu.memory_space<vmem>>
        %dma_wait3A_150 = arith.constant 0 : i32
        %dma_wait3A_151 = arith.constant 0 : i32
        %dma_wait3A_152 = tpu.memref_slice %arg16[%dma_wait3A_150, %dma_wait3A_151] : memref<10240x16xf32, #tpu.memory_space<vmem_shared>> -> memref<10240x16xf32, #tpu.memory_space<vmem_shared>>
        tpu.wait_indirect_dma semaphore(%run_scoped3A_140 : memref<!tpu.dma_semaphore, #tpu.memory_space<semaphore_mem>>) src(%arg15 : memref<128x16xf32, #tpu.memory_space<vmem>>) dst(%dma_wait3A_152 : memref<10240x16xf32, #tpu.memory_space<vmem_shared>>)
        tpu.yield
      }) : () -> ()
      %dma_start3A_60 = arith.constant 3 : i32
      %dma_start3A_61 = arith.constant 0 : i32
      %dma_start3A_62 = tpu.memref_slice %arg10[%dma_start3A_60, %dma_start3A_61] : memref<8x128xi32, #tpu.memory_space<vmem>> -> memref<1x128xi32, #tpu.memory_space<vmem>>
      %dma_start3A_63 = tpu.memref_squeeze %dma_start3A_62 : memref<1x128xi32, #tpu.memory_space<vmem>> -> memref<128xi32, #tpu.memory_space<vmem>>
      %dma_start3A_64 = arith.constant 0 : i32
      %dma_start3A_65 = arith.constant 0 : i32
      %dma_start3A_66 = tpu.memref_slice %arg4[%dma_start3A_64, %dma_start3A_65] : memref<10000x128xf32, #tpu.memory_space<hbm>> -> memref<10000x128xf32, #tpu.memory_space<hbm>>
      tpu.enqueue_indirect_dma source(%dma_start3A_66 : memref<10000x128xf32, #tpu.memory_space<hbm>>) target(%arg12 : memref<128x128xf32, #tpu.memory_space<vmem>>) offsets(%dma_start3A_63 : memref<128xi32, #tpu.memory_space<vmem>>) semaphore(%arg14 : memref<!tpu.dma_semaphore, #tpu.memory_space<semaphore_mem>>)
      %dma_wait3A_67 = arith.constant 3 : i32
      %dma_wait3A_68 = arith.constant 0 : i32
      %dma_wait3A_69 = tpu.memref_slice %arg10[%dma_wait3A_67, %dma_wait3A_68] : memref<8x128xi32, #tpu.memory_space<vmem>> -> memref<1x128xi32, #tpu.memory_space<vmem>>
      %dma_wait3A_70 = tpu.memref_squeeze %dma_wait3A_69 : memref<1x128xi32, #tpu.memory_space<vmem>> -> memref<128xi32, #tpu.memory_space<vmem>>
      %dma_wait3A_71 = arith.constant 0 : i32
      %dma_wait3A_72 = arith.constant 0 : i32
      %dma_wait3A_73 = tpu.memref_slice %arg4[%dma_wait3A_71, %dma_wait3A_72] : memref<10000x128xf32, #tpu.memory_space<hbm>> -> memref<10000x128xf32, #tpu.memory_space<hbm>>
      tpu.wait_indirect_dma semaphore(%arg14 : memref<!tpu.dma_semaphore, #tpu.memory_space<semaphore_mem>>) src(%dma_wait3A_73 : memref<10000x128xf32, #tpu.memory_space<hbm>>) dst(%arg12 : memref<128x128xf32, #tpu.memory_space<vmem>>)
      %run_scoped3A_74 = arith.constant 3 : i32
      "tpu.region"() ({
        %run_scoped3A_140 = tpu.sem_alloc : memref<!tpu.dma_semaphore, #tpu.memory_space<semaphore_mem>>
        %dma_start3A_141 = arith.constant 0 : i32
        %dma_start3A_142 = tpu.memref_slice %arg11[%run_scoped3A_74, %dma_start3A_141] : memref<8x128xi32, #tpu.memory_space<vmem>> -> memref<1x128xi32, #tpu.memory_space<vmem>>
        %dma_start3A_143 = tpu.memref_squeeze %dma_start3A_142 : memref<1x128xi32, #tpu.memory_space<vmem>> -> memref<128xi32, #tpu.memory_space<vmem>>
        %dma_start3A_144 = arith.constant 0 : i32
        %dma_start3A_145 = arith.constant 0 : i32
        %dma_start3A_146 = tpu.memref_slice %arg13[%dma_start3A_144, %dma_start3A_145] : memref<10240x128xf32, #tpu.memory_space<vmem_shared>> -> memref<10240x128xf32, #tpu.memory_space<vmem_shared>>
        tpu.enqueue_indirect_dma source(%arg12 : memref<128x128xf32, #tpu.memory_space<vmem>>) target(%dma_start3A_146 : memref<10240x128xf32, #tpu.memory_space<vmem_shared>>) offsets(%dma_start3A_143 : memref<128xi32, #tpu.memory_space<vmem>>) semaphore(%run_scoped3A_140 : memref<!tpu.dma_semaphore, #tpu.memory_space<semaphore_mem>>) {add = true}
        %dma_wait3A_147 = arith.constant 0 : i32
        %dma_wait3A_148 = tpu.memref_slice %arg11[%run_scoped3A_74, %dma_wait3A_147] : memref<8x128xi32, #tpu.memory_space<vmem>> -> memref<1x128xi32, #tpu.memory_space<vmem>>
        %dma_wait3A_149 = tpu.memref_squeeze %dma_wait3A_148 : memref<1x128xi32, #tpu.memory_space<vmem>> -> memref<128xi32, #tpu.memory_space<vmem>>
        %dma_wait3A_150 = arith.constant 0 : i32
        %dma_wait3A_151 = arith.constant 0 : i32
        %dma_wait3A_152 = tpu.memref_slice %arg13[%dma_wait3A_150, %dma_wait3A_151] : memref<10240x128xf32, #tpu.memory_space<vmem_shared>> -> memref<10240x128xf32, #tpu.memory_space<vmem_shared>>
        tpu.wait_indirect_dma semaphore(%run_scoped3A_140 : memref<!tpu.dma_semaphore, #tpu.memory_space<semaphore_mem>>) src(%arg12 : memref<128x128xf32, #tpu.memory_space<vmem>>) dst(%dma_wait3A_152 : memref<10240x128xf32, #tpu.memory_space<vmem_shared>>)
        tpu.yield
      }) : () -> ()
      %run_scoped3A_75 = arith.constant 3 : i32
      "tpu.region"() ({
        %run_scoped3A_140 = tpu.sem_alloc : memref<!tpu.dma_semaphore, #tpu.memory_space<semaphore_mem>>
        %dma_start3A_141 = arith.constant 0 : i32
        %dma_start3A_142 = tpu.memref_slice %arg11[%run_scoped3A_75, %dma_start3A_141] : memref<8x128xi32, #tpu.memory_space<vmem>> -> memref<1x128xi32, #tpu.memory_space<vmem>>
        %dma_start3A_143 = tpu.memref_squeeze %dma_start3A_142 : memref<1x128xi32, #tpu.memory_space<vmem>> -> memref<128xi32, #tpu.memory_space<vmem>>
        %dma_start3A_144 = arith.constant 0 : i32
        %dma_start3A_145 = arith.constant 0 : i32
        %dma_start3A_146 = tpu.memref_slice %arg16[%dma_start3A_144, %dma_start3A_145] : memref<10240x16xf32, #tpu.memory_space<vmem_shared>> -> memref<10240x16xf32, #tpu.memory_space<vmem_shared>>
        tpu.enqueue_indirect_dma source(%arg15 : memref<128x16xf32, #tpu.memory_space<vmem>>) target(%dma_start3A_146 : memref<10240x16xf32, #tpu.memory_space<vmem_shared>>) offsets(%dma_start3A_143 : memref<128xi32, #tpu.memory_space<vmem>>) semaphore(%run_scoped3A_140 : memref<!tpu.dma_semaphore, #tpu.memory_space<semaphore_mem>>) {add = true}
        %dma_wait3A_147 = arith.constant 0 : i32
        %dma_wait3A_148 = tpu.memref_slice %arg11[%run_scoped3A_75, %dma_wait3A_147] : memref<8x128xi32, #tpu.memory_space<vmem>> -> memref<1x128xi32, #tpu.memory_space<vmem>>
        %dma_wait3A_149 = tpu.memref_squeeze %dma_wait3A_148 : memref<1x128xi32, #tpu.memory_space<vmem>> -> memref<128xi32, #tpu.memory_space<vmem>>
        %dma_wait3A_150 = arith.constant 0 : i32
        %dma_wait3A_151 = arith.constant 0 : i32
        %dma_wait3A_152 = tpu.memref_slice %arg16[%dma_wait3A_150, %dma_wait3A_151] : memref<10240x16xf32, #tpu.memory_space<vmem_shared>> -> memref<10240x16xf32, #tpu.memory_space<vmem_shared>>
        tpu.wait_indirect_dma semaphore(%run_scoped3A_140 : memref<!tpu.dma_semaphore, #tpu.memory_space<semaphore_mem>>) src(%arg15 : memref<128x16xf32, #tpu.memory_space<vmem>>) dst(%dma_wait3A_152 : memref<10240x16xf32, #tpu.memory_space<vmem_shared>>)
        tpu.yield
      }) : () -> ()
      %dma_start3A_76 = arith.constant 4 : i32
      %dma_start3A_77 = arith.constant 0 : i32
      %dma_start3A_78 = tpu.memref_slice %arg10[%dma_start3A_76, %dma_start3A_77] : memref<8x128xi32, #tpu.memory_space<vmem>> -> memref<1x128xi32, #tpu.memory_space<vmem>>
      %dma_start3A_79 = tpu.memref_squeeze %dma_start3A_78 : memref<1x128xi32, #tpu.memory_space<vmem>> -> memref<128xi32, #tpu.memory_space<vmem>>
      %dma_start3A_80 = arith.constant 0 : i32
      %dma_start3A_81 = arith.constant 0 : i32
      %dma_start3A_82 = tpu.memref_slice %arg4[%dma_start3A_80, %dma_start3A_81] : memref<10000x128xf32, #tpu.memory_space<hbm>> -> memref<10000x128xf32, #tpu.memory_space<hbm>>
      tpu.enqueue_indirect_dma source(%dma_start3A_82 : memref<10000x128xf32, #tpu.memory_space<hbm>>) target(%arg12 : memref<128x128xf32, #tpu.memory_space<vmem>>) offsets(%dma_start3A_79 : memref<128xi32, #tpu.memory_space<vmem>>) semaphore(%arg14 : memref<!tpu.dma_semaphore, #tpu.memory_space<semaphore_mem>>)
      %dma_wait3A_83 = arith.constant 4 : i32
      %dma_wait3A_84 = arith.constant 0 : i32
      %dma_wait3A_85 = tpu.memref_slice %arg10[%dma_wait3A_83, %dma_wait3A_84] : memref<8x128xi32, #tpu.memory_space<vmem>> -> memref<1x128xi32, #tpu.memory_space<vmem>>
      %dma_wait3A_86 = tpu.memref_squeeze %dma_wait3A_85 : memref<1x128xi32, #tpu.memory_space<vmem>> -> memref<128xi32, #tpu.memory_space<vmem>>
      %dma_wait3A_87 = arith.constant 0 : i32
      %dma_wait3A_88 = arith.constant 0 : i32
      %dma_wait3A_89 = tpu.memref_slice %arg4[%dma_wait3A_87, %dma_wait3A_88] : memref<10000x128xf32, #tpu.memory_space<hbm>> -> memref<10000x128xf32, #tpu.memory_space<hbm>>
      tpu.wait_indirect_dma semaphore(%arg14 : memref<!tpu.dma_semaphore, #tpu.memory_space<semaphore_mem>>) src(%dma_wait3A_89 : memref<10000x128xf32, #tpu.memory_space<hbm>>) dst(%arg12 : memref<128x128xf32, #tpu.memory_space<vmem>>)
      %run_scoped3A_90 = arith.constant 4 : i32
      "tpu.region"() ({
        %run_scoped3A_140 = tpu.sem_alloc : memref<!tpu.dma_semaphore, #tpu.memory_space<semaphore_mem>>
        %dma_start3A_141 = arith.constant 0 : i32
        %dma_start3A_142 = tpu.memref_slice %arg11[%run_scoped3A_90, %dma_start3A_141] : memref<8x128xi32, #tpu.memory_space<vmem>> -> memref<1x128xi32, #tpu.memory_space<vmem>>
        %dma_start3A_143 = tpu.memref_squeeze %dma_start3A_142 : memref<1x128xi32, #tpu.memory_space<vmem>> -> memref<128xi32, #tpu.memory_space<vmem>>
        %dma_start3A_144 = arith.constant 0 : i32
        %dma_start3A_145 = arith.constant 0 : i32
        %dma_start3A_146 = tpu.memref_slice %arg13[%dma_start3A_144, %dma_start3A_145] : memref<10240x128xf32, #tpu.memory_space<vmem_shared>> -> memref<10240x128xf32, #tpu.memory_space<vmem_shared>>
        tpu.enqueue_indirect_dma source(%arg12 : memref<128x128xf32, #tpu.memory_space<vmem>>) target(%dma_start3A_146 : memref<10240x128xf32, #tpu.memory_space<vmem_shared>>) offsets(%dma_start3A_143 : memref<128xi32, #tpu.memory_space<vmem>>) semaphore(%run_scoped3A_140 : memref<!tpu.dma_semaphore, #tpu.memory_space<semaphore_mem>>) {add = true}
        %dma_wait3A_147 = arith.constant 0 : i32
        %dma_wait3A_148 = tpu.memref_slice %arg11[%run_scoped3A_90, %dma_wait3A_147] : memref<8x128xi32, #tpu.memory_space<vmem>> -> memref<1x128xi32, #tpu.memory_space<vmem>>
        %dma_wait3A_149 = tpu.memref_squeeze %dma_wait3A_148 : memref<1x128xi32, #tpu.memory_space<vmem>> -> memref<128xi32, #tpu.memory_space<vmem>>
        %dma_wait3A_150 = arith.constant 0 : i32
        %dma_wait3A_151 = arith.constant 0 : i32
        %dma_wait3A_152 = tpu.memref_slice %arg13[%dma_wait3A_150, %dma_wait3A_151] : memref<10240x128xf32, #tpu.memory_space<vmem_shared>> -> memref<10240x128xf32, #tpu.memory_space<vmem_shared>>
        tpu.wait_indirect_dma semaphore(%run_scoped3A_140 : memref<!tpu.dma_semaphore, #tpu.memory_space<semaphore_mem>>) src(%arg12 : memref<128x128xf32, #tpu.memory_space<vmem>>) dst(%dma_wait3A_152 : memref<10240x128xf32, #tpu.memory_space<vmem_shared>>)
        tpu.yield
      }) : () -> ()
      %run_scoped3A_91 = arith.constant 4 : i32
      "tpu.region"() ({
        %run_scoped3A_140 = tpu.sem_alloc : memref<!tpu.dma_semaphore, #tpu.memory_space<semaphore_mem>>
        %dma_start3A_141 = arith.constant 0 : i32
        %dma_start3A_142 = tpu.memref_slice %arg11[%run_scoped3A_91, %dma_start3A_141] : memref<8x128xi32, #tpu.memory_space<vmem>> -> memref<1x128xi32, #tpu.memory_space<vmem>>
        %dma_start3A_143 = tpu.memref_squeeze %dma_start3A_142 : memref<1x128xi32, #tpu.memory_space<vmem>> -> memref<128xi32, #tpu.memory_space<vmem>>
        %dma_start3A_144 = arith.constant 0 : i32
        %dma_start3A_145 = arith.constant 0 : i32
        %dma_start3A_146 = tpu.memref_slice %arg16[%dma_start3A_144, %dma_start3A_145] : memref<10240x16xf32, #tpu.memory_space<vmem_shared>> -> memref<10240x16xf32, #tpu.memory_space<vmem_shared>>
        tpu.enqueue_indirect_dma source(%arg15 : memref<128x16xf32, #tpu.memory_space<vmem>>) target(%dma_start3A_146 : memref<10240x16xf32, #tpu.memory_space<vmem_shared>>) offsets(%dma_start3A_143 : memref<128xi32, #tpu.memory_space<vmem>>) semaphore(%run_scoped3A_140 : memref<!tpu.dma_semaphore, #tpu.memory_space<semaphore_mem>>) {add = true}
        %dma_wait3A_147 = arith.constant 0 : i32
        %dma_wait3A_148 = tpu.memref_slice %arg11[%run_scoped3A_91, %dma_wait3A_147] : memref<8x128xi32, #tpu.memory_space<vmem>> -> memref<1x128xi32, #tpu.memory_space<vmem>>
        %dma_wait3A_149 = tpu.memref_squeeze %dma_wait3A_148 : memref<1x128xi32, #tpu.memory_space<vmem>> -> memref<128xi32, #tpu.memory_space<vmem>>
        %dma_wait3A_150 = arith.constant 0 : i32
        %dma_wait3A_151 = arith.constant 0 : i32
        %dma_wait3A_152 = tpu.memref_slice %arg16[%dma_wait3A_150, %dma_wait3A_151] : memref<10240x16xf32, #tpu.memory_space<vmem_shared>> -> memref<10240x16xf32, #tpu.memory_space<vmem_shared>>
        tpu.wait_indirect_dma semaphore(%run_scoped3A_140 : memref<!tpu.dma_semaphore, #tpu.memory_space<semaphore_mem>>) src(%arg15 : memref<128x16xf32, #tpu.memory_space<vmem>>) dst(%dma_wait3A_152 : memref<10240x16xf32, #tpu.memory_space<vmem_shared>>)
        tpu.yield
      }) : () -> ()
      %dma_start3A_92 = arith.constant 5 : i32
      %dma_start3A_93 = arith.constant 0 : i32
      %dma_start3A_94 = tpu.memref_slice %arg10[%dma_start3A_92, %dma_start3A_93] : memref<8x128xi32, #tpu.memory_space<vmem>> -> memref<1x128xi32, #tpu.memory_space<vmem>>
      %dma_start3A_95 = tpu.memref_squeeze %dma_start3A_94 : memref<1x128xi32, #tpu.memory_space<vmem>> -> memref<128xi32, #tpu.memory_space<vmem>>
      %dma_start3A_96 = arith.constant 0 : i32
      %dma_start3A_97 = arith.constant 0 : i32
      %dma_start3A_98 = tpu.memref_slice %arg4[%dma_start3A_96, %dma_start3A_97] : memref<10000x128xf32, #tpu.memory_space<hbm>> -> memref<10000x128xf32, #tpu.memory_space<hbm>>
      tpu.enqueue_indirect_dma source(%dma_start3A_98 : memref<10000x128xf32, #tpu.memory_space<hbm>>) target(%arg12 : memref<128x128xf32, #tpu.memory_space<vmem>>) offsets(%dma_start3A_95 : memref<128xi32, #tpu.memory_space<vmem>>) semaphore(%arg14 : memref<!tpu.dma_semaphore, #tpu.memory_space<semaphore_mem>>)
      %dma_wait3A_99 = arith.constant 5 : i32
      %dma_wait3A_100 = arith.constant 0 : i32
      %dma_wait3A_101 = tpu.memref_slice %arg10[%dma_wait3A_99, %dma_wait3A_100] : memref<8x128xi32, #tpu.memory_space<vmem>> -> memref<1x128xi32, #tpu.memory_space<vmem>>
      %dma_wait3A_102 = tpu.memref_squeeze %dma_wait3A_101 : memref<1x128xi32, #tpu.memory_space<vmem>> -> memref<128xi32, #tpu.memory_space<vmem>>
      %dma_wait3A_103 = arith.constant 0 : i32
      %dma_wait3A_104 = arith.constant 0 : i32
      %dma_wait3A_105 = tpu.memref_slice %arg4[%dma_wait3A_103, %dma_wait3A_104] : memref<10000x128xf32, #tpu.memory_space<hbm>> -> memref<10000x128xf32, #tpu.memory_space<hbm>>
      tpu.wait_indirect_dma semaphore(%arg14 : memref<!tpu.dma_semaphore, #tpu.memory_space<semaphore_mem>>) src(%dma_wait3A_105 : memref<10000x128xf32, #tpu.memory_space<hbm>>) dst(%arg12 : memref<128x128xf32, #tpu.memory_space<vmem>>)
      %run_scoped3A_106 = arith.constant 5 : i32
      "tpu.region"() ({
        %run_scoped3A_140 = tpu.sem_alloc : memref<!tpu.dma_semaphore, #tpu.memory_space<semaphore_mem>>
        %dma_start3A_141 = arith.constant 0 : i32
        %dma_start3A_142 = tpu.memref_slice %arg11[%run_scoped3A_106, %dma_start3A_141] : memref<8x128xi32, #tpu.memory_space<vmem>> -> memref<1x128xi32, #tpu.memory_space<vmem>>
        %dma_start3A_143 = tpu.memref_squeeze %dma_start3A_142 : memref<1x128xi32, #tpu.memory_space<vmem>> -> memref<128xi32, #tpu.memory_space<vmem>>
        %dma_start3A_144 = arith.constant 0 : i32
        %dma_start3A_145 = arith.constant 0 : i32
        %dma_start3A_146 = tpu.memref_slice %arg13[%dma_start3A_144, %dma_start3A_145] : memref<10240x128xf32, #tpu.memory_space<vmem_shared>> -> memref<10240x128xf32, #tpu.memory_space<vmem_shared>>
        tpu.enqueue_indirect_dma source(%arg12 : memref<128x128xf32, #tpu.memory_space<vmem>>) target(%dma_start3A_146 : memref<10240x128xf32, #tpu.memory_space<vmem_shared>>) offsets(%dma_start3A_143 : memref<128xi32, #tpu.memory_space<vmem>>) semaphore(%run_scoped3A_140 : memref<!tpu.dma_semaphore, #tpu.memory_space<semaphore_mem>>) {add = true}
        %dma_wait3A_147 = arith.constant 0 : i32
        %dma_wait3A_148 = tpu.memref_slice %arg11[%run_scoped3A_106, %dma_wait3A_147] : memref<8x128xi32, #tpu.memory_space<vmem>> -> memref<1x128xi32, #tpu.memory_space<vmem>>
        %dma_wait3A_149 = tpu.memref_squeeze %dma_wait3A_148 : memref<1x128xi32, #tpu.memory_space<vmem>> -> memref<128xi32, #tpu.memory_space<vmem>>
        %dma_wait3A_150 = arith.constant 0 : i32
        %dma_wait3A_151 = arith.constant 0 : i32
        %dma_wait3A_152 = tpu.memref_slice %arg13[%dma_wait3A_150, %dma_wait3A_151] : memref<10240x128xf32, #tpu.memory_space<vmem_shared>> -> memref<10240x128xf32, #tpu.memory_space<vmem_shared>>
        tpu.wait_indirect_dma semaphore(%run_scoped3A_140 : memref<!tpu.dma_semaphore, #tpu.memory_space<semaphore_mem>>) src(%arg12 : memref<128x128xf32, #tpu.memory_space<vmem>>) dst(%dma_wait3A_152 : memref<10240x128xf32, #tpu.memory_space<vmem_shared>>)
        tpu.yield
      }) : () -> ()
      %run_scoped3A_107 = arith.constant 5 : i32
      "tpu.region"() ({
        %run_scoped3A_140 = tpu.sem_alloc : memref<!tpu.dma_semaphore, #tpu.memory_space<semaphore_mem>>
        %dma_start3A_141 = arith.constant 0 : i32
        %dma_start3A_142 = tpu.memref_slice %arg11[%run_scoped3A_107, %dma_start3A_141] : memref<8x128xi32, #tpu.memory_space<vmem>> -> memref<1x128xi32, #tpu.memory_space<vmem>>
        %dma_start3A_143 = tpu.memref_squeeze %dma_start3A_142 : memref<1x128xi32, #tpu.memory_space<vmem>> -> memref<128xi32, #tpu.memory_space<vmem>>
        %dma_start3A_144 = arith.constant 0 : i32
        %dma_start3A_145 = arith.constant 0 : i32
        %dma_start3A_146 = tpu.memref_slice %arg16[%dma_start3A_144, %dma_start3A_145] : memref<10240x16xf32, #tpu.memory_space<vmem_shared>> -> memref<10240x16xf32, #tpu.memory_space<vmem_shared>>
        tpu.enqueue_indirect_dma source(%arg15 : memref<128x16xf32, #tpu.memory_space<vmem>>) target(%dma_start3A_146 : memref<10240x16xf32, #tpu.memory_space<vmem_shared>>) offsets(%dma_start3A_143 : memref<128xi32, #tpu.memory_space<vmem>>) semaphore(%run_scoped3A_140 : memref<!tpu.dma_semaphore, #tpu.memory_space<semaphore_mem>>) {add = true}
        %dma_wait3A_147 = arith.constant 0 : i32
        %dma_wait3A_148 = tpu.memref_slice %arg11[%run_scoped3A_107, %dma_wait3A_147] : memref<8x128xi32, #tpu.memory_space<vmem>> -> memref<1x128xi32, #tpu.memory_space<vmem>>
        %dma_wait3A_149 = tpu.memref_squeeze %dma_wait3A_148 : memref<1x128xi32, #tpu.memory_space<vmem>> -> memref<128xi32, #tpu.memory_space<vmem>>
        %dma_wait3A_150 = arith.constant 0 : i32
        %dma_wait3A_151 = arith.constant 0 : i32
        %dma_wait3A_152 = tpu.memref_slice %arg16[%dma_wait3A_150, %dma_wait3A_151] : memref<10240x16xf32, #tpu.memory_space<vmem_shared>> -> memref<10240x16xf32, #tpu.memory_space<vmem_shared>>
        tpu.wait_indirect_dma semaphore(%run_scoped3A_140 : memref<!tpu.dma_semaphore, #tpu.memory_space<semaphore_mem>>) src(%arg15 : memref<128x16xf32, #tpu.memory_space<vmem>>) dst(%dma_wait3A_152 : memref<10240x16xf32, #tpu.memory_space<vmem_shared>>)
        tpu.yield
      }) : () -> ()
      %dma_start3A_108 = arith.constant 6 : i32
      %dma_start3A_109 = arith.constant 0 : i32
      %dma_start3A_110 = tpu.memref_slice %arg10[%dma_start3A_108, %dma_start3A_109] : memref<8x128xi32, #tpu.memory_space<vmem>> -> memref<1x128xi32, #tpu.memory_space<vmem>>
      %dma_start3A_111 = tpu.memref_squeeze %dma_start3A_110 : memref<1x128xi32, #tpu.memory_space<vmem>> -> memref<128xi32, #tpu.memory_space<vmem>>
      %dma_start3A_112 = arith.constant 0 : i32
      %dma_start3A_113 = arith.constant 0 : i32
      %dma_start3A_114 = tpu.memref_slice %arg4[%dma_start3A_112, %dma_start3A_113] : memref<10000x128xf32, #tpu.memory_space<hbm>> -> memref<10000x128xf32, #tpu.memory_space<hbm>>
      tpu.enqueue_indirect_dma source(%dma_start3A_114 : memref<10000x128xf32, #tpu.memory_space<hbm>>) target(%arg12 : memref<128x128xf32, #tpu.memory_space<vmem>>) offsets(%dma_start3A_111 : memref<128xi32, #tpu.memory_space<vmem>>) semaphore(%arg14 : memref<!tpu.dma_semaphore, #tpu.memory_space<semaphore_mem>>)
      %dma_wait3A_115 = arith.constant 6 : i32
      %dma_wait3A_116 = arith.constant 0 : i32
      %dma_wait3A_117 = tpu.memref_slice %arg10[%dma_wait3A_115, %dma_wait3A_116] : memref<8x128xi32, #tpu.memory_space<vmem>> -> memref<1x128xi32, #tpu.memory_space<vmem>>
      %dma_wait3A_118 = tpu.memref_squeeze %dma_wait3A_117 : memref<1x128xi32, #tpu.memory_space<vmem>> -> memref<128xi32, #tpu.memory_space<vmem>>
      %dma_wait3A_119 = arith.constant 0 : i32
      %dma_wait3A_120 = arith.constant 0 : i32
      %dma_wait3A_121 = tpu.memref_slice %arg4[%dma_wait3A_119, %dma_wait3A_120] : memref<10000x128xf32, #tpu.memory_space<hbm>> -> memref<10000x128xf32, #tpu.memory_space<hbm>>
      tpu.wait_indirect_dma semaphore(%arg14 : memref<!tpu.dma_semaphore, #tpu.memory_space<semaphore_mem>>) src(%dma_wait3A_121 : memref<10000x128xf32, #tpu.memory_space<hbm>>) dst(%arg12 : memref<128x128xf32, #tpu.memory_space<vmem>>)
      %run_scoped3A_122 = arith.constant 6 : i32
      "tpu.region"() ({
        %run_scoped3A_140 = tpu.sem_alloc : memref<!tpu.dma_semaphore, #tpu.memory_space<semaphore_mem>>
        %dma_start3A_141 = arith.constant 0 : i32
        %dma_start3A_142 = tpu.memref_slice %arg11[%run_scoped3A_122, %dma_start3A_141] : memref<8x128xi32, #tpu.memory_space<vmem>> -> memref<1x128xi32, #tpu.memory_space<vmem>>
        %dma_start3A_143 = tpu.memref_squeeze %dma_start3A_142 : memref<1x128xi32, #tpu.memory_space<vmem>> -> memref<128xi32, #tpu.memory_space<vmem>>
        %dma_start3A_144 = arith.constant 0 : i32
        %dma_start3A_145 = arith.constant 0 : i32
        %dma_start3A_146 = tpu.memref_slice %arg13[%dma_start3A_144, %dma_start3A_145] : memref<10240x128xf32, #tpu.memory_space<vmem_shared>> -> memref<10240x128xf32, #tpu.memory_space<vmem_shared>>
        tpu.enqueue_indirect_dma source(%arg12 : memref<128x128xf32, #tpu.memory_space<vmem>>) target(%dma_start3A_146 : memref<10240x128xf32, #tpu.memory_space<vmem_shared>>) offsets(%dma_start3A_143 : memref<128xi32, #tpu.memory_space<vmem>>) semaphore(%run_scoped3A_140 : memref<!tpu.dma_semaphore, #tpu.memory_space<semaphore_mem>>) {add = true}
        %dma_wait3A_147 = arith.constant 0 : i32
        %dma_wait3A_148 = tpu.memref_slice %arg11[%run_scoped3A_122, %dma_wait3A_147] : memref<8x128xi32, #tpu.memory_space<vmem>> -> memref<1x128xi32, #tpu.memory_space<vmem>>
        %dma_wait3A_149 = tpu.memref_squeeze %dma_wait3A_148 : memref<1x128xi32, #tpu.memory_space<vmem>> -> memref<128xi32, #tpu.memory_space<vmem>>
        %dma_wait3A_150 = arith.constant 0 : i32
        %dma_wait3A_151 = arith.constant 0 : i32
        %dma_wait3A_152 = tpu.memref_slice %arg13[%dma_wait3A_150, %dma_wait3A_151] : memref<10240x128xf32, #tpu.memory_space<vmem_shared>> -> memref<10240x128xf32, #tpu.memory_space<vmem_shared>>
        tpu.wait_indirect_dma semaphore(%run_scoped3A_140 : memref<!tpu.dma_semaphore, #tpu.memory_space<semaphore_mem>>) src(%arg12 : memref<128x128xf32, #tpu.memory_space<vmem>>) dst(%dma_wait3A_152 : memref<10240x128xf32, #tpu.memory_space<vmem_shared>>)
        tpu.yield
      }) : () -> ()
      %run_scoped3A_123 = arith.constant 6 : i32
      "tpu.region"() ({
        %run_scoped3A_140 = tpu.sem_alloc : memref<!tpu.dma_semaphore, #tpu.memory_space<semaphore_mem>>
        %dma_start3A_141 = arith.constant 0 : i32
        %dma_start3A_142 = tpu.memref_slice %arg11[%run_scoped3A_123, %dma_start3A_141] : memref<8x128xi32, #tpu.memory_space<vmem>> -> memref<1x128xi32, #tpu.memory_space<vmem>>
        %dma_start3A_143 = tpu.memref_squeeze %dma_start3A_142 : memref<1x128xi32, #tpu.memory_space<vmem>> -> memref<128xi32, #tpu.memory_space<vmem>>
        %dma_start3A_144 = arith.constant 0 : i32
        %dma_start3A_145 = arith.constant 0 : i32
        %dma_start3A_146 = tpu.memref_slice %arg16[%dma_start3A_144, %dma_start3A_145] : memref<10240x16xf32, #tpu.memory_space<vmem_shared>> -> memref<10240x16xf32, #tpu.memory_space<vmem_shared>>
        tpu.enqueue_indirect_dma source(%arg15 : memref<128x16xf32, #tpu.memory_space<vmem>>) target(%dma_start3A_146 : memref<10240x16xf32, #tpu.memory_space<vmem_shared>>) offsets(%dma_start3A_143 : memref<128xi32, #tpu.memory_space<vmem>>) semaphore(%run_scoped3A_140 : memref<!tpu.dma_semaphore, #tpu.memory_space<semaphore_mem>>) {add = true}
        %dma_wait3A_147 = arith.constant 0 : i32
        %dma_wait3A_148 = tpu.memref_slice %arg11[%run_scoped3A_123, %dma_wait3A_147] : memref<8x128xi32, #tpu.memory_space<vmem>> -> memref<1x128xi32, #tpu.memory_space<vmem>>
        %dma_wait3A_149 = tpu.memref_squeeze %dma_wait3A_148 : memref<1x128xi32, #tpu.memory_space<vmem>> -> memref<128xi32, #tpu.memory_space<vmem>>
        %dma_wait3A_150 = arith.constant 0 : i32
        %dma_wait3A_151 = arith.constant 0 : i32
        %dma_wait3A_152 = tpu.memref_slice %arg16[%dma_wait3A_150, %dma_wait3A_151] : memref<10240x16xf32, #tpu.memory_space<vmem_shared>> -> memref<10240x16xf32, #tpu.memory_space<vmem_shared>>
        tpu.wait_indirect_dma semaphore(%run_scoped3A_140 : memref<!tpu.dma_semaphore, #tpu.memory_space<semaphore_mem>>) src(%arg15 : memref<128x16xf32, #tpu.memory_space<vmem>>) dst(%dma_wait3A_152 : memref<10240x16xf32, #tpu.memory_space<vmem_shared>>)
        tpu.yield
      }) : () -> ()
      %dma_start3A_124 = arith.constant 7 : i32
      %dma_start3A_125 = arith.constant 0 : i32
      %dma_start3A_126 = tpu.memref_slice %arg10[%dma_start3A_124, %dma_start3A_125] : memref<8x128xi32, #tpu.memory_space<vmem>> -> memref<1x128xi32, #tpu.memory_space<vmem>>
      %dma_start3A_127 = tpu.memref_squeeze %dma_start3A_126 : memref<1x128xi32, #tpu.memory_space<vmem>> -> memref<128xi32, #tpu.memory_space<vmem>>
      %dma_start3A_128 = arith.constant 0 : i32
      %dma_start3A_129 = arith.constant 0 : i32
      %dma_start3A_130 = tpu.memref_slice %arg4[%dma_start3A_128, %dma_start3A_129] : memref<10000x128xf32, #tpu.memory_space<hbm>> -> memref<10000x128xf32, #tpu.memory_space<hbm>>
      tpu.enqueue_indirect_dma source(%dma_start3A_130 : memref<10000x128xf32, #tpu.memory_space<hbm>>) target(%arg12 : memref<128x128xf32, #tpu.memory_space<vmem>>) offsets(%dma_start3A_127 : memref<128xi32, #tpu.memory_space<vmem>>) semaphore(%arg14 : memref<!tpu.dma_semaphore, #tpu.memory_space<semaphore_mem>>)
      %dma_wait3A_131 = arith.constant 7 : i32
      %dma_wait3A_132 = arith.constant 0 : i32
      %dma_wait3A_133 = tpu.memref_slice %arg10[%dma_wait3A_131, %dma_wait3A_132] : memref<8x128xi32, #tpu.memory_space<vmem>> -> memref<1x128xi32, #tpu.memory_space<vmem>>
      %dma_wait3A_134 = tpu.memref_squeeze %dma_wait3A_133 : memref<1x128xi32, #tpu.memory_space<vmem>> -> memref<128xi32, #tpu.memory_space<vmem>>
      %dma_wait3A_135 = arith.constant 0 : i32
      %dma_wait3A_136 = arith.constant 0 : i32
      %dma_wait3A_137 = tpu.memref_slice %arg4[%dma_wait3A_135, %dma_wait3A_136] : memref<10000x128xf32, #tpu.memory_space<hbm>> -> memref<10000x128xf32, #tpu.memory_space<hbm>>
      tpu.wait_indirect_dma semaphore(%arg14 : memref<!tpu.dma_semaphore, #tpu.memory_space<semaphore_mem>>) src(%dma_wait3A_137 : memref<10000x128xf32, #tpu.memory_space<hbm>>) dst(%arg12 : memref<128x128xf32, #tpu.memory_space<vmem>>)
      %run_scoped3A_138 = arith.constant 7 : i32
      "tpu.region"() ({
        %run_scoped3A_140 = tpu.sem_alloc : memref<!tpu.dma_semaphore, #tpu.memory_space<semaphore_mem>>
        %dma_start3A_141 = arith.constant 0 : i32
        %dma_start3A_142 = tpu.memref_slice %arg11[%run_scoped3A_138, %dma_start3A_141] : memref<8x128xi32, #tpu.memory_space<vmem>> -> memref<1x128xi32, #tpu.memory_space<vmem>>
        %dma_start3A_143 = tpu.memref_squeeze %dma_start3A_142 : memref<1x128xi32, #tpu.memory_space<vmem>> -> memref<128xi32, #tpu.memory_space<vmem>>
        %dma_start3A_144 = arith.constant 0 : i32
        %dma_start3A_145 = arith.constant 0 : i32
        %dma_start3A_146 = tpu.memref_slice %arg13[%dma_start3A_144, %dma_start3A_145] : memref<10240x128xf32, #tpu.memory_space<vmem_shared>> -> memref<10240x128xf32, #tpu.memory_space<vmem_shared>>
        tpu.enqueue_indirect_dma source(%arg12 : memref<128x128xf32, #tpu.memory_space<vmem>>) target(%dma_start3A_146 : memref<10240x128xf32, #tpu.memory_space<vmem_shared>>) offsets(%dma_start3A_143 : memref<128xi32, #tpu.memory_space<vmem>>) semaphore(%run_scoped3A_140 : memref<!tpu.dma_semaphore, #tpu.memory_space<semaphore_mem>>) {add = true}
        %dma_wait3A_147 = arith.constant 0 : i32
        %dma_wait3A_148 = tpu.memref_slice %arg11[%run_scoped3A_138, %dma_wait3A_147] : memref<8x128xi32, #tpu.memory_space<vmem>> -> memref<1x128xi32, #tpu.memory_space<vmem>>
        %dma_wait3A_149 = tpu.memref_squeeze %dma_wait3A_148 : memref<1x128xi32, #tpu.memory_space<vmem>> -> memref<128xi32, #tpu.memory_space<vmem>>
        %dma_wait3A_150 = arith.constant 0 : i32
        %dma_wait3A_151 = arith.constant 0 : i32
        %dma_wait3A_152 = tpu.memref_slice %arg13[%dma_wait3A_150, %dma_wait3A_151] : memref<10240x128xf32, #tpu.memory_space<vmem_shared>> -> memref<10240x128xf32, #tpu.memory_space<vmem_shared>>
        tpu.wait_indirect_dma semaphore(%run_scoped3A_140 : memref<!tpu.dma_semaphore, #tpu.memory_space<semaphore_mem>>) src(%arg12 : memref<128x128xf32, #tpu.memory_space<vmem>>) dst(%dma_wait3A_152 : memref<10240x128xf32, #tpu.memory_space<vmem_shared>>)
        tpu.yield
      }) : () -> ()
      %run_scoped3A_139 = arith.constant 7 : i32
      "tpu.region"() ({
        %run_scoped3A_140 = tpu.sem_alloc : memref<!tpu.dma_semaphore, #tpu.memory_space<semaphore_mem>>
        %dma_start3A_141 = arith.constant 0 : i32
        %dma_start3A_142 = tpu.memref_slice %arg11[%run_scoped3A_139, %dma_start3A_141] : memref<8x128xi32, #tpu.memory_space<vmem>> -> memref<1x128xi32, #tpu.memory_space<vmem>>
        %dma_start3A_143 = tpu.memref_squeeze %dma_start3A_142 : memref<1x128xi32, #tpu.memory_space<vmem>> -> memref<128xi32, #tpu.memory_space<vmem>>
        %dma_start3A_144 = arith.constant 0 : i32
        %dma_start3A_145 = arith.constant 0 : i32
        %dma_start3A_146 = tpu.memref_slice %arg16[%dma_start3A_144, %dma_start3A_145] : memref<10240x16xf32, #tpu.memory_space<vmem_shared>> -> memref<10240x16xf32, #tpu.memory_space<vmem_shared>>
        tpu.enqueue_indirect_dma source(%arg15 : memref<128x16xf32, #tpu.memory_space<vmem>>) target(%dma_start3A_146 : memref<10240x16xf32, #tpu.memory_space<vmem_shared>>) offsets(%dma_start3A_143 : memref<128xi32, #tpu.memory_space<vmem>>) semaphore(%run_scoped3A_140 : memref<!tpu.dma_semaphore, #tpu.memory_space<semaphore_mem>>) {add = true}
        %dma_wait3A_147 = arith.constant 0 : i32
        %dma_wait3A_148 = tpu.memref_slice %arg11[%run_scoped3A_139, %dma_wait3A_147] : memref<8x128xi32, #tpu.memory_space<vmem>> -> memref<1x128xi32, #tpu.memory_space<vmem>>
        %dma_wait3A_149 = tpu.memref_squeeze %dma_wait3A_148 : memref<1x128xi32, #tpu.memory_space<vmem>> -> memref<128xi32, #tpu.memory_space<vmem>>
        %dma_wait3A_150 = arith.constant 0 : i32
        %dma_wait3A_151 = arith.constant 0 : i32
        %dma_wait3A_152 = tpu.memref_slice %arg16[%dma_wait3A_150, %dma_wait3A_151] : memref<10240x16xf32, #tpu.memory_space<vmem_shared>> -> memref<10240x16xf32, #tpu.memory_space<vmem_shared>>
        tpu.wait_indirect_dma semaphore(%run_scoped3A_140 : memref<!tpu.dma_semaphore, #tpu.memory_space<semaphore_mem>>) src(%arg15 : memref<128x16xf32, #tpu.memory_space<vmem>>) dst(%dma_wait3A_152 : memref<10240x16xf32, #tpu.memory_space<vmem_shared>>)
        tpu.yield
      }) : () -> ()
    }
    %scan3A_7 = arith.constant 10 : i32
    %barrier3A_8 = arith.constant 0 : index
    tpu.barrier barrier_id(%barrier3A_8)
    "tpu.region"() ({
      %run_scoped3A = tpu.sem_alloc : memref<!tpu.dma_semaphore, #tpu.memory_space<semaphore_mem>>
      %dma_start3A = arith.constant 0 : i32
      %dma_start3A_9 = tpu.memref_slice %arg8[%arg0, %mul3A_2, %dma_start3A] : memref<2x10240x128xf32, #tpu.memory_space<hbm>> -> memref<1x640x128xf32, #tpu.memory_space<hbm>>
      %dma_start3A_10 = tpu.memref_squeeze %dma_start3A_9 : memref<1x640x128xf32, #tpu.memory_space<hbm>> -> memref<640x128xf32, #tpu.memory_space<hbm>>
      %dma_start3A_11 = arith.constant 0 : i32
      %dma_start3A_12 = tpu.memref_slice %arg13[%mul3A_2, %dma_start3A_11] : memref<10240x128xf32, #tpu.memory_space<vmem_shared>> -> memref<640x128xf32, #tpu.memory_space<vmem_shared>>
      tpu.enqueue_dma source(%dma_start3A_12 : memref<640x128xf32, #tpu.memory_space<vmem_shared>>) target(%dma_start3A_10 : memref<640x128xf32, #tpu.memory_space<hbm>>) target_semaphore(%run_scoped3A : memref<!tpu.dma_semaphore, #tpu.memory_space<semaphore_mem>>)
      %dma_wait3A = arith.constant 0 : i32
      %dma_wait3A_13 = tpu.memref_slice %arg8[%arg0, %mul3A_2, %dma_wait3A] : memref<2x10240x128xf32, #tpu.memory_space<hbm>> -> memref<1x640x128xf32, #tpu.memory_space<hbm>>
      %dma_wait3A_14 = tpu.memref_squeeze %dma_wait3A_13 : memref<1x640x128xf32, #tpu.memory_space<hbm>> -> memref<640x128xf32, #tpu.memory_space<hbm>>
      %dma_wait3A_15 = arith.constant 0 : i32
      %dma_wait3A_16 = tpu.memref_slice %arg13[%mul3A_2, %dma_wait3A_15] : memref<10240x128xf32, #tpu.memory_space<vmem_shared>> -> memref<640x128xf32, #tpu.memory_space<vmem_shared>>
      tpu.wait_dma2 semaphore(%run_scoped3A : memref<!tpu.dma_semaphore, #tpu.memory_space<semaphore_mem>>) src(%dma_wait3A_16 : memref<640x128xf32, #tpu.memory_space<vmem_shared>>) dst(%dma_wait3A_14 : memref<640x128xf32, #tpu.memory_space<hbm>>)
      tpu.yield
    }) : () -> ()
    "tpu.region"() ({
      %run_scoped3A = tpu.sem_alloc : memref<!tpu.dma_semaphore, #tpu.memory_space<semaphore_mem>>
      %dma_start3A = arith.constant 0 : i32
      %dma_start3A_9 = tpu.memref_slice %arg9[%arg0, %mul3A_2, %dma_start3A] : memref<2x10240x16xf32, #tpu.memory_space<hbm>> -> memref<1x640x16xf32, #tpu.memory_space<hbm>>
      %dma_start3A_10 = tpu.memref_squeeze %dma_start3A_9 : memref<1x640x16xf32, #tpu.memory_space<hbm>> -> memref<640x16xf32, #tpu.memory_space<hbm>>
      %dma_start3A_11 = arith.constant 0 : i32
      %dma_start3A_12 = tpu.memref_slice %arg16[%mul3A_2, %dma_start3A_11] : memref<10240x16xf32, #tpu.memory_space<vmem_shared>> -> memref<640x16xf32, #tpu.memory_space<vmem_shared>>
      tpu.enqueue_dma source(%dma_start3A_12 : memref<640x16xf32, #tpu.memory_space<vmem_shared>>) target(%dma_start3A_10 : memref<640x16xf32, #tpu.memory_space<hbm>>) target_semaphore(%run_scoped3A : memref<!tpu.dma_semaphore, #tpu.memory_space<semaphore_mem>>)
      %dma_wait3A = arith.constant 0 : i32
      %dma_wait3A_13 = tpu.memref_slice %arg9[%arg0, %mul3A_2, %dma_wait3A] : memref<2x10240x16xf32, #tpu.memory_space<hbm>> -> memref<1x640x16xf32, #tpu.memory_space<hbm>>
      %dma_wait3A_14 = tpu.memref_squeeze %dma_wait3A_13 : memref<1x640x16xf32, #tpu.memory_space<hbm>> -> memref<640x16xf32, #tpu.memory_space<hbm>>
      %dma_wait3A_15 = arith.constant 0 : i32
      %dma_wait3A_16 = tpu.memref_slice %arg16[%mul3A_2, %dma_wait3A_15] : memref<10240x16xf32, #tpu.memory_space<vmem_shared>> -> memref<640x16xf32, #tpu.memory_space<vmem_shared>>
      tpu.wait_dma2 semaphore(%run_scoped3A : memref<!tpu.dma_semaphore, #tpu.memory_space<semaphore_mem>>) src(%dma_wait3A_16 : memref<640x16xf32, #tpu.memory_space<vmem_shared>>) dst(%dma_wait3A_14 : memref<640x16xf32, #tpu.memory_space<hbm>>)
      tpu.yield
    }) : () -> ()
    return
  }
}

#map = affine_map<(d0, d1) -> (0, 0)>
#map1 = affine_map<(d0, d1) -> (0, 0, 0)>
module attributes {stable_mosaic.version = 14 : i64} {
  func.func @body(%arg0: i32, %arg1: i32, %arg2: memref<2560x128xi32, #tpu.memory_space<hbm>>, %arg3: memref<2560x128xi32, #tpu.memory_space<hbm>>, %arg4: memref<10000x128xf32, #tpu.memory_space<hbm>>, %arg5: memref<10240x128xf32, #tpu.memory_space<hbm>>, %arg6: memref<2x10240x128xf32, #tpu.memory_space<hbm>>, %arg7: memref<8x128xi32, #tpu.memory_space<vmem>>, %arg8: memref<8x128xi32, #tpu.memory_space<vmem>>, %arg9: memref<128x128xf32, #tpu.memory_space<vmem>>, %arg10: memref<10240x128xf32, #tpu.memory_space<vmem_shared>>, %arg11: memref<!tpu.dma_semaphore, #tpu.memory_space<semaphore_mem>>) attributes {dimension_semantics = [#tpu.dimension_semantics<core_parallel>, #tpu.dimension_semantics<subcore_parallel>], iteration_bounds = array<i64: 2, 16>, scalar_prefetch = 0 : i64, scratch_operands = 5 : i64, tpu.core_type = #tpu.core_type<sc_vector_subcore>, window_params = [{transform_indices = #map}, {transform_indices = #map}, {transform_indices = #map}, {transform_indices = #map}, {transform_indices = #map1}]} {
    %mul3A = arith.constant 2 : i32
    %mul3A_0 = arith.muli %arg1, %mul3A : i32
    %add3A = arith.addi %mul3A_0, %arg0 : i32
    %mul3A_1 = arith.constant 640 : i32
    %mul3A_2 = arith.muli %arg1, %mul3A_1 : i32
    "tpu.region"() ({
      %run_scoped3A = tpu.sem_alloc : memref<!tpu.dma_semaphore, #tpu.memory_space<semaphore_mem>>
      %dma_start3A = arith.constant 0 : i32
      %dma_start3A_9 = tpu.memref_slice %arg10[%mul3A_2, %dma_start3A] : memref<10240x128xf32, #tpu.memory_space<vmem_shared>> -> memref<640x128xf32, #tpu.memory_space<vmem_shared>>
      %dma_start3A_10 = arith.constant 0 : i32
      %dma_start3A_11 = tpu.memref_slice %arg5[%mul3A_2, %dma_start3A_10] : memref<10240x128xf32, #tpu.memory_space<hbm>> -> memref<640x128xf32, #tpu.memory_space<hbm>>
      tpu.enqueue_dma source(%dma_start3A_11 : memref<640x128xf32, #tpu.memory_space<hbm>>) target(%dma_start3A_9 : memref<640x128xf32, #tpu.memory_space<vmem_shared>>) target_semaphore(%run_scoped3A : memref<!tpu.dma_semaphore, #tpu.memory_space<semaphore_mem>>)
      %dma_wait3A = arith.constant 0 : i32
      %dma_wait3A_12 = tpu.memref_slice %arg10[%mul3A_2, %dma_wait3A] : memref<10240x128xf32, #tpu.memory_space<vmem_shared>> -> memref<640x128xf32, #tpu.memory_space<vmem_shared>>
      %dma_wait3A_13 = arith.constant 0 : i32
      %dma_wait3A_14 = tpu.memref_slice %arg5[%mul3A_2, %dma_wait3A_13] : memref<10240x128xf32, #tpu.memory_space<hbm>> -> memref<640x128xf32, #tpu.memory_space<hbm>>
      tpu.wait_dma2 semaphore(%run_scoped3A : memref<!tpu.dma_semaphore, #tpu.memory_space<semaphore_mem>>) src(%dma_wait3A_14 : memref<640x128xf32, #tpu.memory_space<hbm>>) dst(%dma_wait3A_12 : memref<640x128xf32, #tpu.memory_space<vmem_shared>>)
      tpu.yield
    }) : () -> ()
    %barrier3A = arith.constant 0 : index
    tpu.barrier barrier_id(%barrier3A)
    %scan3A = arith.constant 0 : i32
    %scan3A_3 = arith.constant 0 : i32
    %scan3A_4 = arith.constant 10 : i32
    %scan3A_5 = arith.addi %scan3A_3, %scan3A_4 : i32
    %scan3A_6 = arith.constant 1 : i32
    scf.for %scan3A_9 = %scan3A_3 to %scan3A_5 step %scan3A_6  : i32 {
      %mul3A_10 = arith.constant 80 : i32
      %mul3A_11 = arith.muli %add3A, %mul3A_10 : i32
      %mul3A_12 = arith.constant 8 : i32
      %mul3A_13 = arith.muli %scan3A_9, %mul3A_12 : i32
      %add3A_14 = arith.addi %mul3A_11, %mul3A_13 : i32
      "tpu.region"() ({
        %run_scoped3A_132 = tpu.sem_alloc : memref<!tpu.dma_semaphore, #tpu.memory_space<semaphore_mem>>
        %dma_start3A_133 = arith.constant 0 : i32
        %dma_start3A_134 = tpu.memref_slice %arg2[%add3A_14, %dma_start3A_133] : memref<2560x128xi32, #tpu.memory_space<hbm>> -> memref<8x128xi32, #tpu.memory_space<hbm>>
        %dma_start3A_135 = arith.constant 0 : i32
        %dma_start3A_136 = tpu.memref_slice %arg2[%add3A_14, %dma_start3A_135] : memref<2560x128xi32, #tpu.memory_space<hbm>> -> memref<8x128xi32, #tpu.memory_space<hbm>>
        tpu.enqueue_dma source(%dma_start3A_136 : memref<8x128xi32, #tpu.memory_space<hbm>>) target(%arg7 : memref<8x128xi32, #tpu.memory_space<vmem>>) target_semaphore(%run_scoped3A_132 : memref<!tpu.dma_semaphore, #tpu.memory_space<semaphore_mem>>)
        %dma_wait3A_137 = arith.constant 0 : i32
        %dma_wait3A_138 = tpu.memref_slice %arg2[%add3A_14, %dma_wait3A_137] : memref<2560x128xi32, #tpu.memory_space<hbm>> -> memref<8x128xi32, #tpu.memory_space<hbm>>
        %dma_wait3A_139 = arith.constant 0 : i32
        %dma_wait3A_140 = tpu.memref_slice %arg2[%add3A_14, %dma_wait3A_139] : memref<2560x128xi32, #tpu.memory_space<hbm>> -> memref<8x128xi32, #tpu.memory_space<hbm>>
        tpu.wait_dma2 semaphore(%run_scoped3A_132 : memref<!tpu.dma_semaphore, #tpu.memory_space<semaphore_mem>>) src(%dma_wait3A_140 : memref<8x128xi32, #tpu.memory_space<hbm>>) dst(%arg7 : memref<8x128xi32, #tpu.memory_space<vmem>>)
        tpu.yield
      }) : () -> ()
      "tpu.region"() ({
        %run_scoped3A_132 = tpu.sem_alloc : memref<!tpu.dma_semaphore, #tpu.memory_space<semaphore_mem>>
        %dma_start3A_133 = arith.constant 0 : i32
        %dma_start3A_134 = tpu.memref_slice %arg3[%add3A_14, %dma_start3A_133] : memref<2560x128xi32, #tpu.memory_space<hbm>> -> memref<8x128xi32, #tpu.memory_space<hbm>>
        %dma_start3A_135 = arith.constant 0 : i32
        %dma_start3A_136 = tpu.memref_slice %arg3[%add3A_14, %dma_start3A_135] : memref<2560x128xi32, #tpu.memory_space<hbm>> -> memref<8x128xi32, #tpu.memory_space<hbm>>
        tpu.enqueue_dma source(%dma_start3A_136 : memref<8x128xi32, #tpu.memory_space<hbm>>) target(%arg8 : memref<8x128xi32, #tpu.memory_space<vmem>>) target_semaphore(%run_scoped3A_132 : memref<!tpu.dma_semaphore, #tpu.memory_space<semaphore_mem>>)
        %dma_wait3A_137 = arith.constant 0 : i32
        %dma_wait3A_138 = tpu.memref_slice %arg3[%add3A_14, %dma_wait3A_137] : memref<2560x128xi32, #tpu.memory_space<hbm>> -> memref<8x128xi32, #tpu.memory_space<hbm>>
        %dma_wait3A_139 = arith.constant 0 : i32
        %dma_wait3A_140 = tpu.memref_slice %arg3[%add3A_14, %dma_wait3A_139] : memref<2560x128xi32, #tpu.memory_space<hbm>> -> memref<8x128xi32, #tpu.memory_space<hbm>>
        tpu.wait_dma2 semaphore(%run_scoped3A_132 : memref<!tpu.dma_semaphore, #tpu.memory_space<semaphore_mem>>) src(%dma_wait3A_140 : memref<8x128xi32, #tpu.memory_space<hbm>>) dst(%arg8 : memref<8x128xi32, #tpu.memory_space<vmem>>)
        tpu.yield
      }) : () -> ()
      %dma_start3A = arith.constant 0 : i32
      %dma_start3A_15 = arith.constant 0 : i32
      %dma_start3A_16 = tpu.memref_slice %arg7[%dma_start3A, %dma_start3A_15] : memref<8x128xi32, #tpu.memory_space<vmem>> -> memref<1x128xi32, #tpu.memory_space<vmem>>
      %dma_start3A_17 = tpu.memref_squeeze %dma_start3A_16 : memref<1x128xi32, #tpu.memory_space<vmem>> -> memref<128xi32, #tpu.memory_space<vmem>>
      %dma_start3A_18 = arith.constant 0 : i32
      %dma_start3A_19 = arith.constant 0 : i32
      %dma_start3A_20 = tpu.memref_slice %arg4[%dma_start3A_18, %dma_start3A_19] : memref<10000x128xf32, #tpu.memory_space<hbm>> -> memref<10000x128xf32, #tpu.memory_space<hbm>>
      tpu.enqueue_indirect_dma source(%dma_start3A_20 : memref<10000x128xf32, #tpu.memory_space<hbm>>) target(%arg9 : memref<128x128xf32, #tpu.memory_space<vmem>>) offsets(%dma_start3A_17 : memref<128xi32, #tpu.memory_space<vmem>>) semaphore(%arg11 : memref<!tpu.dma_semaphore, #tpu.memory_space<semaphore_mem>>)
      %dma_wait3A = arith.constant 0 : i32
      %dma_wait3A_21 = arith.constant 0 : i32
      %dma_wait3A_22 = tpu.memref_slice %arg7[%dma_wait3A, %dma_wait3A_21] : memref<8x128xi32, #tpu.memory_space<vmem>> -> memref<1x128xi32, #tpu.memory_space<vmem>>
      %dma_wait3A_23 = tpu.memref_squeeze %dma_wait3A_22 : memref<1x128xi32, #tpu.memory_space<vmem>> -> memref<128xi32, #tpu.memory_space<vmem>>
      %dma_wait3A_24 = arith.constant 0 : i32
      %dma_wait3A_25 = arith.constant 0 : i32
      %dma_wait3A_26 = tpu.memref_slice %arg4[%dma_wait3A_24, %dma_wait3A_25] : memref<10000x128xf32, #tpu.memory_space<hbm>> -> memref<10000x128xf32, #tpu.memory_space<hbm>>
      tpu.wait_indirect_dma semaphore(%arg11 : memref<!tpu.dma_semaphore, #tpu.memory_space<semaphore_mem>>) src(%dma_wait3A_26 : memref<10000x128xf32, #tpu.memory_space<hbm>>) dst(%arg9 : memref<128x128xf32, #tpu.memory_space<vmem>>)
      %run_scoped3A = arith.constant 0 : i32
      "tpu.region"() ({
        %run_scoped3A_132 = tpu.sem_alloc : memref<!tpu.dma_semaphore, #tpu.memory_space<semaphore_mem>>
        %dma_start3A_133 = arith.constant 0 : i32
        %dma_start3A_134 = tpu.memref_slice %arg8[%run_scoped3A, %dma_start3A_133] : memref<8x128xi32, #tpu.memory_space<vmem>> -> memref<1x128xi32, #tpu.memory_space<vmem>>
        %dma_start3A_135 = tpu.memref_squeeze %dma_start3A_134 : memref<1x128xi32, #tpu.memory_space<vmem>> -> memref<128xi32, #tpu.memory_space<vmem>>
        %dma_start3A_136 = arith.constant 0 : i32
        %dma_start3A_137 = arith.constant 0 : i32
        %dma_start3A_138 = tpu.memref_slice %arg10[%dma_start3A_136, %dma_start3A_137] : memref<10240x128xf32, #tpu.memory_space<vmem_shared>> -> memref<10240x128xf32, #tpu.memory_space<vmem_shared>>
        tpu.enqueue_indirect_dma source(%arg9 : memref<128x128xf32, #tpu.memory_space<vmem>>) target(%dma_start3A_138 : memref<10240x128xf32, #tpu.memory_space<vmem_shared>>) offsets(%dma_start3A_135 : memref<128xi32, #tpu.memory_space<vmem>>) semaphore(%run_scoped3A_132 : memref<!tpu.dma_semaphore, #tpu.memory_space<semaphore_mem>>) {add = true}
        %dma_wait3A_139 = arith.constant 0 : i32
        %dma_wait3A_140 = tpu.memref_slice %arg8[%run_scoped3A, %dma_wait3A_139] : memref<8x128xi32, #tpu.memory_space<vmem>> -> memref<1x128xi32, #tpu.memory_space<vmem>>
        %dma_wait3A_141 = tpu.memref_squeeze %dma_wait3A_140 : memref<1x128xi32, #tpu.memory_space<vmem>> -> memref<128xi32, #tpu.memory_space<vmem>>
        %dma_wait3A_142 = arith.constant 0 : i32
        %dma_wait3A_143 = arith.constant 0 : i32
        %dma_wait3A_144 = tpu.memref_slice %arg10[%dma_wait3A_142, %dma_wait3A_143] : memref<10240x128xf32, #tpu.memory_space<vmem_shared>> -> memref<10240x128xf32, #tpu.memory_space<vmem_shared>>
        tpu.wait_indirect_dma semaphore(%run_scoped3A_132 : memref<!tpu.dma_semaphore, #tpu.memory_space<semaphore_mem>>) src(%arg9 : memref<128x128xf32, #tpu.memory_space<vmem>>) dst(%dma_wait3A_144 : memref<10240x128xf32, #tpu.memory_space<vmem_shared>>)
        tpu.yield
      }) : () -> ()
      %dma_start3A_27 = arith.constant 1 : i32
      %dma_start3A_28 = arith.constant 0 : i32
      %dma_start3A_29 = tpu.memref_slice %arg7[%dma_start3A_27, %dma_start3A_28] : memref<8x128xi32, #tpu.memory_space<vmem>> -> memref<1x128xi32, #tpu.memory_space<vmem>>
      %dma_start3A_30 = tpu.memref_squeeze %dma_start3A_29 : memref<1x128xi32, #tpu.memory_space<vmem>> -> memref<128xi32, #tpu.memory_space<vmem>>
      %dma_start3A_31 = arith.constant 0 : i32
      %dma_start3A_32 = arith.constant 0 : i32
      %dma_start3A_33 = tpu.memref_slice %arg4[%dma_start3A_31, %dma_start3A_32] : memref<10000x128xf32, #tpu.memory_space<hbm>> -> memref<10000x128xf32, #tpu.memory_space<hbm>>
      tpu.enqueue_indirect_dma source(%dma_start3A_33 : memref<10000x128xf32, #tpu.memory_space<hbm>>) target(%arg9 : memref<128x128xf32, #tpu.memory_space<vmem>>) offsets(%dma_start3A_30 : memref<128xi32, #tpu.memory_space<vmem>>) semaphore(%arg11 : memref<!tpu.dma_semaphore, #tpu.memory_space<semaphore_mem>>)
      %dma_wait3A_34 = arith.constant 1 : i32
      %dma_wait3A_35 = arith.constant 0 : i32
      %dma_wait3A_36 = tpu.memref_slice %arg7[%dma_wait3A_34, %dma_wait3A_35] : memref<8x128xi32, #tpu.memory_space<vmem>> -> memref<1x128xi32, #tpu.memory_space<vmem>>
      %dma_wait3A_37 = tpu.memref_squeeze %dma_wait3A_36 : memref<1x128xi32, #tpu.memory_space<vmem>> -> memref<128xi32, #tpu.memory_space<vmem>>
      %dma_wait3A_38 = arith.constant 0 : i32
      %dma_wait3A_39 = arith.constant 0 : i32
      %dma_wait3A_40 = tpu.memref_slice %arg4[%dma_wait3A_38, %dma_wait3A_39] : memref<10000x128xf32, #tpu.memory_space<hbm>> -> memref<10000x128xf32, #tpu.memory_space<hbm>>
      tpu.wait_indirect_dma semaphore(%arg11 : memref<!tpu.dma_semaphore, #tpu.memory_space<semaphore_mem>>) src(%dma_wait3A_40 : memref<10000x128xf32, #tpu.memory_space<hbm>>) dst(%arg9 : memref<128x128xf32, #tpu.memory_space<vmem>>)
      %run_scoped3A_41 = arith.constant 1 : i32
      "tpu.region"() ({
        %run_scoped3A_132 = tpu.sem_alloc : memref<!tpu.dma_semaphore, #tpu.memory_space<semaphore_mem>>
        %dma_start3A_133 = arith.constant 0 : i32
        %dma_start3A_134 = tpu.memref_slice %arg8[%run_scoped3A_41, %dma_start3A_133] : memref<8x128xi32, #tpu.memory_space<vmem>> -> memref<1x128xi32, #tpu.memory_space<vmem>>
        %dma_start3A_135 = tpu.memref_squeeze %dma_start3A_134 : memref<1x128xi32, #tpu.memory_space<vmem>> -> memref<128xi32, #tpu.memory_space<vmem>>
        %dma_start3A_136 = arith.constant 0 : i32
        %dma_start3A_137 = arith.constant 0 : i32
        %dma_start3A_138 = tpu.memref_slice %arg10[%dma_start3A_136, %dma_start3A_137] : memref<10240x128xf32, #tpu.memory_space<vmem_shared>> -> memref<10240x128xf32, #tpu.memory_space<vmem_shared>>
        tpu.enqueue_indirect_dma source(%arg9 : memref<128x128xf32, #tpu.memory_space<vmem>>) target(%dma_start3A_138 : memref<10240x128xf32, #tpu.memory_space<vmem_shared>>) offsets(%dma_start3A_135 : memref<128xi32, #tpu.memory_space<vmem>>) semaphore(%run_scoped3A_132 : memref<!tpu.dma_semaphore, #tpu.memory_space<semaphore_mem>>) {add = true}
        %dma_wait3A_139 = arith.constant 0 : i32
        %dma_wait3A_140 = tpu.memref_slice %arg8[%run_scoped3A_41, %dma_wait3A_139] : memref<8x128xi32, #tpu.memory_space<vmem>> -> memref<1x128xi32, #tpu.memory_space<vmem>>
        %dma_wait3A_141 = tpu.memref_squeeze %dma_wait3A_140 : memref<1x128xi32, #tpu.memory_space<vmem>> -> memref<128xi32, #tpu.memory_space<vmem>>
        %dma_wait3A_142 = arith.constant 0 : i32
        %dma_wait3A_143 = arith.constant 0 : i32
        %dma_wait3A_144 = tpu.memref_slice %arg10[%dma_wait3A_142, %dma_wait3A_143] : memref<10240x128xf32, #tpu.memory_space<vmem_shared>> -> memref<10240x128xf32, #tpu.memory_space<vmem_shared>>
        tpu.wait_indirect_dma semaphore(%run_scoped3A_132 : memref<!tpu.dma_semaphore, #tpu.memory_space<semaphore_mem>>) src(%arg9 : memref<128x128xf32, #tpu.memory_space<vmem>>) dst(%dma_wait3A_144 : memref<10240x128xf32, #tpu.memory_space<vmem_shared>>)
        tpu.yield
      }) : () -> ()
      %dma_start3A_42 = arith.constant 2 : i32
      %dma_start3A_43 = arith.constant 0 : i32
      %dma_start3A_44 = tpu.memref_slice %arg7[%dma_start3A_42, %dma_start3A_43] : memref<8x128xi32, #tpu.memory_space<vmem>> -> memref<1x128xi32, #tpu.memory_space<vmem>>
      %dma_start3A_45 = tpu.memref_squeeze %dma_start3A_44 : memref<1x128xi32, #tpu.memory_space<vmem>> -> memref<128xi32, #tpu.memory_space<vmem>>
      %dma_start3A_46 = arith.constant 0 : i32
      %dma_start3A_47 = arith.constant 0 : i32
      %dma_start3A_48 = tpu.memref_slice %arg4[%dma_start3A_46, %dma_start3A_47] : memref<10000x128xf32, #tpu.memory_space<hbm>> -> memref<10000x128xf32, #tpu.memory_space<hbm>>
      tpu.enqueue_indirect_dma source(%dma_start3A_48 : memref<10000x128xf32, #tpu.memory_space<hbm>>) target(%arg9 : memref<128x128xf32, #tpu.memory_space<vmem>>) offsets(%dma_start3A_45 : memref<128xi32, #tpu.memory_space<vmem>>) semaphore(%arg11 : memref<!tpu.dma_semaphore, #tpu.memory_space<semaphore_mem>>)
      %dma_wait3A_49 = arith.constant 2 : i32
      %dma_wait3A_50 = arith.constant 0 : i32
      %dma_wait3A_51 = tpu.memref_slice %arg7[%dma_wait3A_49, %dma_wait3A_50] : memref<8x128xi32, #tpu.memory_space<vmem>> -> memref<1x128xi32, #tpu.memory_space<vmem>>
      %dma_wait3A_52 = tpu.memref_squeeze %dma_wait3A_51 : memref<1x128xi32, #tpu.memory_space<vmem>> -> memref<128xi32, #tpu.memory_space<vmem>>
      %dma_wait3A_53 = arith.constant 0 : i32
      %dma_wait3A_54 = arith.constant 0 : i32
      %dma_wait3A_55 = tpu.memref_slice %arg4[%dma_wait3A_53, %dma_wait3A_54] : memref<10000x128xf32, #tpu.memory_space<hbm>> -> memref<10000x128xf32, #tpu.memory_space<hbm>>
      tpu.wait_indirect_dma semaphore(%arg11 : memref<!tpu.dma_semaphore, #tpu.memory_space<semaphore_mem>>) src(%dma_wait3A_55 : memref<10000x128xf32, #tpu.memory_space<hbm>>) dst(%arg9 : memref<128x128xf32, #tpu.memory_space<vmem>>)
      %run_scoped3A_56 = arith.constant 2 : i32
      "tpu.region"() ({
        %run_scoped3A_132 = tpu.sem_alloc : memref<!tpu.dma_semaphore, #tpu.memory_space<semaphore_mem>>
        %dma_start3A_133 = arith.constant 0 : i32
        %dma_start3A_134 = tpu.memref_slice %arg8[%run_scoped3A_56, %dma_start3A_133] : memref<8x128xi32, #tpu.memory_space<vmem>> -> memref<1x128xi32, #tpu.memory_space<vmem>>
        %dma_start3A_135 = tpu.memref_squeeze %dma_start3A_134 : memref<1x128xi32, #tpu.memory_space<vmem>> -> memref<128xi32, #tpu.memory_space<vmem>>
        %dma_start3A_136 = arith.constant 0 : i32
        %dma_start3A_137 = arith.constant 0 : i32
        %dma_start3A_138 = tpu.memref_slice %arg10[%dma_start3A_136, %dma_start3A_137] : memref<10240x128xf32, #tpu.memory_space<vmem_shared>> -> memref<10240x128xf32, #tpu.memory_space<vmem_shared>>
        tpu.enqueue_indirect_dma source(%arg9 : memref<128x128xf32, #tpu.memory_space<vmem>>) target(%dma_start3A_138 : memref<10240x128xf32, #tpu.memory_space<vmem_shared>>) offsets(%dma_start3A_135 : memref<128xi32, #tpu.memory_space<vmem>>) semaphore(%run_scoped3A_132 : memref<!tpu.dma_semaphore, #tpu.memory_space<semaphore_mem>>) {add = true}
        %dma_wait3A_139 = arith.constant 0 : i32
        %dma_wait3A_140 = tpu.memref_slice %arg8[%run_scoped3A_56, %dma_wait3A_139] : memref<8x128xi32, #tpu.memory_space<vmem>> -> memref<1x128xi32, #tpu.memory_space<vmem>>
        %dma_wait3A_141 = tpu.memref_squeeze %dma_wait3A_140 : memref<1x128xi32, #tpu.memory_space<vmem>> -> memref<128xi32, #tpu.memory_space<vmem>>
        %dma_wait3A_142 = arith.constant 0 : i32
        %dma_wait3A_143 = arith.constant 0 : i32
        %dma_wait3A_144 = tpu.memref_slice %arg10[%dma_wait3A_142, %dma_wait3A_143] : memref<10240x128xf32, #tpu.memory_space<vmem_shared>> -> memref<10240x128xf32, #tpu.memory_space<vmem_shared>>
        tpu.wait_indirect_dma semaphore(%run_scoped3A_132 : memref<!tpu.dma_semaphore, #tpu.memory_space<semaphore_mem>>) src(%arg9 : memref<128x128xf32, #tpu.memory_space<vmem>>) dst(%dma_wait3A_144 : memref<10240x128xf32, #tpu.memory_space<vmem_shared>>)
        tpu.yield
      }) : () -> ()
      %dma_start3A_57 = arith.constant 3 : i32
      %dma_start3A_58 = arith.constant 0 : i32
      %dma_start3A_59 = tpu.memref_slice %arg7[%dma_start3A_57, %dma_start3A_58] : memref<8x128xi32, #tpu.memory_space<vmem>> -> memref<1x128xi32, #tpu.memory_space<vmem>>
      %dma_start3A_60 = tpu.memref_squeeze %dma_start3A_59 : memref<1x128xi32, #tpu.memory_space<vmem>> -> memref<128xi32, #tpu.memory_space<vmem>>
      %dma_start3A_61 = arith.constant 0 : i32
      %dma_start3A_62 = arith.constant 0 : i32
      %dma_start3A_63 = tpu.memref_slice %arg4[%dma_start3A_61, %dma_start3A_62] : memref<10000x128xf32, #tpu.memory_space<hbm>> -> memref<10000x128xf32, #tpu.memory_space<hbm>>
      tpu.enqueue_indirect_dma source(%dma_start3A_63 : memref<10000x128xf32, #tpu.memory_space<hbm>>) target(%arg9 : memref<128x128xf32, #tpu.memory_space<vmem>>) offsets(%dma_start3A_60 : memref<128xi32, #tpu.memory_space<vmem>>) semaphore(%arg11 : memref<!tpu.dma_semaphore, #tpu.memory_space<semaphore_mem>>)
      %dma_wait3A_64 = arith.constant 3 : i32
      %dma_wait3A_65 = arith.constant 0 : i32
      %dma_wait3A_66 = tpu.memref_slice %arg7[%dma_wait3A_64, %dma_wait3A_65] : memref<8x128xi32, #tpu.memory_space<vmem>> -> memref<1x128xi32, #tpu.memory_space<vmem>>
      %dma_wait3A_67 = tpu.memref_squeeze %dma_wait3A_66 : memref<1x128xi32, #tpu.memory_space<vmem>> -> memref<128xi32, #tpu.memory_space<vmem>>
      %dma_wait3A_68 = arith.constant 0 : i32
      %dma_wait3A_69 = arith.constant 0 : i32
      %dma_wait3A_70 = tpu.memref_slice %arg4[%dma_wait3A_68, %dma_wait3A_69] : memref<10000x128xf32, #tpu.memory_space<hbm>> -> memref<10000x128xf32, #tpu.memory_space<hbm>>
      tpu.wait_indirect_dma semaphore(%arg11 : memref<!tpu.dma_semaphore, #tpu.memory_space<semaphore_mem>>) src(%dma_wait3A_70 : memref<10000x128xf32, #tpu.memory_space<hbm>>) dst(%arg9 : memref<128x128xf32, #tpu.memory_space<vmem>>)
      %run_scoped3A_71 = arith.constant 3 : i32
      "tpu.region"() ({
        %run_scoped3A_132 = tpu.sem_alloc : memref<!tpu.dma_semaphore, #tpu.memory_space<semaphore_mem>>
        %dma_start3A_133 = arith.constant 0 : i32
        %dma_start3A_134 = tpu.memref_slice %arg8[%run_scoped3A_71, %dma_start3A_133] : memref<8x128xi32, #tpu.memory_space<vmem>> -> memref<1x128xi32, #tpu.memory_space<vmem>>
        %dma_start3A_135 = tpu.memref_squeeze %dma_start3A_134 : memref<1x128xi32, #tpu.memory_space<vmem>> -> memref<128xi32, #tpu.memory_space<vmem>>
        %dma_start3A_136 = arith.constant 0 : i32
        %dma_start3A_137 = arith.constant 0 : i32
        %dma_start3A_138 = tpu.memref_slice %arg10[%dma_start3A_136, %dma_start3A_137] : memref<10240x128xf32, #tpu.memory_space<vmem_shared>> -> memref<10240x128xf32, #tpu.memory_space<vmem_shared>>
        tpu.enqueue_indirect_dma source(%arg9 : memref<128x128xf32, #tpu.memory_space<vmem>>) target(%dma_start3A_138 : memref<10240x128xf32, #tpu.memory_space<vmem_shared>>) offsets(%dma_start3A_135 : memref<128xi32, #tpu.memory_space<vmem>>) semaphore(%run_scoped3A_132 : memref<!tpu.dma_semaphore, #tpu.memory_space<semaphore_mem>>) {add = true}
        %dma_wait3A_139 = arith.constant 0 : i32
        %dma_wait3A_140 = tpu.memref_slice %arg8[%run_scoped3A_71, %dma_wait3A_139] : memref<8x128xi32, #tpu.memory_space<vmem>> -> memref<1x128xi32, #tpu.memory_space<vmem>>
        %dma_wait3A_141 = tpu.memref_squeeze %dma_wait3A_140 : memref<1x128xi32, #tpu.memory_space<vmem>> -> memref<128xi32, #tpu.memory_space<vmem>>
        %dma_wait3A_142 = arith.constant 0 : i32
        %dma_wait3A_143 = arith.constant 0 : i32
        %dma_wait3A_144 = tpu.memref_slice %arg10[%dma_wait3A_142, %dma_wait3A_143] : memref<10240x128xf32, #tpu.memory_space<vmem_shared>> -> memref<10240x128xf32, #tpu.memory_space<vmem_shared>>
        tpu.wait_indirect_dma semaphore(%run_scoped3A_132 : memref<!tpu.dma_semaphore, #tpu.memory_space<semaphore_mem>>) src(%arg9 : memref<128x128xf32, #tpu.memory_space<vmem>>) dst(%dma_wait3A_144 : memref<10240x128xf32, #tpu.memory_space<vmem_shared>>)
        tpu.yield
      }) : () -> ()
      %dma_start3A_72 = arith.constant 4 : i32
      %dma_start3A_73 = arith.constant 0 : i32
      %dma_start3A_74 = tpu.memref_slice %arg7[%dma_start3A_72, %dma_start3A_73] : memref<8x128xi32, #tpu.memory_space<vmem>> -> memref<1x128xi32, #tpu.memory_space<vmem>>
      %dma_start3A_75 = tpu.memref_squeeze %dma_start3A_74 : memref<1x128xi32, #tpu.memory_space<vmem>> -> memref<128xi32, #tpu.memory_space<vmem>>
      %dma_start3A_76 = arith.constant 0 : i32
      %dma_start3A_77 = arith.constant 0 : i32
      %dma_start3A_78 = tpu.memref_slice %arg4[%dma_start3A_76, %dma_start3A_77] : memref<10000x128xf32, #tpu.memory_space<hbm>> -> memref<10000x128xf32, #tpu.memory_space<hbm>>
      tpu.enqueue_indirect_dma source(%dma_start3A_78 : memref<10000x128xf32, #tpu.memory_space<hbm>>) target(%arg9 : memref<128x128xf32, #tpu.memory_space<vmem>>) offsets(%dma_start3A_75 : memref<128xi32, #tpu.memory_space<vmem>>) semaphore(%arg11 : memref<!tpu.dma_semaphore, #tpu.memory_space<semaphore_mem>>)
      %dma_wait3A_79 = arith.constant 4 : i32
      %dma_wait3A_80 = arith.constant 0 : i32
      %dma_wait3A_81 = tpu.memref_slice %arg7[%dma_wait3A_79, %dma_wait3A_80] : memref<8x128xi32, #tpu.memory_space<vmem>> -> memref<1x128xi32, #tpu.memory_space<vmem>>
      %dma_wait3A_82 = tpu.memref_squeeze %dma_wait3A_81 : memref<1x128xi32, #tpu.memory_space<vmem>> -> memref<128xi32, #tpu.memory_space<vmem>>
      %dma_wait3A_83 = arith.constant 0 : i32
      %dma_wait3A_84 = arith.constant 0 : i32
      %dma_wait3A_85 = tpu.memref_slice %arg4[%dma_wait3A_83, %dma_wait3A_84] : memref<10000x128xf32, #tpu.memory_space<hbm>> -> memref<10000x128xf32, #tpu.memory_space<hbm>>
      tpu.wait_indirect_dma semaphore(%arg11 : memref<!tpu.dma_semaphore, #tpu.memory_space<semaphore_mem>>) src(%dma_wait3A_85 : memref<10000x128xf32, #tpu.memory_space<hbm>>) dst(%arg9 : memref<128x128xf32, #tpu.memory_space<vmem>>)
      %run_scoped3A_86 = arith.constant 4 : i32
      "tpu.region"() ({
        %run_scoped3A_132 = tpu.sem_alloc : memref<!tpu.dma_semaphore, #tpu.memory_space<semaphore_mem>>
        %dma_start3A_133 = arith.constant 0 : i32
        %dma_start3A_134 = tpu.memref_slice %arg8[%run_scoped3A_86, %dma_start3A_133] : memref<8x128xi32, #tpu.memory_space<vmem>> -> memref<1x128xi32, #tpu.memory_space<vmem>>
        %dma_start3A_135 = tpu.memref_squeeze %dma_start3A_134 : memref<1x128xi32, #tpu.memory_space<vmem>> -> memref<128xi32, #tpu.memory_space<vmem>>
        %dma_start3A_136 = arith.constant 0 : i32
        %dma_start3A_137 = arith.constant 0 : i32
        %dma_start3A_138 = tpu.memref_slice %arg10[%dma_start3A_136, %dma_start3A_137] : memref<10240x128xf32, #tpu.memory_space<vmem_shared>> -> memref<10240x128xf32, #tpu.memory_space<vmem_shared>>
        tpu.enqueue_indirect_dma source(%arg9 : memref<128x128xf32, #tpu.memory_space<vmem>>) target(%dma_start3A_138 : memref<10240x128xf32, #tpu.memory_space<vmem_shared>>) offsets(%dma_start3A_135 : memref<128xi32, #tpu.memory_space<vmem>>) semaphore(%run_scoped3A_132 : memref<!tpu.dma_semaphore, #tpu.memory_space<semaphore_mem>>) {add = true}
        %dma_wait3A_139 = arith.constant 0 : i32
        %dma_wait3A_140 = tpu.memref_slice %arg8[%run_scoped3A_86, %dma_wait3A_139] : memref<8x128xi32, #tpu.memory_space<vmem>> -> memref<1x128xi32, #tpu.memory_space<vmem>>
        %dma_wait3A_141 = tpu.memref_squeeze %dma_wait3A_140 : memref<1x128xi32, #tpu.memory_space<vmem>> -> memref<128xi32, #tpu.memory_space<vmem>>
        %dma_wait3A_142 = arith.constant 0 : i32
        %dma_wait3A_143 = arith.constant 0 : i32
        %dma_wait3A_144 = tpu.memref_slice %arg10[%dma_wait3A_142, %dma_wait3A_143] : memref<10240x128xf32, #tpu.memory_space<vmem_shared>> -> memref<10240x128xf32, #tpu.memory_space<vmem_shared>>
        tpu.wait_indirect_dma semaphore(%run_scoped3A_132 : memref<!tpu.dma_semaphore, #tpu.memory_space<semaphore_mem>>) src(%arg9 : memref<128x128xf32, #tpu.memory_space<vmem>>) dst(%dma_wait3A_144 : memref<10240x128xf32, #tpu.memory_space<vmem_shared>>)
        tpu.yield
      }) : () -> ()
      %dma_start3A_87 = arith.constant 5 : i32
      %dma_start3A_88 = arith.constant 0 : i32
      %dma_start3A_89 = tpu.memref_slice %arg7[%dma_start3A_87, %dma_start3A_88] : memref<8x128xi32, #tpu.memory_space<vmem>> -> memref<1x128xi32, #tpu.memory_space<vmem>>
      %dma_start3A_90 = tpu.memref_squeeze %dma_start3A_89 : memref<1x128xi32, #tpu.memory_space<vmem>> -> memref<128xi32, #tpu.memory_space<vmem>>
      %dma_start3A_91 = arith.constant 0 : i32
      %dma_start3A_92 = arith.constant 0 : i32
      %dma_start3A_93 = tpu.memref_slice %arg4[%dma_start3A_91, %dma_start3A_92] : memref<10000x128xf32, #tpu.memory_space<hbm>> -> memref<10000x128xf32, #tpu.memory_space<hbm>>
      tpu.enqueue_indirect_dma source(%dma_start3A_93 : memref<10000x128xf32, #tpu.memory_space<hbm>>) target(%arg9 : memref<128x128xf32, #tpu.memory_space<vmem>>) offsets(%dma_start3A_90 : memref<128xi32, #tpu.memory_space<vmem>>) semaphore(%arg11 : memref<!tpu.dma_semaphore, #tpu.memory_space<semaphore_mem>>)
      %dma_wait3A_94 = arith.constant 5 : i32
      %dma_wait3A_95 = arith.constant 0 : i32
      %dma_wait3A_96 = tpu.memref_slice %arg7[%dma_wait3A_94, %dma_wait3A_95] : memref<8x128xi32, #tpu.memory_space<vmem>> -> memref<1x128xi32, #tpu.memory_space<vmem>>
      %dma_wait3A_97 = tpu.memref_squeeze %dma_wait3A_96 : memref<1x128xi32, #tpu.memory_space<vmem>> -> memref<128xi32, #tpu.memory_space<vmem>>
      %dma_wait3A_98 = arith.constant 0 : i32
      %dma_wait3A_99 = arith.constant 0 : i32
      %dma_wait3A_100 = tpu.memref_slice %arg4[%dma_wait3A_98, %dma_wait3A_99] : memref<10000x128xf32, #tpu.memory_space<hbm>> -> memref<10000x128xf32, #tpu.memory_space<hbm>>
      tpu.wait_indirect_dma semaphore(%arg11 : memref<!tpu.dma_semaphore, #tpu.memory_space<semaphore_mem>>) src(%dma_wait3A_100 : memref<10000x128xf32, #tpu.memory_space<hbm>>) dst(%arg9 : memref<128x128xf32, #tpu.memory_space<vmem>>)
      %run_scoped3A_101 = arith.constant 5 : i32
      "tpu.region"() ({
        %run_scoped3A_132 = tpu.sem_alloc : memref<!tpu.dma_semaphore, #tpu.memory_space<semaphore_mem>>
        %dma_start3A_133 = arith.constant 0 : i32
        %dma_start3A_134 = tpu.memref_slice %arg8[%run_scoped3A_101, %dma_start3A_133] : memref<8x128xi32, #tpu.memory_space<vmem>> -> memref<1x128xi32, #tpu.memory_space<vmem>>
        %dma_start3A_135 = tpu.memref_squeeze %dma_start3A_134 : memref<1x128xi32, #tpu.memory_space<vmem>> -> memref<128xi32, #tpu.memory_space<vmem>>
        %dma_start3A_136 = arith.constant 0 : i32
        %dma_start3A_137 = arith.constant 0 : i32
        %dma_start3A_138 = tpu.memref_slice %arg10[%dma_start3A_136, %dma_start3A_137] : memref<10240x128xf32, #tpu.memory_space<vmem_shared>> -> memref<10240x128xf32, #tpu.memory_space<vmem_shared>>
        tpu.enqueue_indirect_dma source(%arg9 : memref<128x128xf32, #tpu.memory_space<vmem>>) target(%dma_start3A_138 : memref<10240x128xf32, #tpu.memory_space<vmem_shared>>) offsets(%dma_start3A_135 : memref<128xi32, #tpu.memory_space<vmem>>) semaphore(%run_scoped3A_132 : memref<!tpu.dma_semaphore, #tpu.memory_space<semaphore_mem>>) {add = true}
        %dma_wait3A_139 = arith.constant 0 : i32
        %dma_wait3A_140 = tpu.memref_slice %arg8[%run_scoped3A_101, %dma_wait3A_139] : memref<8x128xi32, #tpu.memory_space<vmem>> -> memref<1x128xi32, #tpu.memory_space<vmem>>
        %dma_wait3A_141 = tpu.memref_squeeze %dma_wait3A_140 : memref<1x128xi32, #tpu.memory_space<vmem>> -> memref<128xi32, #tpu.memory_space<vmem>>
        %dma_wait3A_142 = arith.constant 0 : i32
        %dma_wait3A_143 = arith.constant 0 : i32
        %dma_wait3A_144 = tpu.memref_slice %arg10[%dma_wait3A_142, %dma_wait3A_143] : memref<10240x128xf32, #tpu.memory_space<vmem_shared>> -> memref<10240x128xf32, #tpu.memory_space<vmem_shared>>
        tpu.wait_indirect_dma semaphore(%run_scoped3A_132 : memref<!tpu.dma_semaphore, #tpu.memory_space<semaphore_mem>>) src(%arg9 : memref<128x128xf32, #tpu.memory_space<vmem>>) dst(%dma_wait3A_144 : memref<10240x128xf32, #tpu.memory_space<vmem_shared>>)
        tpu.yield
      }) : () -> ()
      %dma_start3A_102 = arith.constant 6 : i32
      %dma_start3A_103 = arith.constant 0 : i32
      %dma_start3A_104 = tpu.memref_slice %arg7[%dma_start3A_102, %dma_start3A_103] : memref<8x128xi32, #tpu.memory_space<vmem>> -> memref<1x128xi32, #tpu.memory_space<vmem>>
      %dma_start3A_105 = tpu.memref_squeeze %dma_start3A_104 : memref<1x128xi32, #tpu.memory_space<vmem>> -> memref<128xi32, #tpu.memory_space<vmem>>
      %dma_start3A_106 = arith.constant 0 : i32
      %dma_start3A_107 = arith.constant 0 : i32
      %dma_start3A_108 = tpu.memref_slice %arg4[%dma_start3A_106, %dma_start3A_107] : memref<10000x128xf32, #tpu.memory_space<hbm>> -> memref<10000x128xf32, #tpu.memory_space<hbm>>
      tpu.enqueue_indirect_dma source(%dma_start3A_108 : memref<10000x128xf32, #tpu.memory_space<hbm>>) target(%arg9 : memref<128x128xf32, #tpu.memory_space<vmem>>) offsets(%dma_start3A_105 : memref<128xi32, #tpu.memory_space<vmem>>) semaphore(%arg11 : memref<!tpu.dma_semaphore, #tpu.memory_space<semaphore_mem>>)
      %dma_wait3A_109 = arith.constant 6 : i32
      %dma_wait3A_110 = arith.constant 0 : i32
      %dma_wait3A_111 = tpu.memref_slice %arg7[%dma_wait3A_109, %dma_wait3A_110] : memref<8x128xi32, #tpu.memory_space<vmem>> -> memref<1x128xi32, #tpu.memory_space<vmem>>
      %dma_wait3A_112 = tpu.memref_squeeze %dma_wait3A_111 : memref<1x128xi32, #tpu.memory_space<vmem>> -> memref<128xi32, #tpu.memory_space<vmem>>
      %dma_wait3A_113 = arith.constant 0 : i32
      %dma_wait3A_114 = arith.constant 0 : i32
      %dma_wait3A_115 = tpu.memref_slice %arg4[%dma_wait3A_113, %dma_wait3A_114] : memref<10000x128xf32, #tpu.memory_space<hbm>> -> memref<10000x128xf32, #tpu.memory_space<hbm>>
      tpu.wait_indirect_dma semaphore(%arg11 : memref<!tpu.dma_semaphore, #tpu.memory_space<semaphore_mem>>) src(%dma_wait3A_115 : memref<10000x128xf32, #tpu.memory_space<hbm>>) dst(%arg9 : memref<128x128xf32, #tpu.memory_space<vmem>>)
      %run_scoped3A_116 = arith.constant 6 : i32
      "tpu.region"() ({
        %run_scoped3A_132 = tpu.sem_alloc : memref<!tpu.dma_semaphore, #tpu.memory_space<semaphore_mem>>
        %dma_start3A_133 = arith.constant 0 : i32
        %dma_start3A_134 = tpu.memref_slice %arg8[%run_scoped3A_116, %dma_start3A_133] : memref<8x128xi32, #tpu.memory_space<vmem>> -> memref<1x128xi32, #tpu.memory_space<vmem>>
        %dma_start3A_135 = tpu.memref_squeeze %dma_start3A_134 : memref<1x128xi32, #tpu.memory_space<vmem>> -> memref<128xi32, #tpu.memory_space<vmem>>
        %dma_start3A_136 = arith.constant 0 : i32
        %dma_start3A_137 = arith.constant 0 : i32
        %dma_start3A_138 = tpu.memref_slice %arg10[%dma_start3A_136, %dma_start3A_137] : memref<10240x128xf32, #tpu.memory_space<vmem_shared>> -> memref<10240x128xf32, #tpu.memory_space<vmem_shared>>
        tpu.enqueue_indirect_dma source(%arg9 : memref<128x128xf32, #tpu.memory_space<vmem>>) target(%dma_start3A_138 : memref<10240x128xf32, #tpu.memory_space<vmem_shared>>) offsets(%dma_start3A_135 : memref<128xi32, #tpu.memory_space<vmem>>) semaphore(%run_scoped3A_132 : memref<!tpu.dma_semaphore, #tpu.memory_space<semaphore_mem>>) {add = true}
        %dma_wait3A_139 = arith.constant 0 : i32
        %dma_wait3A_140 = tpu.memref_slice %arg8[%run_scoped3A_116, %dma_wait3A_139] : memref<8x128xi32, #tpu.memory_space<vmem>> -> memref<1x128xi32, #tpu.memory_space<vmem>>
        %dma_wait3A_141 = tpu.memref_squeeze %dma_wait3A_140 : memref<1x128xi32, #tpu.memory_space<vmem>> -> memref<128xi32, #tpu.memory_space<vmem>>
        %dma_wait3A_142 = arith.constant 0 : i32
        %dma_wait3A_143 = arith.constant 0 : i32
        %dma_wait3A_144 = tpu.memref_slice %arg10[%dma_wait3A_142, %dma_wait3A_143] : memref<10240x128xf32, #tpu.memory_space<vmem_shared>> -> memref<10240x128xf32, #tpu.memory_space<vmem_shared>>
        tpu.wait_indirect_dma semaphore(%run_scoped3A_132 : memref<!tpu.dma_semaphore, #tpu.memory_space<semaphore_mem>>) src(%arg9 : memref<128x128xf32, #tpu.memory_space<vmem>>) dst(%dma_wait3A_144 : memref<10240x128xf32, #tpu.memory_space<vmem_shared>>)
        tpu.yield
      }) : () -> ()
      %dma_start3A_117 = arith.constant 7 : i32
      %dma_start3A_118 = arith.constant 0 : i32
      %dma_start3A_119 = tpu.memref_slice %arg7[%dma_start3A_117, %dma_start3A_118] : memref<8x128xi32, #tpu.memory_space<vmem>> -> memref<1x128xi32, #tpu.memory_space<vmem>>
      %dma_start3A_120 = tpu.memref_squeeze %dma_start3A_119 : memref<1x128xi32, #tpu.memory_space<vmem>> -> memref<128xi32, #tpu.memory_space<vmem>>
      %dma_start3A_121 = arith.constant 0 : i32
      %dma_start3A_122 = arith.constant 0 : i32
      %dma_start3A_123 = tpu.memref_slice %arg4[%dma_start3A_121, %dma_start3A_122] : memref<10000x128xf32, #tpu.memory_space<hbm>> -> memref<10000x128xf32, #tpu.memory_space<hbm>>
      tpu.enqueue_indirect_dma source(%dma_start3A_123 : memref<10000x128xf32, #tpu.memory_space<hbm>>) target(%arg9 : memref<128x128xf32, #tpu.memory_space<vmem>>) offsets(%dma_start3A_120 : memref<128xi32, #tpu.memory_space<vmem>>) semaphore(%arg11 : memref<!tpu.dma_semaphore, #tpu.memory_space<semaphore_mem>>)
      %dma_wait3A_124 = arith.constant 7 : i32
      %dma_wait3A_125 = arith.constant 0 : i32
      %dma_wait3A_126 = tpu.memref_slice %arg7[%dma_wait3A_124, %dma_wait3A_125] : memref<8x128xi32, #tpu.memory_space<vmem>> -> memref<1x128xi32, #tpu.memory_space<vmem>>
      %dma_wait3A_127 = tpu.memref_squeeze %dma_wait3A_126 : memref<1x128xi32, #tpu.memory_space<vmem>> -> memref<128xi32, #tpu.memory_space<vmem>>
      %dma_wait3A_128 = arith.constant 0 : i32
      %dma_wait3A_129 = arith.constant 0 : i32
      %dma_wait3A_130 = tpu.memref_slice %arg4[%dma_wait3A_128, %dma_wait3A_129] : memref<10000x128xf32, #tpu.memory_space<hbm>> -> memref<10000x128xf32, #tpu.memory_space<hbm>>
      tpu.wait_indirect_dma semaphore(%arg11 : memref<!tpu.dma_semaphore, #tpu.memory_space<semaphore_mem>>) src(%dma_wait3A_130 : memref<10000x128xf32, #tpu.memory_space<hbm>>) dst(%arg9 : memref<128x128xf32, #tpu.memory_space<vmem>>)
      %run_scoped3A_131 = arith.constant 7 : i32
      "tpu.region"() ({
        %run_scoped3A_132 = tpu.sem_alloc : memref<!tpu.dma_semaphore, #tpu.memory_space<semaphore_mem>>
        %dma_start3A_133 = arith.constant 0 : i32
        %dma_start3A_134 = tpu.memref_slice %arg8[%run_scoped3A_131, %dma_start3A_133] : memref<8x128xi32, #tpu.memory_space<vmem>> -> memref<1x128xi32, #tpu.memory_space<vmem>>
        %dma_start3A_135 = tpu.memref_squeeze %dma_start3A_134 : memref<1x128xi32, #tpu.memory_space<vmem>> -> memref<128xi32, #tpu.memory_space<vmem>>
        %dma_start3A_136 = arith.constant 0 : i32
        %dma_start3A_137 = arith.constant 0 : i32
        %dma_start3A_138 = tpu.memref_slice %arg10[%dma_start3A_136, %dma_start3A_137] : memref<10240x128xf32, #tpu.memory_space<vmem_shared>> -> memref<10240x128xf32, #tpu.memory_space<vmem_shared>>
        tpu.enqueue_indirect_dma source(%arg9 : memref<128x128xf32, #tpu.memory_space<vmem>>) target(%dma_start3A_138 : memref<10240x128xf32, #tpu.memory_space<vmem_shared>>) offsets(%dma_start3A_135 : memref<128xi32, #tpu.memory_space<vmem>>) semaphore(%run_scoped3A_132 : memref<!tpu.dma_semaphore, #tpu.memory_space<semaphore_mem>>) {add = true}
        %dma_wait3A_139 = arith.constant 0 : i32
        %dma_wait3A_140 = tpu.memref_slice %arg8[%run_scoped3A_131, %dma_wait3A_139] : memref<8x128xi32, #tpu.memory_space<vmem>> -> memref<1x128xi32, #tpu.memory_space<vmem>>
        %dma_wait3A_141 = tpu.memref_squeeze %dma_wait3A_140 : memref<1x128xi32, #tpu.memory_space<vmem>> -> memref<128xi32, #tpu.memory_space<vmem>>
        %dma_wait3A_142 = arith.constant 0 : i32
        %dma_wait3A_143 = arith.constant 0 : i32
        %dma_wait3A_144 = tpu.memref_slice %arg10[%dma_wait3A_142, %dma_wait3A_143] : memref<10240x128xf32, #tpu.memory_space<vmem_shared>> -> memref<10240x128xf32, #tpu.memory_space<vmem_shared>>
        tpu.wait_indirect_dma semaphore(%run_scoped3A_132 : memref<!tpu.dma_semaphore, #tpu.memory_space<semaphore_mem>>) src(%arg9 : memref<128x128xf32, #tpu.memory_space<vmem>>) dst(%dma_wait3A_144 : memref<10240x128xf32, #tpu.memory_space<vmem_shared>>)
        tpu.yield
      }) : () -> ()
    }
    %scan3A_7 = arith.constant 10 : i32
    %barrier3A_8 = arith.constant 0 : index
    tpu.barrier barrier_id(%barrier3A_8)
    "tpu.region"() ({
      %run_scoped3A = tpu.sem_alloc : memref<!tpu.dma_semaphore, #tpu.memory_space<semaphore_mem>>
      %dma_start3A = arith.constant 0 : i32
      %dma_start3A_9 = tpu.memref_slice %arg6[%arg0, %mul3A_2, %dma_start3A] : memref<2x10240x128xf32, #tpu.memory_space<hbm>> -> memref<1x640x128xf32, #tpu.memory_space<hbm>>
      %dma_start3A_10 = tpu.memref_squeeze %dma_start3A_9 : memref<1x640x128xf32, #tpu.memory_space<hbm>> -> memref<640x128xf32, #tpu.memory_space<hbm>>
      %dma_start3A_11 = arith.constant 0 : i32
      %dma_start3A_12 = tpu.memref_slice %arg10[%mul3A_2, %dma_start3A_11] : memref<10240x128xf32, #tpu.memory_space<vmem_shared>> -> memref<640x128xf32, #tpu.memory_space<vmem_shared>>
      tpu.enqueue_dma source(%dma_start3A_12 : memref<640x128xf32, #tpu.memory_space<vmem_shared>>) target(%dma_start3A_10 : memref<640x128xf32, #tpu.memory_space<hbm>>) target_semaphore(%run_scoped3A : memref<!tpu.dma_semaphore, #tpu.memory_space<semaphore_mem>>)
      %dma_wait3A = arith.constant 0 : i32
      %dma_wait3A_13 = tpu.memref_slice %arg6[%arg0, %mul3A_2, %dma_wait3A] : memref<2x10240x128xf32, #tpu.memory_space<hbm>> -> memref<1x640x128xf32, #tpu.memory_space<hbm>>
      %dma_wait3A_14 = tpu.memref_squeeze %dma_wait3A_13 : memref<1x640x128xf32, #tpu.memory_space<hbm>> -> memref<640x128xf32, #tpu.memory_space<hbm>>
      %dma_wait3A_15 = arith.constant 0 : i32
      %dma_wait3A_16 = tpu.memref_slice %arg10[%mul3A_2, %dma_wait3A_15] : memref<10240x128xf32, #tpu.memory_space<vmem_shared>> -> memref<640x128xf32, #tpu.memory_space<vmem_shared>>
      tpu.wait_dma2 semaphore(%run_scoped3A : memref<!tpu.dma_semaphore, #tpu.memory_space<semaphore_mem>>) src(%dma_wait3A_16 : memref<640x128xf32, #tpu.memory_space<vmem_shared>>) dst(%dma_wait3A_14 : memref<640x128xf32, #tpu.memory_space<hbm>>)
      tpu.yield
    }) : () -> ()
    return
  }
}

#map = affine_map<(d0, d1) -> (0, 0)>
#map1 = affine_map<(d0, d1) -> (0, 0, 0)>
module attributes {stable_mosaic.version = 14 : i64} {
  func.func @body(%arg0: i32, %arg1: i32, %arg2: memref<2560x128xi32, #tpu.memory_space<hbm>>, %arg3: memref<2560x128xi32, #tpu.memory_space<hbm>>, %arg4: memref<10000x48xf32, #tpu.memory_space<hbm>>, %arg5: memref<10240x48xf32, #tpu.memory_space<hbm>>, %arg6: memref<2x10240x48xf32, #tpu.memory_space<hbm>>, %arg7: memref<8x128xi32, #tpu.memory_space<vmem>>, %arg8: memref<8x128xi32, #tpu.memory_space<vmem>>, %arg9: memref<128x48xf32, #tpu.memory_space<vmem>>, %arg10: memref<10240x48xf32, #tpu.memory_space<vmem_shared>>, %arg11: memref<!tpu.dma_semaphore, #tpu.memory_space<semaphore_mem>>) attributes {dimension_semantics = [#tpu.dimension_semantics<core_parallel>, #tpu.dimension_semantics<subcore_parallel>], iteration_bounds = array<i64: 2, 16>, scalar_prefetch = 0 : i64, scratch_operands = 5 : i64, tpu.core_type = #tpu.core_type<sc_vector_subcore>, window_params = [{transform_indices = #map}, {transform_indices = #map}, {transform_indices = #map}, {transform_indices = #map}, {transform_indices = #map1}]} {
    %mul3A = arith.constant 2 : i32
    %mul3A_0 = arith.muli %arg1, %mul3A : i32
    %add3A = arith.addi %mul3A_0, %arg0 : i32
    %mul3A_1 = arith.constant 640 : i32
    %mul3A_2 = arith.muli %arg1, %mul3A_1 : i32
    "tpu.region"() ({
      %run_scoped3A = tpu.sem_alloc : memref<!tpu.dma_semaphore, #tpu.memory_space<semaphore_mem>>
      %dma_start3A = arith.constant 0 : i32
      %dma_start3A_9 = tpu.memref_slice %arg10[%mul3A_2, %dma_start3A] : memref<10240x48xf32, #tpu.memory_space<vmem_shared>> -> memref<640x48xf32, #tpu.memory_space<vmem_shared>>
      %dma_start3A_10 = arith.constant 0 : i32
      %dma_start3A_11 = tpu.memref_slice %arg5[%mul3A_2, %dma_start3A_10] : memref<10240x48xf32, #tpu.memory_space<hbm>> -> memref<640x48xf32, #tpu.memory_space<hbm>>
      tpu.enqueue_dma source(%dma_start3A_11 : memref<640x48xf32, #tpu.memory_space<hbm>>) target(%dma_start3A_9 : memref<640x48xf32, #tpu.memory_space<vmem_shared>>) target_semaphore(%run_scoped3A : memref<!tpu.dma_semaphore, #tpu.memory_space<semaphore_mem>>)
      %dma_wait3A = arith.constant 0 : i32
      %dma_wait3A_12 = tpu.memref_slice %arg10[%mul3A_2, %dma_wait3A] : memref<10240x48xf32, #tpu.memory_space<vmem_shared>> -> memref<640x48xf32, #tpu.memory_space<vmem_shared>>
      %dma_wait3A_13 = arith.constant 0 : i32
      %dma_wait3A_14 = tpu.memref_slice %arg5[%mul3A_2, %dma_wait3A_13] : memref<10240x48xf32, #tpu.memory_space<hbm>> -> memref<640x48xf32, #tpu.memory_space<hbm>>
      tpu.wait_dma2 semaphore(%run_scoped3A : memref<!tpu.dma_semaphore, #tpu.memory_space<semaphore_mem>>) src(%dma_wait3A_14 : memref<640x48xf32, #tpu.memory_space<hbm>>) dst(%dma_wait3A_12 : memref<640x48xf32, #tpu.memory_space<vmem_shared>>)
      tpu.yield
    }) : () -> ()
    %barrier3A = arith.constant 0 : index
    tpu.barrier barrier_id(%barrier3A)
    %scan3A = arith.constant 0 : i32
    %scan3A_3 = arith.constant 0 : i32
    %scan3A_4 = arith.constant 10 : i32
    %scan3A_5 = arith.addi %scan3A_3, %scan3A_4 : i32
    %scan3A_6 = arith.constant 1 : i32
    scf.for %scan3A_9 = %scan3A_3 to %scan3A_5 step %scan3A_6  : i32 {
      %mul3A_10 = arith.constant 80 : i32
      %mul3A_11 = arith.muli %add3A, %mul3A_10 : i32
      %mul3A_12 = arith.constant 8 : i32
      %mul3A_13 = arith.muli %scan3A_9, %mul3A_12 : i32
      %add3A_14 = arith.addi %mul3A_11, %mul3A_13 : i32
      "tpu.region"() ({
        %run_scoped3A_132 = tpu.sem_alloc : memref<!tpu.dma_semaphore, #tpu.memory_space<semaphore_mem>>
        %dma_start3A_133 = arith.constant 0 : i32
        %dma_start3A_134 = tpu.memref_slice %arg2[%add3A_14, %dma_start3A_133] : memref<2560x128xi32, #tpu.memory_space<hbm>> -> memref<8x128xi32, #tpu.memory_space<hbm>>
        %dma_start3A_135 = arith.constant 0 : i32
        %dma_start3A_136 = tpu.memref_slice %arg2[%add3A_14, %dma_start3A_135] : memref<2560x128xi32, #tpu.memory_space<hbm>> -> memref<8x128xi32, #tpu.memory_space<hbm>>
        tpu.enqueue_dma source(%dma_start3A_136 : memref<8x128xi32, #tpu.memory_space<hbm>>) target(%arg7 : memref<8x128xi32, #tpu.memory_space<vmem>>) target_semaphore(%run_scoped3A_132 : memref<!tpu.dma_semaphore, #tpu.memory_space<semaphore_mem>>)
        %dma_wait3A_137 = arith.constant 0 : i32
        %dma_wait3A_138 = tpu.memref_slice %arg2[%add3A_14, %dma_wait3A_137] : memref<2560x128xi32, #tpu.memory_space<hbm>> -> memref<8x128xi32, #tpu.memory_space<hbm>>
        %dma_wait3A_139 = arith.constant 0 : i32
        %dma_wait3A_140 = tpu.memref_slice %arg2[%add3A_14, %dma_wait3A_139] : memref<2560x128xi32, #tpu.memory_space<hbm>> -> memref<8x128xi32, #tpu.memory_space<hbm>>
        tpu.wait_dma2 semaphore(%run_scoped3A_132 : memref<!tpu.dma_semaphore, #tpu.memory_space<semaphore_mem>>) src(%dma_wait3A_140 : memref<8x128xi32, #tpu.memory_space<hbm>>) dst(%arg7 : memref<8x128xi32, #tpu.memory_space<vmem>>)
        tpu.yield
      }) : () -> ()
      "tpu.region"() ({
        %run_scoped3A_132 = tpu.sem_alloc : memref<!tpu.dma_semaphore, #tpu.memory_space<semaphore_mem>>
        %dma_start3A_133 = arith.constant 0 : i32
        %dma_start3A_134 = tpu.memref_slice %arg3[%add3A_14, %dma_start3A_133] : memref<2560x128xi32, #tpu.memory_space<hbm>> -> memref<8x128xi32, #tpu.memory_space<hbm>>
        %dma_start3A_135 = arith.constant 0 : i32
        %dma_start3A_136 = tpu.memref_slice %arg3[%add3A_14, %dma_start3A_135] : memref<2560x128xi32, #tpu.memory_space<hbm>> -> memref<8x128xi32, #tpu.memory_space<hbm>>
        tpu.enqueue_dma source(%dma_start3A_136 : memref<8x128xi32, #tpu.memory_space<hbm>>) target(%arg8 : memref<8x128xi32, #tpu.memory_space<vmem>>) target_semaphore(%run_scoped3A_132 : memref<!tpu.dma_semaphore, #tpu.memory_space<semaphore_mem>>)
        %dma_wait3A_137 = arith.constant 0 : i32
        %dma_wait3A_138 = tpu.memref_slice %arg3[%add3A_14, %dma_wait3A_137] : memref<2560x128xi32, #tpu.memory_space<hbm>> -> memref<8x128xi32, #tpu.memory_space<hbm>>
        %dma_wait3A_139 = arith.constant 0 : i32
        %dma_wait3A_140 = tpu.memref_slice %arg3[%add3A_14, %dma_wait3A_139] : memref<2560x128xi32, #tpu.memory_space<hbm>> -> memref<8x128xi32, #tpu.memory_space<hbm>>
        tpu.wait_dma2 semaphore(%run_scoped3A_132 : memref<!tpu.dma_semaphore, #tpu.memory_space<semaphore_mem>>) src(%dma_wait3A_140 : memref<8x128xi32, #tpu.memory_space<hbm>>) dst(%arg8 : memref<8x128xi32, #tpu.memory_space<vmem>>)
        tpu.yield
      }) : () -> ()
      %dma_start3A = arith.constant 0 : i32
      %dma_start3A_15 = arith.constant 0 : i32
      %dma_start3A_16 = tpu.memref_slice %arg7[%dma_start3A, %dma_start3A_15] : memref<8x128xi32, #tpu.memory_space<vmem>> -> memref<1x128xi32, #tpu.memory_space<vmem>>
      %dma_start3A_17 = tpu.memref_squeeze %dma_start3A_16 : memref<1x128xi32, #tpu.memory_space<vmem>> -> memref<128xi32, #tpu.memory_space<vmem>>
      %dma_start3A_18 = arith.constant 0 : i32
      %dma_start3A_19 = arith.constant 0 : i32
      %dma_start3A_20 = tpu.memref_slice %arg4[%dma_start3A_18, %dma_start3A_19] : memref<10000x48xf32, #tpu.memory_space<hbm>> -> memref<10000x48xf32, #tpu.memory_space<hbm>>
      tpu.enqueue_indirect_dma source(%dma_start3A_20 : memref<10000x48xf32, #tpu.memory_space<hbm>>) target(%arg9 : memref<128x48xf32, #tpu.memory_space<vmem>>) offsets(%dma_start3A_17 : memref<128xi32, #tpu.memory_space<vmem>>) semaphore(%arg11 : memref<!tpu.dma_semaphore, #tpu.memory_space<semaphore_mem>>)
      %dma_wait3A = arith.constant 0 : i32
      %dma_wait3A_21 = arith.constant 0 : i32
      %dma_wait3A_22 = tpu.memref_slice %arg7[%dma_wait3A, %dma_wait3A_21] : memref<8x128xi32, #tpu.memory_space<vmem>> -> memref<1x128xi32, #tpu.memory_space<vmem>>
      %dma_wait3A_23 = tpu.memref_squeeze %dma_wait3A_22 : memref<1x128xi32, #tpu.memory_space<vmem>> -> memref<128xi32, #tpu.memory_space<vmem>>
      %dma_wait3A_24 = arith.constant 0 : i32
      %dma_wait3A_25 = arith.constant 0 : i32
      %dma_wait3A_26 = tpu.memref_slice %arg4[%dma_wait3A_24, %dma_wait3A_25] : memref<10000x48xf32, #tpu.memory_space<hbm>> -> memref<10000x48xf32, #tpu.memory_space<hbm>>
      tpu.wait_indirect_dma semaphore(%arg11 : memref<!tpu.dma_semaphore, #tpu.memory_space<semaphore_mem>>) src(%dma_wait3A_26 : memref<10000x48xf32, #tpu.memory_space<hbm>>) dst(%arg9 : memref<128x48xf32, #tpu.memory_space<vmem>>)
      %run_scoped3A = arith.constant 0 : i32
      "tpu.region"() ({
        %run_scoped3A_132 = tpu.sem_alloc : memref<!tpu.dma_semaphore, #tpu.memory_space<semaphore_mem>>
        %dma_start3A_133 = arith.constant 0 : i32
        %dma_start3A_134 = tpu.memref_slice %arg8[%run_scoped3A, %dma_start3A_133] : memref<8x128xi32, #tpu.memory_space<vmem>> -> memref<1x128xi32, #tpu.memory_space<vmem>>
        %dma_start3A_135 = tpu.memref_squeeze %dma_start3A_134 : memref<1x128xi32, #tpu.memory_space<vmem>> -> memref<128xi32, #tpu.memory_space<vmem>>
        %dma_start3A_136 = arith.constant 0 : i32
        %dma_start3A_137 = arith.constant 0 : i32
        %dma_start3A_138 = tpu.memref_slice %arg10[%dma_start3A_136, %dma_start3A_137] : memref<10240x48xf32, #tpu.memory_space<vmem_shared>> -> memref<10240x48xf32, #tpu.memory_space<vmem_shared>>
        tpu.enqueue_indirect_dma source(%arg9 : memref<128x48xf32, #tpu.memory_space<vmem>>) target(%dma_start3A_138 : memref<10240x48xf32, #tpu.memory_space<vmem_shared>>) offsets(%dma_start3A_135 : memref<128xi32, #tpu.memory_space<vmem>>) semaphore(%run_scoped3A_132 : memref<!tpu.dma_semaphore, #tpu.memory_space<semaphore_mem>>) {add = true}
        %dma_wait3A_139 = arith.constant 0 : i32
        %dma_wait3A_140 = tpu.memref_slice %arg8[%run_scoped3A, %dma_wait3A_139] : memref<8x128xi32, #tpu.memory_space<vmem>> -> memref<1x128xi32, #tpu.memory_space<vmem>>
        %dma_wait3A_141 = tpu.memref_squeeze %dma_wait3A_140 : memref<1x128xi32, #tpu.memory_space<vmem>> -> memref<128xi32, #tpu.memory_space<vmem>>
        %dma_wait3A_142 = arith.constant 0 : i32
        %dma_wait3A_143 = arith.constant 0 : i32
        %dma_wait3A_144 = tpu.memref_slice %arg10[%dma_wait3A_142, %dma_wait3A_143] : memref<10240x48xf32, #tpu.memory_space<vmem_shared>> -> memref<10240x48xf32, #tpu.memory_space<vmem_shared>>
        tpu.wait_indirect_dma semaphore(%run_scoped3A_132 : memref<!tpu.dma_semaphore, #tpu.memory_space<semaphore_mem>>) src(%arg9 : memref<128x48xf32, #tpu.memory_space<vmem>>) dst(%dma_wait3A_144 : memref<10240x48xf32, #tpu.memory_space<vmem_shared>>)
        tpu.yield
      }) : () -> ()
      %dma_start3A_27 = arith.constant 1 : i32
      %dma_start3A_28 = arith.constant 0 : i32
      %dma_start3A_29 = tpu.memref_slice %arg7[%dma_start3A_27, %dma_start3A_28] : memref<8x128xi32, #tpu.memory_space<vmem>> -> memref<1x128xi32, #tpu.memory_space<vmem>>
      %dma_start3A_30 = tpu.memref_squeeze %dma_start3A_29 : memref<1x128xi32, #tpu.memory_space<vmem>> -> memref<128xi32, #tpu.memory_space<vmem>>
      %dma_start3A_31 = arith.constant 0 : i32
      %dma_start3A_32 = arith.constant 0 : i32
      %dma_start3A_33 = tpu.memref_slice %arg4[%dma_start3A_31, %dma_start3A_32] : memref<10000x48xf32, #tpu.memory_space<hbm>> -> memref<10000x48xf32, #tpu.memory_space<hbm>>
      tpu.enqueue_indirect_dma source(%dma_start3A_33 : memref<10000x48xf32, #tpu.memory_space<hbm>>) target(%arg9 : memref<128x48xf32, #tpu.memory_space<vmem>>) offsets(%dma_start3A_30 : memref<128xi32, #tpu.memory_space<vmem>>) semaphore(%arg11 : memref<!tpu.dma_semaphore, #tpu.memory_space<semaphore_mem>>)
      %dma_wait3A_34 = arith.constant 1 : i32
      %dma_wait3A_35 = arith.constant 0 : i32
      %dma_wait3A_36 = tpu.memref_slice %arg7[%dma_wait3A_34, %dma_wait3A_35] : memref<8x128xi32, #tpu.memory_space<vmem>> -> memref<1x128xi32, #tpu.memory_space<vmem>>
      %dma_wait3A_37 = tpu.memref_squeeze %dma_wait3A_36 : memref<1x128xi32, #tpu.memory_space<vmem>> -> memref<128xi32, #tpu.memory_space<vmem>>
      %dma_wait3A_38 = arith.constant 0 : i32
      %dma_wait3A_39 = arith.constant 0 : i32
      %dma_wait3A_40 = tpu.memref_slice %arg4[%dma_wait3A_38, %dma_wait3A_39] : memref<10000x48xf32, #tpu.memory_space<hbm>> -> memref<10000x48xf32, #tpu.memory_space<hbm>>
      tpu.wait_indirect_dma semaphore(%arg11 : memref<!tpu.dma_semaphore, #tpu.memory_space<semaphore_mem>>) src(%dma_wait3A_40 : memref<10000x48xf32, #tpu.memory_space<hbm>>) dst(%arg9 : memref<128x48xf32, #tpu.memory_space<vmem>>)
      %run_scoped3A_41 = arith.constant 1 : i32
      "tpu.region"() ({
        %run_scoped3A_132 = tpu.sem_alloc : memref<!tpu.dma_semaphore, #tpu.memory_space<semaphore_mem>>
        %dma_start3A_133 = arith.constant 0 : i32
        %dma_start3A_134 = tpu.memref_slice %arg8[%run_scoped3A_41, %dma_start3A_133] : memref<8x128xi32, #tpu.memory_space<vmem>> -> memref<1x128xi32, #tpu.memory_space<vmem>>
        %dma_start3A_135 = tpu.memref_squeeze %dma_start3A_134 : memref<1x128xi32, #tpu.memory_space<vmem>> -> memref<128xi32, #tpu.memory_space<vmem>>
        %dma_start3A_136 = arith.constant 0 : i32
        %dma_start3A_137 = arith.constant 0 : i32
        %dma_start3A_138 = tpu.memref_slice %arg10[%dma_start3A_136, %dma_start3A_137] : memref<10240x48xf32, #tpu.memory_space<vmem_shared>> -> memref<10240x48xf32, #tpu.memory_space<vmem_shared>>
        tpu.enqueue_indirect_dma source(%arg9 : memref<128x48xf32, #tpu.memory_space<vmem>>) target(%dma_start3A_138 : memref<10240x48xf32, #tpu.memory_space<vmem_shared>>) offsets(%dma_start3A_135 : memref<128xi32, #tpu.memory_space<vmem>>) semaphore(%run_scoped3A_132 : memref<!tpu.dma_semaphore, #tpu.memory_space<semaphore_mem>>) {add = true}
        %dma_wait3A_139 = arith.constant 0 : i32
        %dma_wait3A_140 = tpu.memref_slice %arg8[%run_scoped3A_41, %dma_wait3A_139] : memref<8x128xi32, #tpu.memory_space<vmem>> -> memref<1x128xi32, #tpu.memory_space<vmem>>
        %dma_wait3A_141 = tpu.memref_squeeze %dma_wait3A_140 : memref<1x128xi32, #tpu.memory_space<vmem>> -> memref<128xi32, #tpu.memory_space<vmem>>
        %dma_wait3A_142 = arith.constant 0 : i32
        %dma_wait3A_143 = arith.constant 0 : i32
        %dma_wait3A_144 = tpu.memref_slice %arg10[%dma_wait3A_142, %dma_wait3A_143] : memref<10240x48xf32, #tpu.memory_space<vmem_shared>> -> memref<10240x48xf32, #tpu.memory_space<vmem_shared>>
        tpu.wait_indirect_dma semaphore(%run_scoped3A_132 : memref<!tpu.dma_semaphore, #tpu.memory_space<semaphore_mem>>) src(%arg9 : memref<128x48xf32, #tpu.memory_space<vmem>>) dst(%dma_wait3A_144 : memref<10240x48xf32, #tpu.memory_space<vmem_shared>>)
        tpu.yield
      }) : () -> ()
      %dma_start3A_42 = arith.constant 2 : i32
      %dma_start3A_43 = arith.constant 0 : i32
      %dma_start3A_44 = tpu.memref_slice %arg7[%dma_start3A_42, %dma_start3A_43] : memref<8x128xi32, #tpu.memory_space<vmem>> -> memref<1x128xi32, #tpu.memory_space<vmem>>
      %dma_start3A_45 = tpu.memref_squeeze %dma_start3A_44 : memref<1x128xi32, #tpu.memory_space<vmem>> -> memref<128xi32, #tpu.memory_space<vmem>>
      %dma_start3A_46 = arith.constant 0 : i32
      %dma_start3A_47 = arith.constant 0 : i32
      %dma_start3A_48 = tpu.memref_slice %arg4[%dma_start3A_46, %dma_start3A_47] : memref<10000x48xf32, #tpu.memory_space<hbm>> -> memref<10000x48xf32, #tpu.memory_space<hbm>>
      tpu.enqueue_indirect_dma source(%dma_start3A_48 : memref<10000x48xf32, #tpu.memory_space<hbm>>) target(%arg9 : memref<128x48xf32, #tpu.memory_space<vmem>>) offsets(%dma_start3A_45 : memref<128xi32, #tpu.memory_space<vmem>>) semaphore(%arg11 : memref<!tpu.dma_semaphore, #tpu.memory_space<semaphore_mem>>)
      %dma_wait3A_49 = arith.constant 2 : i32
      %dma_wait3A_50 = arith.constant 0 : i32
      %dma_wait3A_51 = tpu.memref_slice %arg7[%dma_wait3A_49, %dma_wait3A_50] : memref<8x128xi32, #tpu.memory_space<vmem>> -> memref<1x128xi32, #tpu.memory_space<vmem>>
      %dma_wait3A_52 = tpu.memref_squeeze %dma_wait3A_51 : memref<1x128xi32, #tpu.memory_space<vmem>> -> memref<128xi32, #tpu.memory_space<vmem>>
      %dma_wait3A_53 = arith.constant 0 : i32
      %dma_wait3A_54 = arith.constant 0 : i32
      %dma_wait3A_55 = tpu.memref_slice %arg4[%dma_wait3A_53, %dma_wait3A_54] : memref<10000x48xf32, #tpu.memory_space<hbm>> -> memref<10000x48xf32, #tpu.memory_space<hbm>>
      tpu.wait_indirect_dma semaphore(%arg11 : memref<!tpu.dma_semaphore, #tpu.memory_space<semaphore_mem>>) src(%dma_wait3A_55 : memref<10000x48xf32, #tpu.memory_space<hbm>>) dst(%arg9 : memref<128x48xf32, #tpu.memory_space<vmem>>)
      %run_scoped3A_56 = arith.constant 2 : i32
      "tpu.region"() ({
        %run_scoped3A_132 = tpu.sem_alloc : memref<!tpu.dma_semaphore, #tpu.memory_space<semaphore_mem>>
        %dma_start3A_133 = arith.constant 0 : i32
        %dma_start3A_134 = tpu.memref_slice %arg8[%run_scoped3A_56, %dma_start3A_133] : memref<8x128xi32, #tpu.memory_space<vmem>> -> memref<1x128xi32, #tpu.memory_space<vmem>>
        %dma_start3A_135 = tpu.memref_squeeze %dma_start3A_134 : memref<1x128xi32, #tpu.memory_space<vmem>> -> memref<128xi32, #tpu.memory_space<vmem>>
        %dma_start3A_136 = arith.constant 0 : i32
        %dma_start3A_137 = arith.constant 0 : i32
        %dma_start3A_138 = tpu.memref_slice %arg10[%dma_start3A_136, %dma_start3A_137] : memref<10240x48xf32, #tpu.memory_space<vmem_shared>> -> memref<10240x48xf32, #tpu.memory_space<vmem_shared>>
        tpu.enqueue_indirect_dma source(%arg9 : memref<128x48xf32, #tpu.memory_space<vmem>>) target(%dma_start3A_138 : memref<10240x48xf32, #tpu.memory_space<vmem_shared>>) offsets(%dma_start3A_135 : memref<128xi32, #tpu.memory_space<vmem>>) semaphore(%run_scoped3A_132 : memref<!tpu.dma_semaphore, #tpu.memory_space<semaphore_mem>>) {add = true}
        %dma_wait3A_139 = arith.constant 0 : i32
        %dma_wait3A_140 = tpu.memref_slice %arg8[%run_scoped3A_56, %dma_wait3A_139] : memref<8x128xi32, #tpu.memory_space<vmem>> -> memref<1x128xi32, #tpu.memory_space<vmem>>
        %dma_wait3A_141 = tpu.memref_squeeze %dma_wait3A_140 : memref<1x128xi32, #tpu.memory_space<vmem>> -> memref<128xi32, #tpu.memory_space<vmem>>
        %dma_wait3A_142 = arith.constant 0 : i32
        %dma_wait3A_143 = arith.constant 0 : i32
        %dma_wait3A_144 = tpu.memref_slice %arg10[%dma_wait3A_142, %dma_wait3A_143] : memref<10240x48xf32, #tpu.memory_space<vmem_shared>> -> memref<10240x48xf32, #tpu.memory_space<vmem_shared>>
        tpu.wait_indirect_dma semaphore(%run_scoped3A_132 : memref<!tpu.dma_semaphore, #tpu.memory_space<semaphore_mem>>) src(%arg9 : memref<128x48xf32, #tpu.memory_space<vmem>>) dst(%dma_wait3A_144 : memref<10240x48xf32, #tpu.memory_space<vmem_shared>>)
        tpu.yield
      }) : () -> ()
      %dma_start3A_57 = arith.constant 3 : i32
      %dma_start3A_58 = arith.constant 0 : i32
      %dma_start3A_59 = tpu.memref_slice %arg7[%dma_start3A_57, %dma_start3A_58] : memref<8x128xi32, #tpu.memory_space<vmem>> -> memref<1x128xi32, #tpu.memory_space<vmem>>
      %dma_start3A_60 = tpu.memref_squeeze %dma_start3A_59 : memref<1x128xi32, #tpu.memory_space<vmem>> -> memref<128xi32, #tpu.memory_space<vmem>>
      %dma_start3A_61 = arith.constant 0 : i32
      %dma_start3A_62 = arith.constant 0 : i32
      %dma_start3A_63 = tpu.memref_slice %arg4[%dma_start3A_61, %dma_start3A_62] : memref<10000x48xf32, #tpu.memory_space<hbm>> -> memref<10000x48xf32, #tpu.memory_space<hbm>>
      tpu.enqueue_indirect_dma source(%dma_start3A_63 : memref<10000x48xf32, #tpu.memory_space<hbm>>) target(%arg9 : memref<128x48xf32, #tpu.memory_space<vmem>>) offsets(%dma_start3A_60 : memref<128xi32, #tpu.memory_space<vmem>>) semaphore(%arg11 : memref<!tpu.dma_semaphore, #tpu.memory_space<semaphore_mem>>)
      %dma_wait3A_64 = arith.constant 3 : i32
      %dma_wait3A_65 = arith.constant 0 : i32
      %dma_wait3A_66 = tpu.memref_slice %arg7[%dma_wait3A_64, %dma_wait3A_65] : memref<8x128xi32, #tpu.memory_space<vmem>> -> memref<1x128xi32, #tpu.memory_space<vmem>>
      %dma_wait3A_67 = tpu.memref_squeeze %dma_wait3A_66 : memref<1x128xi32, #tpu.memory_space<vmem>> -> memref<128xi32, #tpu.memory_space<vmem>>
      %dma_wait3A_68 = arith.constant 0 : i32
      %dma_wait3A_69 = arith.constant 0 : i32
      %dma_wait3A_70 = tpu.memref_slice %arg4[%dma_wait3A_68, %dma_wait3A_69] : memref<10000x48xf32, #tpu.memory_space<hbm>> -> memref<10000x48xf32, #tpu.memory_space<hbm>>
      tpu.wait_indirect_dma semaphore(%arg11 : memref<!tpu.dma_semaphore, #tpu.memory_space<semaphore_mem>>) src(%dma_wait3A_70 : memref<10000x48xf32, #tpu.memory_space<hbm>>) dst(%arg9 : memref<128x48xf32, #tpu.memory_space<vmem>>)
      %run_scoped3A_71 = arith.constant 3 : i32
      "tpu.region"() ({
        %run_scoped3A_132 = tpu.sem_alloc : memref<!tpu.dma_semaphore, #tpu.memory_space<semaphore_mem>>
        %dma_start3A_133 = arith.constant 0 : i32
        %dma_start3A_134 = tpu.memref_slice %arg8[%run_scoped3A_71, %dma_start3A_133] : memref<8x128xi32, #tpu.memory_space<vmem>> -> memref<1x128xi32, #tpu.memory_space<vmem>>
        %dma_start3A_135 = tpu.memref_squeeze %dma_start3A_134 : memref<1x128xi32, #tpu.memory_space<vmem>> -> memref<128xi32, #tpu.memory_space<vmem>>
        %dma_start3A_136 = arith.constant 0 : i32
        %dma_start3A_137 = arith.constant 0 : i32
        %dma_start3A_138 = tpu.memref_slice %arg10[%dma_start3A_136, %dma_start3A_137] : memref<10240x48xf32, #tpu.memory_space<vmem_shared>> -> memref<10240x48xf32, #tpu.memory_space<vmem_shared>>
        tpu.enqueue_indirect_dma source(%arg9 : memref<128x48xf32, #tpu.memory_space<vmem>>) target(%dma_start3A_138 : memref<10240x48xf32, #tpu.memory_space<vmem_shared>>) offsets(%dma_start3A_135 : memref<128xi32, #tpu.memory_space<vmem>>) semaphore(%run_scoped3A_132 : memref<!tpu.dma_semaphore, #tpu.memory_space<semaphore_mem>>) {add = true}
        %dma_wait3A_139 = arith.constant 0 : i32
        %dma_wait3A_140 = tpu.memref_slice %arg8[%run_scoped3A_71, %dma_wait3A_139] : memref<8x128xi32, #tpu.memory_space<vmem>> -> memref<1x128xi32, #tpu.memory_space<vmem>>
        %dma_wait3A_141 = tpu.memref_squeeze %dma_wait3A_140 : memref<1x128xi32, #tpu.memory_space<vmem>> -> memref<128xi32, #tpu.memory_space<vmem>>
        %dma_wait3A_142 = arith.constant 0 : i32
        %dma_wait3A_143 = arith.constant 0 : i32
        %dma_wait3A_144 = tpu.memref_slice %arg10[%dma_wait3A_142, %dma_wait3A_143] : memref<10240x48xf32, #tpu.memory_space<vmem_shared>> -> memref<10240x48xf32, #tpu.memory_space<vmem_shared>>
        tpu.wait_indirect_dma semaphore(%run_scoped3A_132 : memref<!tpu.dma_semaphore, #tpu.memory_space<semaphore_mem>>) src(%arg9 : memref<128x48xf32, #tpu.memory_space<vmem>>) dst(%dma_wait3A_144 : memref<10240x48xf32, #tpu.memory_space<vmem_shared>>)
        tpu.yield
      }) : () -> ()
      %dma_start3A_72 = arith.constant 4 : i32
      %dma_start3A_73 = arith.constant 0 : i32
      %dma_start3A_74 = tpu.memref_slice %arg7[%dma_start3A_72, %dma_start3A_73] : memref<8x128xi32, #tpu.memory_space<vmem>> -> memref<1x128xi32, #tpu.memory_space<vmem>>
      %dma_start3A_75 = tpu.memref_squeeze %dma_start3A_74 : memref<1x128xi32, #tpu.memory_space<vmem>> -> memref<128xi32, #tpu.memory_space<vmem>>
      %dma_start3A_76 = arith.constant 0 : i32
      %dma_start3A_77 = arith.constant 0 : i32
      %dma_start3A_78 = tpu.memref_slice %arg4[%dma_start3A_76, %dma_start3A_77] : memref<10000x48xf32, #tpu.memory_space<hbm>> -> memref<10000x48xf32, #tpu.memory_space<hbm>>
      tpu.enqueue_indirect_dma source(%dma_start3A_78 : memref<10000x48xf32, #tpu.memory_space<hbm>>) target(%arg9 : memref<128x48xf32, #tpu.memory_space<vmem>>) offsets(%dma_start3A_75 : memref<128xi32, #tpu.memory_space<vmem>>) semaphore(%arg11 : memref<!tpu.dma_semaphore, #tpu.memory_space<semaphore_mem>>)
      %dma_wait3A_79 = arith.constant 4 : i32
      %dma_wait3A_80 = arith.constant 0 : i32
      %dma_wait3A_81 = tpu.memref_slice %arg7[%dma_wait3A_79, %dma_wait3A_80] : memref<8x128xi32, #tpu.memory_space<vmem>> -> memref<1x128xi32, #tpu.memory_space<vmem>>
      %dma_wait3A_82 = tpu.memref_squeeze %dma_wait3A_81 : memref<1x128xi32, #tpu.memory_space<vmem>> -> memref<128xi32, #tpu.memory_space<vmem>>
      %dma_wait3A_83 = arith.constant 0 : i32
      %dma_wait3A_84 = arith.constant 0 : i32
      %dma_wait3A_85 = tpu.memref_slice %arg4[%dma_wait3A_83, %dma_wait3A_84] : memref<10000x48xf32, #tpu.memory_space<hbm>> -> memref<10000x48xf32, #tpu.memory_space<hbm>>
      tpu.wait_indirect_dma semaphore(%arg11 : memref<!tpu.dma_semaphore, #tpu.memory_space<semaphore_mem>>) src(%dma_wait3A_85 : memref<10000x48xf32, #tpu.memory_space<hbm>>) dst(%arg9 : memref<128x48xf32, #tpu.memory_space<vmem>>)
      %run_scoped3A_86 = arith.constant 4 : i32
      "tpu.region"() ({
        %run_scoped3A_132 = tpu.sem_alloc : memref<!tpu.dma_semaphore, #tpu.memory_space<semaphore_mem>>
        %dma_start3A_133 = arith.constant 0 : i32
        %dma_start3A_134 = tpu.memref_slice %arg8[%run_scoped3A_86, %dma_start3A_133] : memref<8x128xi32, #tpu.memory_space<vmem>> -> memref<1x128xi32, #tpu.memory_space<vmem>>
        %dma_start3A_135 = tpu.memref_squeeze %dma_start3A_134 : memref<1x128xi32, #tpu.memory_space<vmem>> -> memref<128xi32, #tpu.memory_space<vmem>>
        %dma_start3A_136 = arith.constant 0 : i32
        %dma_start3A_137 = arith.constant 0 : i32
        %dma_start3A_138 = tpu.memref_slice %arg10[%dma_start3A_136, %dma_start3A_137] : memref<10240x48xf32, #tpu.memory_space<vmem_shared>> -> memref<10240x48xf32, #tpu.memory_space<vmem_shared>>
        tpu.enqueue_indirect_dma source(%arg9 : memref<128x48xf32, #tpu.memory_space<vmem>>) target(%dma_start3A_138 : memref<10240x48xf32, #tpu.memory_space<vmem_shared>>) offsets(%dma_start3A_135 : memref<128xi32, #tpu.memory_space<vmem>>) semaphore(%run_scoped3A_132 : memref<!tpu.dma_semaphore, #tpu.memory_space<semaphore_mem>>) {add = true}
        %dma_wait3A_139 = arith.constant 0 : i32
        %dma_wait3A_140 = tpu.memref_slice %arg8[%run_scoped3A_86, %dma_wait3A_139] : memref<8x128xi32, #tpu.memory_space<vmem>> -> memref<1x128xi32, #tpu.memory_space<vmem>>
        %dma_wait3A_141 = tpu.memref_squeeze %dma_wait3A_140 : memref<1x128xi32, #tpu.memory_space<vmem>> -> memref<128xi32, #tpu.memory_space<vmem>>
        %dma_wait3A_142 = arith.constant 0 : i32
        %dma_wait3A_143 = arith.constant 0 : i32
        %dma_wait3A_144 = tpu.memref_slice %arg10[%dma_wait3A_142, %dma_wait3A_143] : memref<10240x48xf32, #tpu.memory_space<vmem_shared>> -> memref<10240x48xf32, #tpu.memory_space<vmem_shared>>
        tpu.wait_indirect_dma semaphore(%run_scoped3A_132 : memref<!tpu.dma_semaphore, #tpu.memory_space<semaphore_mem>>) src(%arg9 : memref<128x48xf32, #tpu.memory_space<vmem>>) dst(%dma_wait3A_144 : memref<10240x48xf32, #tpu.memory_space<vmem_shared>>)
        tpu.yield
      }) : () -> ()
      %dma_start3A_87 = arith.constant 5 : i32
      %dma_start3A_88 = arith.constant 0 : i32
      %dma_start3A_89 = tpu.memref_slice %arg7[%dma_start3A_87, %dma_start3A_88] : memref<8x128xi32, #tpu.memory_space<vmem>> -> memref<1x128xi32, #tpu.memory_space<vmem>>
      %dma_start3A_90 = tpu.memref_squeeze %dma_start3A_89 : memref<1x128xi32, #tpu.memory_space<vmem>> -> memref<128xi32, #tpu.memory_space<vmem>>
      %dma_start3A_91 = arith.constant 0 : i32
      %dma_start3A_92 = arith.constant 0 : i32
      %dma_start3A_93 = tpu.memref_slice %arg4[%dma_start3A_91, %dma_start3A_92] : memref<10000x48xf32, #tpu.memory_space<hbm>> -> memref<10000x48xf32, #tpu.memory_space<hbm>>
      tpu.enqueue_indirect_dma source(%dma_start3A_93 : memref<10000x48xf32, #tpu.memory_space<hbm>>) target(%arg9 : memref<128x48xf32, #tpu.memory_space<vmem>>) offsets(%dma_start3A_90 : memref<128xi32, #tpu.memory_space<vmem>>) semaphore(%arg11 : memref<!tpu.dma_semaphore, #tpu.memory_space<semaphore_mem>>)
      %dma_wait3A_94 = arith.constant 5 : i32
      %dma_wait3A_95 = arith.constant 0 : i32
      %dma_wait3A_96 = tpu.memref_slice %arg7[%dma_wait3A_94, %dma_wait3A_95] : memref<8x128xi32, #tpu.memory_space<vmem>> -> memref<1x128xi32, #tpu.memory_space<vmem>>
      %dma_wait3A_97 = tpu.memref_squeeze %dma_wait3A_96 : memref<1x128xi32, #tpu.memory_space<vmem>> -> memref<128xi32, #tpu.memory_space<vmem>>
      %dma_wait3A_98 = arith.constant 0 : i32
      %dma_wait3A_99 = arith.constant 0 : i32
      %dma_wait3A_100 = tpu.memref_slice %arg4[%dma_wait3A_98, %dma_wait3A_99] : memref<10000x48xf32, #tpu.memory_space<hbm>> -> memref<10000x48xf32, #tpu.memory_space<hbm>>
      tpu.wait_indirect_dma semaphore(%arg11 : memref<!tpu.dma_semaphore, #tpu.memory_space<semaphore_mem>>) src(%dma_wait3A_100 : memref<10000x48xf32, #tpu.memory_space<hbm>>) dst(%arg9 : memref<128x48xf32, #tpu.memory_space<vmem>>)
      %run_scoped3A_101 = arith.constant 5 : i32
      "tpu.region"() ({
        %run_scoped3A_132 = tpu.sem_alloc : memref<!tpu.dma_semaphore, #tpu.memory_space<semaphore_mem>>
        %dma_start3A_133 = arith.constant 0 : i32
        %dma_start3A_134 = tpu.memref_slice %arg8[%run_scoped3A_101, %dma_start3A_133] : memref<8x128xi32, #tpu.memory_space<vmem>> -> memref<1x128xi32, #tpu.memory_space<vmem>>
        %dma_start3A_135 = tpu.memref_squeeze %dma_start3A_134 : memref<1x128xi32, #tpu.memory_space<vmem>> -> memref<128xi32, #tpu.memory_space<vmem>>
        %dma_start3A_136 = arith.constant 0 : i32
        %dma_start3A_137 = arith.constant 0 : i32
        %dma_start3A_138 = tpu.memref_slice %arg10[%dma_start3A_136, %dma_start3A_137] : memref<10240x48xf32, #tpu.memory_space<vmem_shared>> -> memref<10240x48xf32, #tpu.memory_space<vmem_shared>>
        tpu.enqueue_indirect_dma source(%arg9 : memref<128x48xf32, #tpu.memory_space<vmem>>) target(%dma_start3A_138 : memref<10240x48xf32, #tpu.memory_space<vmem_shared>>) offsets(%dma_start3A_135 : memref<128xi32, #tpu.memory_space<vmem>>) semaphore(%run_scoped3A_132 : memref<!tpu.dma_semaphore, #tpu.memory_space<semaphore_mem>>) {add = true}
        %dma_wait3A_139 = arith.constant 0 : i32
        %dma_wait3A_140 = tpu.memref_slice %arg8[%run_scoped3A_101, %dma_wait3A_139] : memref<8x128xi32, #tpu.memory_space<vmem>> -> memref<1x128xi32, #tpu.memory_space<vmem>>
        %dma_wait3A_141 = tpu.memref_squeeze %dma_wait3A_140 : memref<1x128xi32, #tpu.memory_space<vmem>> -> memref<128xi32, #tpu.memory_space<vmem>>
        %dma_wait3A_142 = arith.constant 0 : i32
        %dma_wait3A_143 = arith.constant 0 : i32
        %dma_wait3A_144 = tpu.memref_slice %arg10[%dma_wait3A_142, %dma_wait3A_143] : memref<10240x48xf32, #tpu.memory_space<vmem_shared>> -> memref<10240x48xf32, #tpu.memory_space<vmem_shared>>
        tpu.wait_indirect_dma semaphore(%run_scoped3A_132 : memref<!tpu.dma_semaphore, #tpu.memory_space<semaphore_mem>>) src(%arg9 : memref<128x48xf32, #tpu.memory_space<vmem>>) dst(%dma_wait3A_144 : memref<10240x48xf32, #tpu.memory_space<vmem_shared>>)
        tpu.yield
      }) : () -> ()
      %dma_start3A_102 = arith.constant 6 : i32
      %dma_start3A_103 = arith.constant 0 : i32
      %dma_start3A_104 = tpu.memref_slice %arg7[%dma_start3A_102, %dma_start3A_103] : memref<8x128xi32, #tpu.memory_space<vmem>> -> memref<1x128xi32, #tpu.memory_space<vmem>>
      %dma_start3A_105 = tpu.memref_squeeze %dma_start3A_104 : memref<1x128xi32, #tpu.memory_space<vmem>> -> memref<128xi32, #tpu.memory_space<vmem>>
      %dma_start3A_106 = arith.constant 0 : i32
      %dma_start3A_107 = arith.constant 0 : i32
      %dma_start3A_108 = tpu.memref_slice %arg4[%dma_start3A_106, %dma_start3A_107] : memref<10000x48xf32, #tpu.memory_space<hbm>> -> memref<10000x48xf32, #tpu.memory_space<hbm>>
      tpu.enqueue_indirect_dma source(%dma_start3A_108 : memref<10000x48xf32, #tpu.memory_space<hbm>>) target(%arg9 : memref<128x48xf32, #tpu.memory_space<vmem>>) offsets(%dma_start3A_105 : memref<128xi32, #tpu.memory_space<vmem>>) semaphore(%arg11 : memref<!tpu.dma_semaphore, #tpu.memory_space<semaphore_mem>>)
      %dma_wait3A_109 = arith.constant 6 : i32
      %dma_wait3A_110 = arith.constant 0 : i32
      %dma_wait3A_111 = tpu.memref_slice %arg7[%dma_wait3A_109, %dma_wait3A_110] : memref<8x128xi32, #tpu.memory_space<vmem>> -> memref<1x128xi32, #tpu.memory_space<vmem>>
      %dma_wait3A_112 = tpu.memref_squeeze %dma_wait3A_111 : memref<1x128xi32, #tpu.memory_space<vmem>> -> memref<128xi32, #tpu.memory_space<vmem>>
      %dma_wait3A_113 = arith.constant 0 : i32
      %dma_wait3A_114 = arith.constant 0 : i32
      %dma_wait3A_115 = tpu.memref_slice %arg4[%dma_wait3A_113, %dma_wait3A_114] : memref<10000x48xf32, #tpu.memory_space<hbm>> -> memref<10000x48xf32, #tpu.memory_space<hbm>>
      tpu.wait_indirect_dma semaphore(%arg11 : memref<!tpu.dma_semaphore, #tpu.memory_space<semaphore_mem>>) src(%dma_wait3A_115 : memref<10000x48xf32, #tpu.memory_space<hbm>>) dst(%arg9 : memref<128x48xf32, #tpu.memory_space<vmem>>)
      %run_scoped3A_116 = arith.constant 6 : i32
      "tpu.region"() ({
        %run_scoped3A_132 = tpu.sem_alloc : memref<!tpu.dma_semaphore, #tpu.memory_space<semaphore_mem>>
        %dma_start3A_133 = arith.constant 0 : i32
        %dma_start3A_134 = tpu.memref_slice %arg8[%run_scoped3A_116, %dma_start3A_133] : memref<8x128xi32, #tpu.memory_space<vmem>> -> memref<1x128xi32, #tpu.memory_space<vmem>>
        %dma_start3A_135 = tpu.memref_squeeze %dma_start3A_134 : memref<1x128xi32, #tpu.memory_space<vmem>> -> memref<128xi32, #tpu.memory_space<vmem>>
        %dma_start3A_136 = arith.constant 0 : i32
        %dma_start3A_137 = arith.constant 0 : i32
        %dma_start3A_138 = tpu.memref_slice %arg10[%dma_start3A_136, %dma_start3A_137] : memref<10240x48xf32, #tpu.memory_space<vmem_shared>> -> memref<10240x48xf32, #tpu.memory_space<vmem_shared>>
        tpu.enqueue_indirect_dma source(%arg9 : memref<128x48xf32, #tpu.memory_space<vmem>>) target(%dma_start3A_138 : memref<10240x48xf32, #tpu.memory_space<vmem_shared>>) offsets(%dma_start3A_135 : memref<128xi32, #tpu.memory_space<vmem>>) semaphore(%run_scoped3A_132 : memref<!tpu.dma_semaphore, #tpu.memory_space<semaphore_mem>>) {add = true}
        %dma_wait3A_139 = arith.constant 0 : i32
        %dma_wait3A_140 = tpu.memref_slice %arg8[%run_scoped3A_116, %dma_wait3A_139] : memref<8x128xi32, #tpu.memory_space<vmem>> -> memref<1x128xi32, #tpu.memory_space<vmem>>
        %dma_wait3A_141 = tpu.memref_squeeze %dma_wait3A_140 : memref<1x128xi32, #tpu.memory_space<vmem>> -> memref<128xi32, #tpu.memory_space<vmem>>
        %dma_wait3A_142 = arith.constant 0 : i32
        %dma_wait3A_143 = arith.constant 0 : i32
        %dma_wait3A_144 = tpu.memref_slice %arg10[%dma_wait3A_142, %dma_wait3A_143] : memref<10240x48xf32, #tpu.memory_space<vmem_shared>> -> memref<10240x48xf32, #tpu.memory_space<vmem_shared>>
        tpu.wait_indirect_dma semaphore(%run_scoped3A_132 : memref<!tpu.dma_semaphore, #tpu.memory_space<semaphore_mem>>) src(%arg9 : memref<128x48xf32, #tpu.memory_space<vmem>>) dst(%dma_wait3A_144 : memref<10240x48xf32, #tpu.memory_space<vmem_shared>>)
        tpu.yield
      }) : () -> ()
      %dma_start3A_117 = arith.constant 7 : i32
      %dma_start3A_118 = arith.constant 0 : i32
      %dma_start3A_119 = tpu.memref_slice %arg7[%dma_start3A_117, %dma_start3A_118] : memref<8x128xi32, #tpu.memory_space<vmem>> -> memref<1x128xi32, #tpu.memory_space<vmem>>
      %dma_start3A_120 = tpu.memref_squeeze %dma_start3A_119 : memref<1x128xi32, #tpu.memory_space<vmem>> -> memref<128xi32, #tpu.memory_space<vmem>>
      %dma_start3A_121 = arith.constant 0 : i32
      %dma_start3A_122 = arith.constant 0 : i32
      %dma_start3A_123 = tpu.memref_slice %arg4[%dma_start3A_121, %dma_start3A_122] : memref<10000x48xf32, #tpu.memory_space<hbm>> -> memref<10000x48xf32, #tpu.memory_space<hbm>>
      tpu.enqueue_indirect_dma source(%dma_start3A_123 : memref<10000x48xf32, #tpu.memory_space<hbm>>) target(%arg9 : memref<128x48xf32, #tpu.memory_space<vmem>>) offsets(%dma_start3A_120 : memref<128xi32, #tpu.memory_space<vmem>>) semaphore(%arg11 : memref<!tpu.dma_semaphore, #tpu.memory_space<semaphore_mem>>)
      %dma_wait3A_124 = arith.constant 7 : i32
      %dma_wait3A_125 = arith.constant 0 : i32
      %dma_wait3A_126 = tpu.memref_slice %arg7[%dma_wait3A_124, %dma_wait3A_125] : memref<8x128xi32, #tpu.memory_space<vmem>> -> memref<1x128xi32, #tpu.memory_space<vmem>>
      %dma_wait3A_127 = tpu.memref_squeeze %dma_wait3A_126 : memref<1x128xi32, #tpu.memory_space<vmem>> -> memref<128xi32, #tpu.memory_space<vmem>>
      %dma_wait3A_128 = arith.constant 0 : i32
      %dma_wait3A_129 = arith.constant 0 : i32
      %dma_wait3A_130 = tpu.memref_slice %arg4[%dma_wait3A_128, %dma_wait3A_129] : memref<10000x48xf32, #tpu.memory_space<hbm>> -> memref<10000x48xf32, #tpu.memory_space<hbm>>
      tpu.wait_indirect_dma semaphore(%arg11 : memref<!tpu.dma_semaphore, #tpu.memory_space<semaphore_mem>>) src(%dma_wait3A_130 : memref<10000x48xf32, #tpu.memory_space<hbm>>) dst(%arg9 : memref<128x48xf32, #tpu.memory_space<vmem>>)
      %run_scoped3A_131 = arith.constant 7 : i32
      "tpu.region"() ({
        %run_scoped3A_132 = tpu.sem_alloc : memref<!tpu.dma_semaphore, #tpu.memory_space<semaphore_mem>>
        %dma_start3A_133 = arith.constant 0 : i32
        %dma_start3A_134 = tpu.memref_slice %arg8[%run_scoped3A_131, %dma_start3A_133] : memref<8x128xi32, #tpu.memory_space<vmem>> -> memref<1x128xi32, #tpu.memory_space<vmem>>
        %dma_start3A_135 = tpu.memref_squeeze %dma_start3A_134 : memref<1x128xi32, #tpu.memory_space<vmem>> -> memref<128xi32, #tpu.memory_space<vmem>>
        %dma_start3A_136 = arith.constant 0 : i32
        %dma_start3A_137 = arith.constant 0 : i32
        %dma_start3A_138 = tpu.memref_slice %arg10[%dma_start3A_136, %dma_start3A_137] : memref<10240x48xf32, #tpu.memory_space<vmem_shared>> -> memref<10240x48xf32, #tpu.memory_space<vmem_shared>>
        tpu.enqueue_indirect_dma source(%arg9 : memref<128x48xf32, #tpu.memory_space<vmem>>) target(%dma_start3A_138 : memref<10240x48xf32, #tpu.memory_space<vmem_shared>>) offsets(%dma_start3A_135 : memref<128xi32, #tpu.memory_space<vmem>>) semaphore(%run_scoped3A_132 : memref<!tpu.dma_semaphore, #tpu.memory_space<semaphore_mem>>) {add = true}
        %dma_wait3A_139 = arith.constant 0 : i32
        %dma_wait3A_140 = tpu.memref_slice %arg8[%run_scoped3A_131, %dma_wait3A_139] : memref<8x128xi32, #tpu.memory_space<vmem>> -> memref<1x128xi32, #tpu.memory_space<vmem>>
        %dma_wait3A_141 = tpu.memref_squeeze %dma_wait3A_140 : memref<1x128xi32, #tpu.memory_space<vmem>> -> memref<128xi32, #tpu.memory_space<vmem>>
        %dma_wait3A_142 = arith.constant 0 : i32
        %dma_wait3A_143 = arith.constant 0 : i32
        %dma_wait3A_144 = tpu.memref_slice %arg10[%dma_wait3A_142, %dma_wait3A_143] : memref<10240x48xf32, #tpu.memory_space<vmem_shared>> -> memref<10240x48xf32, #tpu.memory_space<vmem_shared>>
        tpu.wait_indirect_dma semaphore(%run_scoped3A_132 : memref<!tpu.dma_semaphore, #tpu.memory_space<semaphore_mem>>) src(%arg9 : memref<128x48xf32, #tpu.memory_space<vmem>>) dst(%dma_wait3A_144 : memref<10240x48xf32, #tpu.memory_space<vmem_shared>>)
        tpu.yield
      }) : () -> ()
    }
    %scan3A_7 = arith.constant 10 : i32
    %barrier3A_8 = arith.constant 0 : index
    tpu.barrier barrier_id(%barrier3A_8)
    "tpu.region"() ({
      %run_scoped3A = tpu.sem_alloc : memref<!tpu.dma_semaphore, #tpu.memory_space<semaphore_mem>>
      %dma_start3A = arith.constant 0 : i32
      %dma_start3A_9 = tpu.memref_slice %arg6[%arg0, %mul3A_2, %dma_start3A] : memref<2x10240x48xf32, #tpu.memory_space<hbm>> -> memref<1x640x48xf32, #tpu.memory_space<hbm>>
      %dma_start3A_10 = tpu.memref_squeeze %dma_start3A_9 : memref<1x640x48xf32, #tpu.memory_space<hbm>> -> memref<640x48xf32, #tpu.memory_space<hbm>>
      %dma_start3A_11 = arith.constant 0 : i32
      %dma_start3A_12 = tpu.memref_slice %arg10[%mul3A_2, %dma_start3A_11] : memref<10240x48xf32, #tpu.memory_space<vmem_shared>> -> memref<640x48xf32, #tpu.memory_space<vmem_shared>>
      tpu.enqueue_dma source(%dma_start3A_12 : memref<640x48xf32, #tpu.memory_space<vmem_shared>>) target(%dma_start3A_10 : memref<640x48xf32, #tpu.memory_space<hbm>>) target_semaphore(%run_scoped3A : memref<!tpu.dma_semaphore, #tpu.memory_space<semaphore_mem>>)
      %dma_wait3A = arith.constant 0 : i32
      %dma_wait3A_13 = tpu.memref_slice %arg6[%arg0, %mul3A_2, %dma_wait3A] : memref<2x10240x48xf32, #tpu.memory_space<hbm>> -> memref<1x640x48xf32, #tpu.memory_space<hbm>>
      %dma_wait3A_14 = tpu.memref_squeeze %dma_wait3A_13 : memref<1x640x48xf32, #tpu.memory_space<hbm>> -> memref<640x48xf32, #tpu.memory_space<hbm>>
      %dma_wait3A_15 = arith.constant 0 : i32
      %dma_wait3A_16 = tpu.memref_slice %arg10[%mul3A_2, %dma_wait3A_15] : memref<10240x48xf32, #tpu.memory_space<vmem_shared>> -> memref<640x48xf32, #tpu.memory_space<vmem_shared>>
      tpu.wait_dma2 semaphore(%run_scoped3A : memref<!tpu.dma_semaphore, #tpu.memory_space<semaphore_mem>>) src(%dma_wait3A_16 : memref<640x48xf32, #tpu.memory_space<vmem_shared>>) dst(%dma_wait3A_14 : memref<640x48xf32, #tpu.memory_space<hbm>>)
      tpu.yield
    }) : () -> ()
    return
  }
}

module attributes {stable_mosaic.version = 14 : i64} {
  func.func @body(%arg0: i32, %arg1: memref<1000x128xf32, #tpu.memory_space<vmem>>, %arg2: memref<1000x128xf32, #tpu.memory_space<vmem>>, %arg3: memref<1000x128xf32, #tpu.memory_space<vmem>>, %arg4: memref<1000x16xf32, #tpu.memory_space<vmem>>, %arg5: memref<1000x16xf32, #tpu.memory_space<vmem>>, %arg6: memref<128x128xf32, #tpu.memory_space<vmem>>, %arg7: memref<128x128xf32, #tpu.memory_space<vmem>>, %arg8: memref<1x128xf32, #tpu.memory_space<vmem>>, %arg9: memref<1000x128xf32, #tpu.memory_space<vmem>>) attributes {dimension_semantics = [#tpu.dimension_semantics<arbitrary>], iteration_bounds = array<i64: 10>, scalar_prefetch = 0 : i64, scratch_operands = 0 : i64, tpu.core_type = #tpu.core_type<tc>, window_params = [{transform_indices = @transform_0, window_bounds = array<i64: 1000, 128>}, {transform_indices = @transform_1, window_bounds = array<i64: 1000, 128>}, {transform_indices = @transform_2, window_bounds = array<i64: 1000, 128>}, {transform_indices = @transform_3, window_bounds = array<i64: 1000, 16>}, {transform_indices = @transform_4, window_bounds = array<i64: 1000, 16>}, {pipeline_mode = #tpu.pipeline_mode<synchronous>, transform_indices = @transform_5, window_bounds = array<i64: 128, 128>}, {pipeline_mode = #tpu.pipeline_mode<synchronous>, transform_indices = @transform_6, window_bounds = array<i64: 128, 128>}, {pipeline_mode = #tpu.pipeline_mode<synchronous>, transform_indices = @transform_7, window_bounds = array<i64: 1, 128>}, {transform_indices = @transform_8, window_bounds = array<i64: 1000, 128>}]} {
    %get3A = arith.constant 0 : index
    %get3A_0 = arith.constant 0 : index
    %get3A_1 = vector.load %arg4[%get3A, %get3A_0] : memref<1000x16xf32, #tpu.memory_space<vmem>>, vector<1000x1xf32>
    %get3A_2 = arith.constant 0 : index
    %get3A_3 = arith.constant 0 : index
    %get3A_4 = vector.load %arg5[%get3A_2, %get3A_3] : memref<1000x16xf32, #tpu.memory_space<vmem>>, vector<1000x1xf32>
    %add3A = arith.addf %get3A_1, %get3A_4 : vector<1000x1xf32>
    %max3A = arith.constant 1.000000e+00 : f32
    %max3A_5 = vector.broadcast %max3A : f32 to vector<1000x1xf32>
    %max3A_6 = arith.maximumf %add3A, %max3A_5 : vector<1000x1xf32>
    %get3A_7 = arith.constant 0 : index
    %get3A_8 = arith.constant 0 : index
    %get3A_9 = vector.load %arg2[%get3A_7, %get3A_8] : memref<1000x128xf32, #tpu.memory_space<vmem>>, vector<1000x128xf32>
    %get3A_10 = arith.constant 0 : index
    %get3A_11 = arith.constant 0 : index
    %get3A_12 = vector.load %arg3[%get3A_10, %get3A_11] : memref<1000x128xf32, #tpu.memory_space<vmem>>, vector<1000x128xf32>
    %add3A_13 = arith.addf %get3A_9, %get3A_12 : vector<1000x128xf32>
    %div3A = vector.broadcast %max3A_6 : vector<1000x1xf32> to vector<1000x128xf32>
    %div3A_14 = arith.divf %add3A_13, %div3A : vector<1000x128xf32>
    %get3A_15 = arith.constant 0 : index
    %get3A_16 = arith.constant 0 : index
    %get3A_17 = vector.load %arg6[%get3A_15, %get3A_16] : memref<128x128xf32, #tpu.memory_space<vmem>>, vector<128x128xf32>
    %dot_general3A = arith.constant dense<0.000000e+00> : vector<1000x128xf32>
    %dot_general3A_18 = tpu.matmul %div3A_14, %get3A_17, %dot_general3A {dimension_numbers = #tpu.dot_dimension_numbers<[1], [0], [0], [1], [0, 0, 1, 1], [], []>, transpose_lhs_hint = false} : vector<1000x128xf32>, vector<128x128xf32>, vector<1000x128xf32> -> vector<1000x128xf32>
    %get3A_19 = arith.constant 0 : index
    %get3A_20 = arith.constant 0 : index
    %get3A_21 = vector.load %arg1[%get3A_19, %get3A_20] : memref<1000x128xf32, #tpu.memory_space<vmem>>, vector<1000x128xf32>
    %get3A_22 = arith.constant 0 : index
    %get3A_23 = arith.constant 0 : index
    %get3A_24 = vector.load %arg7[%get3A_22, %get3A_23] : memref<128x128xf32, #tpu.memory_space<vmem>>, vector<128x128xf32>
    %dot_general3A_25 = arith.constant dense<0.000000e+00> : vector<1000x128xf32>
    %dot_general3A_26 = tpu.matmul %get3A_21, %get3A_24, %dot_general3A_25 {dimension_numbers = #tpu.dot_dimension_numbers<[1], [0], [0], [1], [0, 0, 1, 1], [], []>, transpose_lhs_hint = false} : vector<1000x128xf32>, vector<128x128xf32>, vector<1000x128xf32> -> vector<1000x128xf32>
    %add3A_27 = arith.addf %dot_general3A_18, %dot_general3A_26 : vector<1000x128xf32>
    %get3A_28 = arith.constant 0 : index
    %get3A_29 = arith.constant 0 : index
    %get3A_30 = vector.load %arg8[%get3A_28, %get3A_29] : memref<1x128xf32, #tpu.memory_space<vmem>>, vector<1x128xf32>
    %add3A_31 = vector.broadcast %get3A_30 : vector<1x128xf32> to vector<1000x128xf32>
    %add3A_32 = arith.addf %add3A_27, %add3A_31 : vector<1000x128xf32>
    %max3A_33 = arith.constant 0.000000e+00 : f32
    %max3A_34 = vector.broadcast %max3A_33 : f32 to vector<1000x128xf32>
    %max3A_35 = arith.maximumf %add3A_32, %max3A_34 : vector<1000x128xf32>
    %swap3A = arith.constant 0 : index
    %swap3A_36 = arith.constant 0 : index
    %swap3A_37 = vector.load %arg9[%swap3A, %swap3A_36] : memref<1000x128xf32, #tpu.memory_space<vmem>>, vector<1000x128xf32>
    tpu.vector_store %arg9[%swap3A, %swap3A_36], %max3A_35 {strides = array<i32>} : memref<1000x128xf32, #tpu.memory_space<vmem>>, vector<1000x128xf32>,
    return
  }
  func.func @transform_0(%arg0: i32) -> (i32, i32) {
    %c0_i32 = arith.constant 0 : i32
    %c0_i32_0 = arith.constant 0 : i32
    return %arg0, %c0_i32 : i32, i32
  }
  func.func @transform_1(%arg0: i32) -> (i32, i32) {
    %c0_i32 = arith.constant 0 : i32
    %c0_i32_0 = arith.constant 0 : i32
    return %arg0, %c0_i32 : i32, i32
  }
  func.func @transform_2(%arg0: i32) -> (i32, i32) {
    %c0_i32 = arith.constant 0 : i32
    %c0_i32_0 = arith.constant 0 : i32
    return %arg0, %c0_i32 : i32, i32
  }
  func.func @transform_3(%arg0: i32) -> (i32, i32) {
    %c0_i32 = arith.constant 0 : i32
    %c0_i32_0 = arith.constant 0 : i32
    return %arg0, %c0_i32 : i32, i32
  }
  func.func @transform_4(%arg0: i32) -> (i32, i32) {
    %c0_i32 = arith.constant 0 : i32
    %c0_i32_0 = arith.constant 0 : i32
    return %arg0, %c0_i32 : i32, i32
  }
  func.func @transform_5(%arg0: i32) -> (i32, i32) {
    %c0_i32 = arith.constant 0 : i32
    %c0_i32_0 = arith.constant 0 : i32
    %c0_i32_1 = arith.constant 0 : i32
    return %c0_i32, %c0_i32_0 : i32, i32
  }
  func.func @transform_6(%arg0: i32) -> (i32, i32) {
    %c0_i32 = arith.constant 0 : i32
    %c0_i32_0 = arith.constant 0 : i32
    %c0_i32_1 = arith.constant 0 : i32
    return %c0_i32, %c0_i32_0 : i32, i32
  }
  func.func @transform_7(%arg0: i32) -> (i32, i32) {
    %c0_i32 = arith.constant 0 : i32
    %c0_i32_0 = arith.constant 0 : i32
    %c0_i32_1 = arith.constant 0 : i32
    return %c0_i32, %c0_i32_0 : i32, i32
  }
  func.func @transform_8(%arg0: i32) -> (i32, i32) {
    %c0_i32 = arith.constant 0 : i32
    %c0_i32_0 = arith.constant 0 : i32
    return %arg0, %c0_i32 : i32, i32
  }
}

module attributes {stable_mosaic.version = 14 : i64} {
  func.func @body(%arg0: i32, %arg1: memref<1000x128xf32, #tpu.memory_space<vmem>>, %arg2: memref<1000x128xf32, #tpu.memory_space<vmem>>, %arg3: memref<1000x128xf32, #tpu.memory_space<vmem>>, %arg4: memref<1000x16xf32, #tpu.memory_space<vmem>>, %arg5: memref<1000x16xf32, #tpu.memory_space<vmem>>, %arg6: memref<128x128xf32, #tpu.memory_space<vmem>>, %arg7: memref<128x128xf32, #tpu.memory_space<vmem>>, %arg8: memref<1x128xf32, #tpu.memory_space<vmem>>, %arg9: memref<128x48xf32, #tpu.memory_space<vmem>>, %arg10: memref<1000x128xf32, #tpu.memory_space<vmem>>, %arg11: memref<1000x48xf32, #tpu.memory_space<vmem>>) attributes {dimension_semantics = [#tpu.dimension_semantics<arbitrary>], iteration_bounds = array<i64: 10>, scalar_prefetch = 0 : i64, scratch_operands = 0 : i64, tpu.core_type = #tpu.core_type<tc>, window_params = [{transform_indices = @transform_0, window_bounds = array<i64: 1000, 128>}, {transform_indices = @transform_1, window_bounds = array<i64: 1000, 128>}, {transform_indices = @transform_2, window_bounds = array<i64: 1000, 128>}, {transform_indices = @transform_3, window_bounds = array<i64: 1000, 16>}, {transform_indices = @transform_4, window_bounds = array<i64: 1000, 16>}, {pipeline_mode = #tpu.pipeline_mode<synchronous>, transform_indices = @transform_5, window_bounds = array<i64: 128, 128>}, {pipeline_mode = #tpu.pipeline_mode<synchronous>, transform_indices = @transform_6, window_bounds = array<i64: 128, 128>}, {pipeline_mode = #tpu.pipeline_mode<synchronous>, transform_indices = @transform_7, window_bounds = array<i64: 1, 128>}, {pipeline_mode = #tpu.pipeline_mode<synchronous>, transform_indices = @transform_8, window_bounds = array<i64: 128, 48>}, {transform_indices = @transform_9, window_bounds = array<i64: 1000, 128>}, {transform_indices = @transform_10, window_bounds = array<i64: 1000, 48>}]} {
    %get3A = arith.constant 0 : index
    %get3A_0 = arith.constant 0 : index
    %get3A_1 = vector.load %arg4[%get3A, %get3A_0] : memref<1000x16xf32, #tpu.memory_space<vmem>>, vector<1000x1xf32>
    %get3A_2 = arith.constant 0 : index
    %get3A_3 = arith.constant 0 : index
    %get3A_4 = vector.load %arg5[%get3A_2, %get3A_3] : memref<1000x16xf32, #tpu.memory_space<vmem>>, vector<1000x1xf32>
    %add3A = arith.addf %get3A_1, %get3A_4 : vector<1000x1xf32>
    %max3A = arith.constant 1.000000e+00 : f32
    %max3A_5 = vector.broadcast %max3A : f32 to vector<1000x1xf32>
    %max3A_6 = arith.maximumf %add3A, %max3A_5 : vector<1000x1xf32>
    %get3A_7 = arith.constant 0 : index
    %get3A_8 = arith.constant 0 : index
    %get3A_9 = vector.load %arg2[%get3A_7, %get3A_8] : memref<1000x128xf32, #tpu.memory_space<vmem>>, vector<1000x128xf32>
    %get3A_10 = arith.constant 0 : index
    %get3A_11 = arith.constant 0 : index
    %get3A_12 = vector.load %arg3[%get3A_10, %get3A_11] : memref<1000x128xf32, #tpu.memory_space<vmem>>, vector<1000x128xf32>
    %add3A_13 = arith.addf %get3A_9, %get3A_12 : vector<1000x128xf32>
    %div3A = vector.broadcast %max3A_6 : vector<1000x1xf32> to vector<1000x128xf32>
    %div3A_14 = arith.divf %add3A_13, %div3A : vector<1000x128xf32>
    %get3A_15 = arith.constant 0 : index
    %get3A_16 = arith.constant 0 : index
    %get3A_17 = vector.load %arg6[%get3A_15, %get3A_16] : memref<128x128xf32, #tpu.memory_space<vmem>>, vector<128x128xf32>
    %dot_general3A = arith.constant dense<0.000000e+00> : vector<1000x128xf32>
    %dot_general3A_18 = tpu.matmul %div3A_14, %get3A_17, %dot_general3A {dimension_numbers = #tpu.dot_dimension_numbers<[1], [0], [0], [1], [0, 0, 1, 1], [], []>, transpose_lhs_hint = false} : vector<1000x128xf32>, vector<128x128xf32>, vector<1000x128xf32> -> vector<1000x128xf32>
    %get3A_19 = arith.constant 0 : index
    %get3A_20 = arith.constant 0 : index
    %get3A_21 = vector.load %arg1[%get3A_19, %get3A_20] : memref<1000x128xf32, #tpu.memory_space<vmem>>, vector<1000x128xf32>
    %get3A_22 = arith.constant 0 : index
    %get3A_23 = arith.constant 0 : index
    %get3A_24 = vector.load %arg7[%get3A_22, %get3A_23] : memref<128x128xf32, #tpu.memory_space<vmem>>, vector<128x128xf32>
    %dot_general3A_25 = arith.constant dense<0.000000e+00> : vector<1000x128xf32>
    %dot_general3A_26 = tpu.matmul %get3A_21, %get3A_24, %dot_general3A_25 {dimension_numbers = #tpu.dot_dimension_numbers<[1], [0], [0], [1], [0, 0, 1, 1], [], []>, transpose_lhs_hint = false} : vector<1000x128xf32>, vector<128x128xf32>, vector<1000x128xf32> -> vector<1000x128xf32>
    %add3A_27 = arith.addf %dot_general3A_18, %dot_general3A_26 : vector<1000x128xf32>
    %get3A_28 = arith.constant 0 : index
    %get3A_29 = arith.constant 0 : index
    %get3A_30 = vector.load %arg8[%get3A_28, %get3A_29] : memref<1x128xf32, #tpu.memory_space<vmem>>, vector<1x128xf32>
    %add3A_31 = vector.broadcast %get3A_30 : vector<1x128xf32> to vector<1000x128xf32>
    %add3A_32 = arith.addf %add3A_27, %add3A_31 : vector<1000x128xf32>
    %max3A_33 = arith.constant 0.000000e+00 : f32
    %max3A_34 = vector.broadcast %max3A_33 : f32 to vector<1000x128xf32>
    %max3A_35 = arith.maximumf %add3A_32, %max3A_34 : vector<1000x128xf32>
    %swap3A = arith.constant 0 : index
    %swap3A_36 = arith.constant 0 : index
    %swap3A_37 = vector.load %arg10[%swap3A, %swap3A_36] : memref<1000x128xf32, #tpu.memory_space<vmem>>, vector<1000x128xf32>
    tpu.vector_store %arg10[%swap3A, %swap3A_36], %max3A_35 {strides = array<i32>} : memref<1000x128xf32, #tpu.memory_space<vmem>>, vector<1000x128xf32>,
    %get3A_38 = arith.constant 0 : index
    %get3A_39 = arith.constant 0 : index
    %get3A_40 = vector.load %arg9[%get3A_38, %get3A_39] : memref<128x48xf32, #tpu.memory_space<vmem>>, vector<128x48xf32>
    %dot_general3A_41 = arith.constant dense<0.000000e+00> : vector<1000x48xf32>
    %dot_general3A_42 = tpu.matmul %max3A_35, %get3A_40, %dot_general3A_41 {dimension_numbers = #tpu.dot_dimension_numbers<[1], [0], [0], [1], [0, 0, 1, 1], [], []>, transpose_lhs_hint = false} : vector<1000x128xf32>, vector<128x48xf32>, vector<1000x48xf32> -> vector<1000x48xf32>
    %swap3A_43 = arith.constant 0 : index
    %swap3A_44 = arith.constant 0 : index
    %swap3A_45 = vector.load %arg11[%swap3A_43, %swap3A_44] : memref<1000x48xf32, #tpu.memory_space<vmem>>, vector<1000x48xf32>
    tpu.vector_store %arg11[%swap3A_43, %swap3A_44], %dot_general3A_42 {strides = array<i32>} : memref<1000x48xf32, #tpu.memory_space<vmem>>, vector<1000x48xf32>,
    return
  }
  func.func @transform_0(%arg0: i32) -> (i32, i32) {
    %c0_i32 = arith.constant 0 : i32
    %c0_i32_0 = arith.constant 0 : i32
    return %arg0, %c0_i32 : i32, i32
  }
  func.func @transform_1(%arg0: i32) -> (i32, i32) {
    %c0_i32 = arith.constant 0 : i32
    %c0_i32_0 = arith.constant 0 : i32
    return %arg0, %c0_i32 : i32, i32
  }
  func.func @transform_2(%arg0: i32) -> (i32, i32) {
    %c0_i32 = arith.constant 0 : i32
    %c0_i32_0 = arith.constant 0 : i32
    return %arg0, %c0_i32 : i32, i32
  }
  func.func @transform_3(%arg0: i32) -> (i32, i32) {
    %c0_i32 = arith.constant 0 : i32
    %c0_i32_0 = arith.constant 0 : i32
    return %arg0, %c0_i32 : i32, i32
  }
  func.func @transform_4(%arg0: i32) -> (i32, i32) {
    %c0_i32 = arith.constant 0 : i32
    %c0_i32_0 = arith.constant 0 : i32
    return %arg0, %c0_i32 : i32, i32
  }
  func.func @transform_5(%arg0: i32) -> (i32, i32) {
    %c0_i32 = arith.constant 0 : i32
    %c0_i32_0 = arith.constant 0 : i32
    %c0_i32_1 = arith.constant 0 : i32
    return %c0_i32, %c0_i32_0 : i32, i32
  }
  func.func @transform_6(%arg0: i32) -> (i32, i32) {
    %c0_i32 = arith.constant 0 : i32
    %c0_i32_0 = arith.constant 0 : i32
    %c0_i32_1 = arith.constant 0 : i32
    return %c0_i32, %c0_i32_0 : i32, i32
  }
  func.func @transform_7(%arg0: i32) -> (i32, i32) {
    %c0_i32 = arith.constant 0 : i32
    %c0_i32_0 = arith.constant 0 : i32
    %c0_i32_1 = arith.constant 0 : i32
    return %c0_i32, %c0_i32_0 : i32, i32
  }
  func.func @transform_8(%arg0: i32) -> (i32, i32) {
    %c0_i32 = arith.constant 0 : i32
    %c0_i32_0 = arith.constant 0 : i32
    %c0_i32_1 = arith.constant 0 : i32
    return %c0_i32, %c0_i32_0 : i32, i32
  }
  func.func @transform_9(%arg0: i32) -> (i32, i32) {
    %c0_i32 = arith.constant 0 : i32
    %c0_i32_0 = arith.constant 0 : i32
    return %arg0, %c0_i32 : i32, i32
  }
  func.func @transform_10(%arg0: i32) -> (i32, i32) {
    %c0_i32 = arith.constant 0 : i32
    %c0_i32_0 = arith.constant 0 : i32
    return %arg0, %c0_i32 : i32, i32
  }
}

module attributes {stable_mosaic.version = 14 : i64} {
  func.func @body(%arg0: i32, %arg1: memref<1000x128xf32, #tpu.memory_space<vmem>>, %arg2: memref<1000x48xf32, #tpu.memory_space<vmem>>, %arg3: memref<1000x48xf32, #tpu.memory_space<vmem>>, %arg4: memref<1000x16xf32, #tpu.memory_space<vmem>>, %arg5: memref<1000x16xf32, #tpu.memory_space<vmem>>, %arg6: memref<128x48xf32, #tpu.memory_space<vmem>>, %arg7: memref<1x48xf32, #tpu.memory_space<vmem>>, %arg8: memref<1000x48xf32, #tpu.memory_space<vmem>>) attributes {dimension_semantics = [#tpu.dimension_semantics<arbitrary>], iteration_bounds = array<i64: 10>, scalar_prefetch = 0 : i64, scratch_operands = 0 : i64, tpu.core_type = #tpu.core_type<tc>, window_params = [{transform_indices = @transform_0, window_bounds = array<i64: 1000, 128>}, {transform_indices = @transform_1, window_bounds = array<i64: 1000, 48>}, {transform_indices = @transform_2, window_bounds = array<i64: 1000, 48>}, {transform_indices = @transform_3, window_bounds = array<i64: 1000, 16>}, {transform_indices = @transform_4, window_bounds = array<i64: 1000, 16>}, {pipeline_mode = #tpu.pipeline_mode<synchronous>, transform_indices = @transform_5, window_bounds = array<i64: 128, 48>}, {pipeline_mode = #tpu.pipeline_mode<synchronous>, transform_indices = @transform_6, window_bounds = array<i64: 1, 48>}, {transform_indices = @transform_7, window_bounds = array<i64: 1000, 48>}]} {
    %get3A = arith.constant 0 : index
    %get3A_0 = arith.constant 0 : index
    %get3A_1 = vector.load %arg4[%get3A, %get3A_0] : memref<1000x16xf32, #tpu.memory_space<vmem>>, vector<1000x1xf32>
    %get3A_2 = arith.constant 0 : index
    %get3A_3 = arith.constant 0 : index
    %get3A_4 = vector.load %arg5[%get3A_2, %get3A_3] : memref<1000x16xf32, #tpu.memory_space<vmem>>, vector<1000x1xf32>
    %add3A = arith.addf %get3A_1, %get3A_4 : vector<1000x1xf32>
    %max3A = arith.constant 1.000000e+00 : f32
    %max3A_5 = vector.broadcast %max3A : f32 to vector<1000x1xf32>
    %max3A_6 = arith.maximumf %add3A, %max3A_5 : vector<1000x1xf32>
    %get3A_7 = arith.constant 0 : index
    %get3A_8 = arith.constant 0 : index
    %get3A_9 = vector.load %arg2[%get3A_7, %get3A_8] : memref<1000x48xf32, #tpu.memory_space<vmem>>, vector<1000x48xf32>
    %get3A_10 = arith.constant 0 : index
    %get3A_11 = arith.constant 0 : index
    %get3A_12 = vector.load %arg3[%get3A_10, %get3A_11] : memref<1000x48xf32, #tpu.memory_space<vmem>>, vector<1000x48xf32>
    %add3A_13 = arith.addf %get3A_9, %get3A_12 : vector<1000x48xf32>
    %div3A = vector.broadcast %max3A_6 : vector<1000x1xf32> to vector<1000x48xf32>
    %div3A_14 = arith.divf %add3A_13, %div3A : vector<1000x48xf32>
    %get3A_15 = arith.constant 0 : index
    %get3A_16 = arith.constant 0 : index
    %get3A_17 = vector.load %arg1[%get3A_15, %get3A_16] : memref<1000x128xf32, #tpu.memory_space<vmem>>, vector<1000x128xf32>
    %get3A_18 = arith.constant 0 : index
    %get3A_19 = arith.constant 0 : index
    %get3A_20 = vector.load %arg6[%get3A_18, %get3A_19] : memref<128x48xf32, #tpu.memory_space<vmem>>, vector<128x48xf32>
    %dot_general3A = arith.constant dense<0.000000e+00> : vector<1000x48xf32>
    %dot_general3A_21 = tpu.matmul %get3A_17, %get3A_20, %dot_general3A {dimension_numbers = #tpu.dot_dimension_numbers<[1], [0], [0], [1], [0, 0, 1, 1], [], []>, transpose_lhs_hint = false} : vector<1000x128xf32>, vector<128x48xf32>, vector<1000x48xf32> -> vector<1000x48xf32>
    %add3A_22 = arith.addf %div3A_14, %dot_general3A_21 : vector<1000x48xf32>
    %get3A_23 = arith.constant 0 : index
    %get3A_24 = arith.constant 0 : index
    %get3A_25 = vector.load %arg7[%get3A_23, %get3A_24] : memref<1x48xf32, #tpu.memory_space<vmem>>, vector<1x48xf32>
    %add3A_26 = vector.broadcast %get3A_25 : vector<1x48xf32> to vector<1000x48xf32>
    %add3A_27 = arith.addf %add3A_22, %add3A_26 : vector<1000x48xf32>
    %reduce_max3A = arith.constant dense<0xFF800000> : vector<1000xf32>
    %reduce_max3A_28 = vector.multi_reduction <maximumf>, %add3A_27, %reduce_max3A [1] : vector<1000x48xf32> to vector<1000xf32>
    %broadcast_in_dim3A = vector.shape_cast %reduce_max3A_28 : vector<1000xf32> to vector<1000x1xf32>
    %sub3A = vector.broadcast %broadcast_in_dim3A : vector<1000x1xf32> to vector<1000x48xf32>
    %sub3A_29 = arith.subf %add3A_27, %sub3A : vector<1000x48xf32>
    %exp3A = math.exp %sub3A_29 : vector<1000x48xf32>
    %sub3A_30 = vector.broadcast %broadcast_in_dim3A : vector<1000x1xf32> to vector<1000x48xf32>
    %sub3A_31 = arith.subf %add3A_27, %sub3A_30 : vector<1000x48xf32>
    %reduce_sum3A = arith.constant dense<0.000000e+00> : vector<1000xf32>
    %reduce_sum3A_32 = vector.multi_reduction <add>, %exp3A, %reduce_sum3A [1] : vector<1000x48xf32> to vector<1000xf32>
    %broadcast_in_dim3A_33 = vector.shape_cast %reduce_sum3A_32 : vector<1000xf32> to vector<1000x1xf32>
    %log3A = math.log %broadcast_in_dim3A_33 : vector<1000x1xf32>
    %sub3A_34 = vector.broadcast %log3A : vector<1000x1xf32> to vector<1000x48xf32>
    %sub3A_35 = arith.subf %sub3A_31, %sub3A_34 : vector<1000x48xf32>
    %swap3A = arith.constant 0 : index
    %swap3A_36 = arith.constant 0 : index
    %swap3A_37 = vector.load %arg8[%swap3A, %swap3A_36] : memref<1000x48xf32, #tpu.memory_space<vmem>>, vector<1000x48xf32>
    tpu.vector_store %arg8[%swap3A, %swap3A_36], %sub3A_35 {strides = array<i32>} : memref<1000x48xf32, #tpu.memory_space<vmem>>, vector<1000x48xf32>,
    return
  }
  func.func @transform_0(%arg0: i32) -> (i32, i32) {
    %c0_i32 = arith.constant 0 : i32
    %c0_i32_0 = arith.constant 0 : i32
    return %arg0, %c0_i32 : i32, i32
  }
  func.func @transform_1(%arg0: i32) -> (i32, i32) {
    %c0_i32 = arith.constant 0 : i32
    %c0_i32_0 = arith.constant 0 : i32
    return %arg0, %c0_i32 : i32, i32
  }
  func.func @transform_2(%arg0: i32) -> (i32, i32) {
    %c0_i32 = arith.constant 0 : i32
    %c0_i32_0 = arith.constant 0 : i32
    return %arg0, %c0_i32 : i32, i32
  }
  func.func @transform_3(%arg0: i32) -> (i32, i32) {
    %c0_i32 = arith.constant 0 : i32
    %c0_i32_0 = arith.constant 0 : i32
    return %arg0, %c0_i32 : i32, i32
  }
  func.func @transform_4(%arg0: i32) -> (i32, i32) {
    %c0_i32 = arith.constant 0 : i32
    %c0_i32_0 = arith.constant 0 : i32
    return %arg0, %c0_i32 : i32, i32
  }
  func.func @transform_5(%arg0: i32) -> (i32, i32) {
    %c0_i32 = arith.constant 0 : i32
    %c0_i32_0 = arith.constant 0 : i32
    %c0_i32_1 = arith.constant 0 : i32
    return %c0_i32, %c0_i32_0 : i32, i32
  }
  func.func @transform_6(%arg0: i32) -> (i32, i32) {
    %c0_i32 = arith.constant 0 : i32
    %c0_i32_0 = arith.constant 0 : i32
    %c0_i32_1 = arith.constant 0 : i32
    return %c0_i32, %c0_i32_0 : i32, i32
  }
  func.func @transform_7(%arg0: i32) -> (i32, i32) {
    %c0_i32 = arith.constant 0 : i32
    %c0_i32_0 = arith.constant 0 : i32
    return %arg0, %c0_i32 : i32, i32
  }
}

</mosaic_0001>

<sc_bundles>
// kernel: kernel.11.cloned.1.call-start
scs
__scs_entry_jumppad:
0x0: {  	(pc) =	sbr.rel $0x88, $3  }
0x1: {  	(tag) =	ssettag $0x0;
	lr =	simm.s32 $0x1  }
0x2: {  	[smem:$0x3F96] =	sst lr;
	_ =	strace $0xD0000000  }
0x3: {  	_ = 	snop  }
0x4: {  	_ = 	snop  }
0x5: {  	_ = 	snop  }
0x6: {  	_ = 	snop  }
0x7: {  	_ = 	snop  }
__scs_overlays_trampoline_lowered:
0x8: {  	[smem:$0x3FA5] =	sst s0  }
0x9: {  	[smem:$0x3FA6] =	sst s1  }
0xa: {  	[smem:$0x3FA7] =	sst s2  }
0xb: {  	[smem:$0x3FA8] =	sst s3  }
0xc: {  	[smem:$0x3FA9] =	sst s4  }
0xd: {  	[smem:$0x3FAA] =	sst s5  }
0xe: {  	[smem:$0x3FAB] =	sst s6  }
0xf: {  	[smem:$0x3FAC] =	sst s7  }
0x10: {  	[smem:$0x3FAD] =	sst s8  }
0x11: {  	[smem:$0x3FAE] =	sst s9;
	s0 =	simm.s32 @!p0 $0x0  }
0x12: {  	s1 =	sld [smem:$0x3F94];
	s0 =	simm.s32 @p0 $0x1  }
0x13: {  	[smem:$0x3FAF] =	sst s0;
	s0 =	simm.s32 @!p1 $0x0  }
0x14: {  	s2 =	sld [smem:$0x3F93];
	s0 =	simm.s32 @p1 $0x1  }
0x15: {  	[smem:$0x3FB0] =	sst s0;
	s0 =	simm.s32 @!p2 $0x0  }
0x16: {  	s3 =	sld [smem:$0x3FDB];
	s0 =	simm.s32 @p2 $0x1  }
0x17: {  	s4 =	simm.s32 $0x1BF5;
	[smem:$0x3FB2] =	sst s0  }
0x18: {  	s0 =	sld [smem:$0x3F95];
	_ =	swait.ge [sflag:s4], $0x0  }
0x19: {  	s7 =	sld [smem:$0x3F96]  }
0x1a: {  	s8 =	sadd.s32 $0xFFFFE003, lr  }
0x1b: {  	s9 =	sadd.s32 $0xFFFFFEF7, lr;
	s5 =	simm.s32 $0xFFFFFFFF;
	p2 =	slt.u32 s8, $0xFFFFF086  }
0x1c: {  	p1 =	slt.u32 s9, $0xF7A;
	s5 =	simm.s32 @!p2 $0x0  }
0x1d: {  	s5 =	simm.s32 @p1 $0x1;
	p0 =	seq.s32 s7, s2  }
0x1e: {  	s7 =	smul.u32 @!p0 $0xF7A, s2;
	p2 =	seq.s32 @!p0 s5, $0x0  }
0x1f: {  	s9 =	smul.u32 $0xF7A, s1;
	s8 =	simm.s32 @!p0 $0x1BF5;
	p2 =	por !p2, p0  }
0x20: {  	[sflag:s8] =	ssyncset.s32 @!p0 $0xFFFFF086;
	s6 =	sadd.s32 @!p0 s3, s7;
	s7 =	simm.s32 @!p0 $0x108  }
0x21: {  	s3 =	sadd.s32 s3, s9;
	s6 =	sadd.s32 @!p0 $0x88, s6;
	s7 =	simm.s32 @p2 $0x1082  }
0x22: {  	[simem:s7], [sflag:s8] =	dma.local @!p0 [hbm:s6], $0xF7A  }
0x23: {  	s9 =	sor.u32 $0xD0000000, s2;
	s6 =	simm.s32 $0x108;
	_ =	swait.ge @!p0 [sflag:s8], $0x0  }
0x24: {  	s3 =	sadd.s32 $0x88, s3;
	s6 =	simm.s32 @!p1 $0x1082;
	[sflag:s4] =	ssyncset.s32 $0xFFFFF086  }
0x25: {  	[simem:s6], [sflag:s4] =	dma.local [hbm:s3], $0xF7A  }
0x26: {  	[smem:$0x3F96] =	sst s1;
	(tag) =	ssettag s2;
	_ =	strace s9  }
0x27: {  	s1 =	sld [smem:$0x3FA6]  }
0x28: {  	s2 =	sld [smem:$0x3FA7]  }
0x29: {  	s4 =	sld [smem:$0x3FA9]  }
0x2a: {  	p0 =	seq.s32 s5, $0x0;
	s5 =	sld [smem:$0x3FAA]  }
0x2b: {  	s6 =	sld [smem:$0x3FAB]  }
0x2c: {  	s7 =	sld [smem:$0x3FAC]  }
0x2d: {  	s3 =	simm.s32 $0x108;
	s8 =	sld [smem:$0x3FAD]  }
0x2e: {  	s3 =	simm.s32 @!p0 $0x1082;
	s9 =	sld [smem:$0x3FAE]  }
0x2f: {  	lr =	sadd.s32 s0, s3;
	s0 =	sld [smem:$0x3FA5]  }
0x30: {  	s3 =	sld [smem:$0x3FA8]  }
0x31: {  	[smem:$0x3FB1] =	sst s10  }
0x32: {  	s10 =	sld [smem:$0x3FAF];
	_ =	sdelay $0x3  }
0x33: {  	p0 =	seq.s32 s10, $0x1;
	s10 =	sld [smem:$0x3FB1];
	_ =	sdelay $0x3  }
0x34: {  	[smem:$0x3FB1] =	sst s10  }
0x35: {  	s10 =	sld [smem:$0x3FB0];
	_ =	sdelay $0x3  }
0x36: {  	p1 =	seq.s32 s10, $0x1;
	s10 =	sld [smem:$0x3FB1];
	_ =	sdelay $0x3  }
0x37: {  	[smem:$0x3FB1] =	sst s10  }
0x38: {  	s10 =	sld [smem:$0x3FB2]  }
0x39: {  	_ = 	snop;
	(pc) =	sbr.ind lr, $3  }
0x3a: {  	_ = 	snop  }
0x3b: {  	_ = 	snop  }
0x3c: {  	p2 =	seq.s32 s10, $0x1;
	s10 =	sld [smem:$0x3FB1]  }
0x3d: {  	_ =	shalt  }
0x3e: {  	_ =	shalt  }
0x3f: {  	_ =	shalt  }
0x40: {  	_ =	shalt  }
0x41: {  	_ =	shalt  }
0x42: {  	_ =	shalt  }
0x43: {  	_ =	shalt  }
0x44: {  	_ =	shalt  }
0x45: {  	_ =	shalt  }
0x46: {  	_ =	shalt  }
0x47: {  	_ =	shalt  }
0x48: {  	_ =	shalt  }
0x49: {  	_ =	shalt  }
0x4a: {  	_ =	shalt  }
0x4b: {  	_ =	shalt  }
0x4c: {  	_ =	shalt  }
0x4d: {  	_ =	shalt  }
0x4e: {  	_ =	shalt  }
0x4f: {  	_ =	shalt  }
0x50: {  	_ =	shalt  }
0x51: {  	_ =	shalt  }
0x52: {  	_ =	shalt  }
0x53: {  	_ =	shalt  }
0x54: {  	_ =	shalt  }
0x55: {  	_ =	shalt  }
0x56: {  	_ =	shalt  }
0x57: {  	_ =	shalt  }
0x58: {  	_ =	shalt  }
0x59: {  	_ =	shalt  }
0x5a: {  	_ =	shalt  }
0x5b: {  	_ =	shalt  }
0x5c: {  	_ =	shalt  }
0x5d: {  	_ =	shalt  }
0x5e: {  	_ =	shalt  }
0x5f: {  	_ =	shalt  }
0x60: {  	_ =	shalt  }
0x61: {  	_ =	shalt  }
0x62: {  	_ =	shalt  }
0x63: {  	_ =	shalt  }
0x64: {  	_ =	shalt  }
0x65: {  	_ =	shalt  }
0x66: {  	_ =	shalt  }
0x67: {  	_ =	shalt  }
0x68: {  	_ =	shalt  }
0x69: {  	_ =	shalt  }
0x6a: {  	_ =	shalt  }
0x6b: {  	_ =	shalt  }
0x6c: {  	_ =	shalt  }
0x6d: {  	_ =	shalt  }
0x6e: {  	_ =	shalt  }
0x6f: {  	_ =	shalt  }
0x70: {  	_ =	shalt  }
0x71: {  	_ =	shalt  }
0x72: {  	_ =	shalt  }
0x73: {  	_ =	shalt  }
0x74: {  	_ =	shalt  }
0x75: {  	_ =	shalt  }
0x76: {  	_ =	shalt  }
0x77: {  	_ =	shalt  }
0x78: {  	_ =	shalt  }
0x79: {  	_ =	shalt  }
0x7a: {  	_ =	shalt  }
0x7b: {  	_ =	shalt  }
0x7c: {  	_ =	shalt  }
0x7d: {  	_ =	shalt  }
0x7e: {  	_ =	shalt  }
0x7f: {  	_ =	shalt  }
0x80: {  	_ =	shalt  }
0x81: {  	_ =	shalt  }
0x82: {  	_ =	shalt  }
0x83: {  	_ =	shalt  }
0x84: {  	_ =	shalt  }
0x85: {  	_ =	shalt  }
0x86: {  	_ =	shalt  }
0x87: {  	_ =	shalt  }
.Lfunc_end0:
.L_simem_size_0:
called_computation.1_lowered:
.L_overlay_start_0:
0x88: {  	s2 =	sld [smem:$0x3FD9]  }
0x89: {  	s3 =	sld [smem:$0x3FFE];
	_ =	sdelay $0x1  }
0x8a: {  	s1 =	srdreg.scid  }
0x8b: {  	s0 =	sand.u32 $0x1, s1  }
0x8c: {  	s17 =	sshll.u32 s0, $0xA;
	s2 =	sadd.s32 s3, s2  }
0x8d: {  	s2 =	sadd.s32 s2, s17  }
0x8e: {  	[smem:$0x3FBD] =	sst s2  }
0x8f: {  	_ = 	snop  }
0x90: {  	s2 =	sld [smem:$0x3FD0];
	(tm) =	ssettm $0x1  }
0x91: {  	s18 =	sld [smem:$0x3FFB];
	_ =	sdelay $0x3  }
0x92: {  	_ =	strace s18  }
0x93: {  	s3 =	sld [smem:$0x3FFC];
	_ =	sdelay $0x3  }
0x94: {  	_ =	strace s3  }
0x95: {  	s3 =	sld [smem:$0x3FFD];
	_ =	sdelay $0x3  }
0x96: {  	_ =	strace s3  }
0x97: {  	_ =	strace $0x8FFFFFFF  }
0x98: {  	s19 =	sld [smem:$0x3FDB];
	_ =	sdelay $0x1  }
0x99: {  	s4 =	simm.s32 $_scs_section_size  }
0x9a: {  	s5 =	simm.s32 $_size__tile_overlayer_lowered;
	s6 =	simm.s32 $_tile_overlayer_lowered  }
0x9b: {  	s22 =	simm.s32 $0x1BFF;
	s21 =	sshll.u32 s6, $0x1;
	s3 =	sadd.s32 s4, s19  }
0x9c: {  	s7 =	simm.s32 $0x0;
	s20 =	sshll.u32 s5, $0x1;
	s5 =	sadd.s32 s21, s3  }
0x9d: {  	[timem:s7], [sflag:s22] =	dma.local [hbm:s5], s20  }
0x9e: {  	_ =	swait.ge [sflag:s22], s20  }
0x9f: {  	s4 =	ssub.s32 $0x0, s20;
	[sflag:s22] =	ssyncset.done $0x0  }
0xa0: {  	[sflag:s22] =	ssyncadd.s32 s4;
	_ =	sdelay $0x1  }
0xa1: {  	s23 =	simm.s32 $0x1B8B  }
0xa2: {  	_ =	swait.ge [sflag:s23], $0x1  }
0xa3: {  	[sflag:s23] =	ssyncset.done $0x0  }
0xa4: {  	s25 =	simm.s32 $0x1B8E;
	s24 =	sld [smem:$0x3FFE];
	[sflag:s23] =	ssyncadd.s32 $0xFFFFFFFF  }
0xa5: {  	s26 =	simm.s32 $execute0_lowered;
	[smem:$0x3FD2] =	sst s25  }
0xa6: {  	s5 =	sshll.u32 s26, $0x1;
	_ =	strace $0x80000049;
	[dreg:$0x1] =	wrdreg $0xFFFFFFFF  }
0xa7: {  	s28 =	simm.s32 $_size_execute0_lowered;
	s3 =	sadd.s32 s3, s5;
	[dreg:$0x0] =	wrdreg $0x0  }
0xa8: {  	s5 =	sshll.u32 s28, $0x1;
	[dreg:$0x2] =	wrdreg s3  }
0xa9: {  	[dreg:$0x3] =	wrdreg s5  }
0xaa: {  	[dreg:$0x4] =	wrdreg $0xC0  }
0xab: {  	_ =	task [dreg:s7], $0x5FFFF  }
0xac: {  	[dreg:$0x1] =	wrdreg $0xFFFFFFFF  }
0xad: {  	[dreg:$0x0] =	wrdreg $0x60  }
0xae: {  	[dreg:$0x2] =	wrdreg s2  }
0xaf: {  	[dreg:$0x3] =	wrdreg s24  }
0xb0: {  	[dreg:$0x4] =	wrdreg $0x48000  }
0xb1: {  	[dreg:$0x5] =	wrdreg $0x9  }
0xb2: {  	_ =	task.clear_ibuf [dreg:s7], $0x6FFFF;
	_ =	strace $0x90000049  }
0xb3: {  	s29 =	simm.s32 $0x9;
	_ =	strace $0x8000004B  }
0xb4: {  	_ =	swait.ge [sflag:s29], $0x1  }
0xb5: {  	[sflag:s29] =	ssyncadd.s32 $0xFFFFFFFF  }
0xb6: {  	_ =	strace $0x9000004B  }
0xb7: {  	_ =	sfence  }
0xb8: {  	s30 =	sld [smem:$0x0];
	_ =	sdelay $0x2  }
0xb9: {  	s31 =	sshll.u32 s1, $0xD;
	s1 =	sshrl.u32 s1, $0x2  }
0xba: {  	s3 =	sand.u32 $0x4000, s31;
	s1 =	sadd.s32 s1, s30  }
0xbb: {  	s0 =	sor.u32 s3, s0;
	s1 =	sshll.u32 s1, $0x11  }
0xbc: {  	s0 =	sor.u32 s1, s0  }
0xbd: {  	s0 =	sadd.s32 $0x8F2B, s0  }
0xbe: {  	[sflag:s0] =	ssyncadd.remote.s32 $0x1  }
0xbf: {  	_ =	sfence.sel $0xFFFF  }
0xc0: {  	[dreg:$0x0] =	wrdreg $0xFFFFFFFF;
	(pc) =	sbr.abs _section_cstart, $3  }
0xc1: {  	[dreg:$0x1] =	wrdreg $0xFFFFFFFF  }
0xc2: {  	_ =	task.clear_ibuf [dreg:s7], $0x2FFFF;
	_ =	strace $0x9FFFFFFF  }
0xc3: {  	(tm) =	ssettm $0x7FFFFFFF  }
tec
execute0_lowered:
.L_overlay_start_1:
0x0: {  	(tag) =	ssettag $0x1  }
0x1: {  	s0 =	rddreg [dreg:$0x0]  }
0x2: {  	s1 =	srdreg.scid;
	s5 =	rddreg [dreg:$0x1]  }
0x3: {  	s12 =	stileid.u32;
	s2 =	rddreg [dreg:$0x2]  }
0x4: {  	s3 =	simm.s32 $0x0;
	s13 =	simm.s32 $0x400;
	s14 =	simm.s32 $0x80  }
0x5: {  	s15 =	simm.s32 $0x800;
	s16 =	simm.s32 $0x1;
	s17 =	simm.s32 $0x480  }
0x6: {  	s18 =	simm.s32 $0x100;
	s19 =	simm.s32 $0x500;
	s20 =	simm.s32 $0x180  }
0x7: {  	s21 =	simm.s32 $0x580;
	s22 =	simm.s32 $0x200;
	s28 =	simm.s32 $0x700  }
0x8: {  	s29 =	simm.s32 $0x380;
	s30 =	simm.s32 $0x780;
	s4 =	smul.u32 $0x5000, s12  }
0x9: {  	s31 =	simm.s32 $0x0;
	s1 =	sand.u32 $0x1, s1;
	s23 =	smul.u32 $0x14000, s12  }
0xa: {  	[smem:$0x7FF] =	sst s3;
	s24 =	sshll.u32 s12, $0x6;
	s6 =	smul.u32 $0x2800, s1  }
0xb: {  	s12 =	simm.s32 $0x2;
	s7 =	smul.u32 $0x140000, s1;
	s1 =	ssub.s32 $0x2, s1  }
0xc: {  	_ =	strace $0x8000004A;
	s8 =	sshrl.u32 s23, $0x3;
	s11 =	sshrl.u32 s1, $0x1  }
0xd: {  	s25 =	sadd.s32 s23, s2;
	s4 =	sadd.s32 s6, s4;
	s7 =	sadd.s32 s23, s7  }
0xe: {  	s8 =	sadd.s32 s8, s5;
	s1 =	ssub.s32 s1, s11;
	s6 =	sor.u32 $0x1C02, s24  }
0xf: {  	s11 =	sshrl.u32 s25, $0x3;
	s23 =	simm.s32 $0x600;
	s24 =	simm.s32 $0x280  }
0x10: {  	s25 =	simm.s32 $0x680;
	s10 =	sshrl.u32 s4, $0x3;
	s4 =	sadd.s32 $0x83600, s5  }
0x11: {  	s7 =	sshrl.u32 s7, $0x3;
	s26 =	sadd.s32 $0xD200, s8;
	s1 =	smax.u32 s1, $0x1  }
0x12: {  	s9 =	sadd.s32 s10, s5;
	s5 =	sadd.s32 s7, s5;
	[dreg:$0x4] =	wrdreg s26  }
0x13: {  	[dreg:$0x6] =	wrdreg s1;
	s10 =	sadd.s32 s10, s0;
	s5 =	sadd.s32 $0xAA800, s5  }
0x14: {  	s26 =	simm.s32 $0x300;
	s9 =	sadd.s32 $0x3200, s9;
	[dreg:$0x5] =	wrdreg s5  }
.LBB2_1:
0x15: {  	s0 =	rddreg [dreg:$0x4]  }
0x16: {  	[spmem:s11], [sflag:s6] =	dma.local [hbm:s0], $0x2800  }
0x17: {  	_ =	swait.ge [sflag:s12], $0x2800  }
0x18: {  	[sflag:s12] =	ssyncset.done $0x0  }
0x19: {  	[sflag:s12] =	ssyncadd.s32 $0xFFFFD800  }
0x1a: {  	s7 =	sadd.s32 $0x0, s10;
	[bflag:$0x0] =	sbarrier.arrive $0xFFFF  }
0x1b: {  	[tilespmem:s3], [sflag:$0x2] =	stream.linear.gather [hbm4b:s7+s3], $0x400, $0x38;
	[tilespmem:$0x18800] =	vst v63  }
0x1c: {  	_ =	swait.ge [sflag:s12], $0x400  }
0x1d: {  	[sflag:s12] =	ssyncset.done $0x0  }
0x1e: {  	s8 =	sadd.s32 $0x0, s9;
	[sflag:s12] =	ssyncadd.s32 $0xFFFFFC00  }
0x1f: {  	[tilespmem:s13], [sflag:$0x2] =	stream.linear.gather [hbm4b:s8+s3], $0x400, $0x38;
	[tilespmem:$0x18800] =	vst v63  }
0x20: {  	_ =	swait.ge [sflag:s12], $0x400  }
0x21: {  	[sflag:s12] =	ssyncset.done $0x0  }
0x22: {  	[sflag:s12] =	ssyncadd.s32 $0xFFFFFC00  }
0x23: {  	[tilespmem:s15], [sflag:$0x1] =	stream.indirect.gather [hbm4b:s4+s14], $0x80, s3, s14, $0xb8;
	[tilespmem:$0x18800] =	vst v63  }
0x24: {  	_ =	swait.ge [sflag:s16], $0x4000  }
0x25: {  	[sflag:s16] =	ssyncset.done $0x0  }
0x26: {  	[sflag:s16] =	ssyncadd.s32 $0xFFFFC000  }
0x27: {  	[spmem:s2] =	stream.indirect.scatter.add.f32 [tilespmem:s15], [sflag:$0x2], $0x80, s13, s14, $0xb8;
	[tilespmem:$0x18800] =	vst v63  }
0x28: {  	_ =	swait.ge [sflag:s12], $0x4000  }
0x29: {  	[sflag:s12] =	ssyncset.done $0x0  }
0x2a: {  	[sflag:s12] =	ssyncadd.s32 $0xFFFFC000  }
0x2b: {  	[tilespmem:s15], [sflag:$0x1] =	stream.indirect.gather [hbm4b:s4+s14], $0x80, s14, s14, $0xb8;
	[tilespmem:$0x18800] =	vst v63  }
0x2c: {  	_ =	swait.ge [sflag:s16], $0x4000  }
0x2d: {  	[sflag:s16] =	ssyncset.done $0x0  }
0x2e: {  	[sflag:s16] =	ssyncadd.s32 $0xFFFFC000  }
0x2f: {  	[spmem:s2] =	stream.indirect.scatter.add.f32 [tilespmem:s15], [sflag:$0x2], $0x80, s17, s14, $0xb8;
	[tilespmem:$0x18800] =	vst v63  }
0x30: {  	_ =	swait.ge [sflag:s12], $0x4000  }
0x31: {  	[sflag:s12] =	ssyncset.done $0x0  }
0x32: {  	[sflag:s12] =	ssyncadd.s32 $0xFFFFC000  }
0x33: {  	[tilespmem:s15], [sflag:$0x1] =	stream.indirect.gather [hbm4b:s4+s14], $0x80, s18, s14, $0xb8;
	[tilespmem:$0x18800] =	vst v63  }
0x34: {  	_ =	swait.ge [sflag:s16], $0x4000  }
0x35: {  	[sflag:s16] =	ssyncset.done $0x0  }
0x36: {  	[sflag:s16] =	ssyncadd.s32 $0xFFFFC000  }
0x37: {  	[spmem:s2] =	stream.indirect.scatter.add.f32 [tilespmem:s15], [sflag:$0x2], $0x80, s19, s14, $0xb8;
	[tilespmem:$0x18800] =	vst v63  }
0x38: {  	_ =	swait.ge [sflag:s12], $0x4000  }
0x39: {  	[sflag:s12] =	ssyncset.done $0x0  }
0x3a: {  	[sflag:s12] =	ssyncadd.s32 $0xFFFFC000  }
0x3b: {  	[tilespmem:s15], [sflag:$0x1] =	stream.indirect.gather [hbm4b:s4+s14], $0x80, s20, s14, $0xb8;
	[tilespmem:$0x18800] =	vst v63  }
0x3c: {  	_ =	swait.ge [sflag:s16], $0x4000  }
0x3d: {  	[sflag:s16] =	ssyncset.done $0x0  }
0x3e: {  	[sflag:s16] =	ssyncadd.s32 $0xFFFFC000  }
0x3f: {  	[spmem:s2] =	stream.indirect.scatter.add.f32 [tilespmem:s15], [sflag:$0x2], $0x80, s21, s14, $0xb8;
	[tilespmem:$0x18800] =	vst v63  }
0x40: {  	_ =	swait.ge [sflag:s12], $0x4000  }
0x41: {  	[sflag:s12] =	ssyncset.done $0x0  }
0x42: {  	[sflag:s12] =	ssyncadd.s32 $0xFFFFC000  }
0x43: {  	[tilespmem:s15], [sflag:$0x1] =	stream.indirect.gather [hbm4b:s4+s14], $0x80, s22, s14, $0xb8;
	[tilespmem:$0x18800] =	vst v63  }
0x44: {  	_ =	swait.ge [sflag:s16], $0x4000  }
0x45: {  	[sflag:s16] =	ssyncset.done $0x0  }
0x46: {  	[sflag:s16] =	ssyncadd.s32 $0xFFFFC000  }
0x47: {  	[spmem:s2] =	stream.indirect.scatter.add.f32 [tilespmem:s15], [sflag:$0x2], $0x80, s23, s14, $0xb8;
	[tilespmem:$0x18800] =	vst v63  }
0x48: {  	_ =	swait.ge [sflag:s12], $0x4000  }
0x49: {  	[sflag:s12] =	ssyncset.done $0x0  }
0x4a: {  	[sflag:s12] =	ssyncadd.s32 $0xFFFFC000  }
0x4b: {  	[tilespmem:s15], [sflag:$0x1] =	stream.indirect.gather [hbm4b:s4+s14], $0x80, s24, s14, $0xb8;
	[tilespmem:$0x18800] =	vst v63  }
0x4c: {  	_ =	swait.ge [sflag:s16], $0x4000  }
0x4d: {  	[sflag:s16] =	ssyncset.done $0x0  }
0x4e: {  	[sflag:s16] =	ssyncadd.s32 $0xFFFFC000  }
0x4f: {  	[spmem:s2] =	stream.indirect.scatter.add.f32 [tilespmem:s15], [sflag:$0x2], $0x80, s25, s14, $0xb8;
	[tilespmem:$0x18800] =	vst v63  }
0x50: {  	_ =	swait.ge [sflag:s12], $0x4000  }
0x51: {  	[sflag:s12] =	ssyncset.done $0x0  }
0x52: {  	[sflag:s12] =	ssyncadd.s32 $0xFFFFC000  }
0x53: {  	[tilespmem:s15], [sflag:$0x1] =	stream.indirect.gather [hbm4b:s4+s14], $0x80, s26, s14, $0xb8;
	[tilespmem:$0x18800] =	vst v63  }
0x54: {  	_ =	swait.ge [sflag:s16], $0x4000  }
0x55: {  	[sflag:s16] =	ssyncset.done $0x0  }
0x56: {  	[sflag:s16] =	ssyncadd.s32 $0xFFFFC000  }
0x57: {  	[spmem:s2] =	stream.indirect.scatter.add.f32 [tilespmem:s15], [sflag:$0x2], $0x80, s28, s14, $0xb8;
	[tilespmem:$0x18800] =	vst v63  }
0x58: {  	_ =	swait.ge [sflag:s12], $0x4000  }
0x59: {  	[sflag:s12] =	ssyncset.done $0x0  }
0x5a: {  	[sflag:s12] =	ssyncadd.s32 $0xFFFFC000  }
0x5b: {  	[tilespmem:s15], [sflag:$0x1] =	stream.indirect.gather [hbm4b:s4+s14], $0x80, s29, s14, $0xb8;
	[tilespmem:$0x18800] =	vst v63  }
0x5c: {  	_ =	swait.ge [sflag:s16], $0x4000  }
0x5d: {  	[sflag:s16] =	ssyncset.done $0x0  }
0x5e: {  	[sflag:s16] =	ssyncadd.s32 $0xFFFFC000  }
0x5f: {  	[spmem:s2] =	stream.indirect.scatter.add.f32 [tilespmem:s15], [sflag:$0x2], $0x80, s30, s14, $0xb8;
	[tilespmem:$0x18800] =	vst v63  }
0x60: {  	_ =	swait.ge [sflag:s12], $0x4000  }
0x61: {  	s1 =	simm.s32 $0x80;
	s0 =	simm.s32 $0x100;
	[sflag:s12] =	ssyncset.done $0x0  }
.LBB2_2:
0x62: {  	s7 =	sadd.s32 s1, s10  }
0x63: {  	[sflag:s12] =	ssyncadd.s32 $0xFFFFC000;
	s8 =	smov.u32 s0;
	s5 =	sadd.s32 $0x80, s0  }
0x64: {  	[tilespmem:s3], [sflag:$0x2] =	stream.linear.gather [hbm4b:s7+s3], $0x400, $0x38;
	[tilespmem:$0x18800] =	vst v63  }
0x65: {  	p0 =	sne.s32 s0, $0x480;
	_ =	swait.ge [sflag:s12], $0x400  }
0x66: {  	[sflag:s12] =	ssyncset.done $0x0  }
0x67: {  	s0 =	sadd.s32 s1, s9;
	s1 =	smov.u32 s8;
	[sflag:s12] =	ssyncadd.s32 $0xFFFFFC00  }
0x68: {  	[tilespmem:s13], [sflag:$0x2] =	stream.linear.gather [hbm4b:s0+s3], $0x400, $0x38;
	[tilespmem:$0x18800] =	vst v63  }
0x69: {  	_ =	swait.ge [sflag:s12], $0x400  }
0x6a: {  	[sflag:s12] =	ssyncset.done $0x0  }
0x6b: {  	[sflag:s12] =	ssyncadd.s32 $0xFFFFFC00  }
0x6c: {  	[tilespmem:s15], [sflag:$0x1] =	stream.indirect.gather [hbm4b:s4+s14], $0x80, s3, s14, $0xb8;
	[tilespmem:$0x18800] =	vst v63  }
0x6d: {  	_ =	swait.ge [sflag:s16], $0x4000  }
0x6e: {  	[sflag:s16] =	ssyncset.done $0x0  }
0x6f: {  	[sflag:s16] =	ssyncadd.s32 $0xFFFFC000  }
0x70: {  	[spmem:s2] =	stream.indirect.scatter.add.f32 [tilespmem:s15], [sflag:$0x2], $0x80, s13, s14, $0xb8;
	[tilespmem:$0x18800] =	vst v63  }
0x71: {  	_ =	swait.ge [sflag:s12], $0x4000  }
0x72: {  	[sflag:s12] =	ssyncset.done $0x0  }
0x73: {  	[sflag:s12] =	ssyncadd.s32 $0xFFFFC000  }
0x74: {  	[tilespmem:s15], [sflag:$0x1] =	stream.indirect.gather [hbm4b:s4+s14], $0x80, s14, s14, $0xb8;
	[tilespmem:$0x18800] =	vst v63  }
0x75: {  	_ =	swait.ge [sflag:s16], $0x4000  }
0x76: {  	[sflag:s16] =	ssyncset.done $0x0  }
0x77: {  	[sflag:s16] =	ssyncadd.s32 $0xFFFFC000  }
0x78: {  	[spmem:s2] =	stream.indirect.scatter.add.f32 [tilespmem:s15], [sflag:$0x2], $0x80, s17, s14, $0xb8;
	[tilespmem:$0x18800] =	vst v63  }
0x79: {  	_ =	swait.ge [sflag:s12], $0x4000  }
0x7a: {  	[sflag:s12] =	ssyncset.done $0x0  }
0x7b: {  	[sflag:s12] =	ssyncadd.s32 $0xFFFFC000  }
0x7c: {  	[tilespmem:s15], [sflag:$0x1] =	stream.indirect.gather [hbm4b:s4+s14], $0x80, s18, s14, $0xb8;
	[tilespmem:$0x18800] =	vst v63  }
0x7d: {  	_ =	swait.ge [sflag:s16], $0x4000  }
0x7e: {  	[sflag:s16] =	ssyncset.done $0x0  }
0x7f: {  	[sflag:s16] =	ssyncadd.s32 $0xFFFFC000  }
0x80: {  	[spmem:s2] =	stream.indirect.scatter.add.f32 [tilespmem:s15], [sflag:$0x2], $0x80, s19, s14, $0xb8;
	[tilespmem:$0x18800] =	vst v63  }
0x81: {  	_ =	swait.ge [sflag:s12], $0x4000  }
0x82: {  	[sflag:s12] =	ssyncset.done $0x0  }
0x83: {  	[sflag:s12] =	ssyncadd.s32 $0xFFFFC000  }
0x84: {  	[tilespmem:s15], [sflag:$0x1] =	stream.indirect.gather [hbm4b:s4+s14], $0x80, s20, s14, $0xb8;
	[tilespmem:$0x18800] =	vst v63  }
0x85: {  	_ =	swait.ge [sflag:s16], $0x4000  }
0x86: {  	[sflag:s16] =	ssyncset.done $0x0  }
0x87: {  	[sflag:s16] =	ssyncadd.s32 $0xFFFFC000  }
0x88: {  	[spmem:s2] =	stream.indirect.scatter.add.f32 [tilespmem:s15], [sflag:$0x2], $0x80, s21, s14, $0xb8;
	[tilespmem:$0x18800] =	vst v63  }
0x89: {  	_ =	swait.ge [sflag:s12], $0x4000  }
0x8a: {  	[sflag:s12] =	ssyncset.done $0x0  }
0x8b: {  	[sflag:s12] =	ssyncadd.s32 $0xFFFFC000  }
0x8c: {  	[tilespmem:s15], [sflag:$0x1] =	stream.indirect.gather [hbm4b:s4+s14], $0x80, s22, s14, $0xb8;
	[tilespmem:$0x18800] =	vst v63  }
0x8d: {  	_ =	swait.ge [sflag:s16], $0x4000  }
0x8e: {  	[sflag:s16] =	ssyncset.done $0x0  }
0x8f: {  	[sflag:s16] =	ssyncadd.s32 $0xFFFFC000  }
0x90: {  	[spmem:s2] =	stream.indirect.scatter.add.f32 [tilespmem:s15], [sflag:$0x2], $0x80, s23, s14, $0xb8;
	[tilespmem:$0x18800] =	vst v63  }
0x91: {  	_ =	swait.ge [sflag:s12], $0x4000  }
0x92: {  	[sflag:s12] =	ssyncset.done $0x0  }
0x93: {  	[sflag:s12] =	ssyncadd.s32 $0xFFFFC000  }
0x94: {  	[tilespmem:s15], [sflag:$0x1] =	stream.indirect.gather [hbm4b:s4+s14], $0x80, s24, s14, $0xb8;
	[tilespmem:$0x18800] =	vst v63  }
0x95: {  	_ =	swait.ge [sflag:s16], $0x4000  }
0x96: {  	[sflag:s16] =	ssyncset.done $0x0  }
0x97: {  	[sflag:s16] =	ssyncadd.s32 $0xFFFFC000  }
0x98: {  	[spmem:s2] =	stream.indirect.scatter.add.f32 [tilespmem:s15], [sflag:$0x2], $0x80, s25, s14, $0xb8;
	[tilespmem:$0x18800] =	vst v63  }
0x99: {  	_ =	swait.ge [sflag:s12], $0x4000  }
0x9a: {  	[sflag:s12] =	ssyncset.done $0x0  }
0x9b: {  	[sflag:s12] =	ssyncadd.s32 $0xFFFFC000  }
0x9c: {  	[tilespmem:s15], [sflag:$0x1] =	stream.indirect.gather [hbm4b:s4+s14], $0x80, s26, s14, $0xb8;
	[tilespmem:$0x18800] =	vst v63  }
0x9d: {  	_ =	swait.ge [sflag:s16], $0x4000  }
0x9e: {  	[sflag:s16] =	ssyncset.done $0x0  }
0x9f: {  	[sflag:s16] =	ssyncadd.s32 $0xFFFFC000  }
0xa0: {  	[spmem:s2] =	stream.indirect.scatter.add.f32 [tilespmem:s15], [sflag:$0x2], $0x80, s28, s14, $0xb8;
	[tilespmem:$0x18800] =	vst v63  }
0xa1: {  	_ =	swait.ge [sflag:s12], $0x4000  }
0xa2: {  	[sflag:s12] =	ssyncset.done $0x0  }
0xa3: {  	[sflag:s12] =	ssyncadd.s32 $0xFFFFC000  }
0xa4: {  	[tilespmem:s15], [sflag:$0x1] =	stream.indirect.gather [hbm4b:s4+s14], $0x80, s29, s14, $0xb8;
	[tilespmem:$0x18800] =	vst v63  }
0xa5: {  	_ =	swait.ge [sflag:s16], $0x4000  }
.Ltmp0:
0xa6: {  	[sflag:s16] =	ssyncset.done $0x0;
	(pc) =	sbr.rel @p0 .LBB2_2-.Ltmp0, $4  }
0xa7: {  	[sflag:s16] =	ssyncadd.s32 $0xFFFFC000  }
0xa8: {  	[spmem:s2] =	stream.indirect.scatter.add.f32 [tilespmem:s15], [sflag:$0x2], $0x80, s30, s14, $0xb8;
	[tilespmem:$0x18800] =	vst v63  }
0xa9: {  	_ =	swait.ge [sflag:s12], $0x4000  }
0xaa: {  	s0 =	smov.u32 s5;
	[sflag:s12] =	ssyncset.done $0x0  }
0xab: {  	s0 =	sadd.s32 s1, s10;
	[sflag:s12] =	ssyncadd.s32 $0xFFFFC000  }
0xac: {  	[tilespmem:s3], [sflag:$0x2] =	stream.linear.gather [hbm4b:s0+s3], $0x400, $0x38;
	[tilespmem:$0x18800] =	vst v63  }
0xad: {  	_ =	swait.ge [sflag:s12], $0x400  }
0xae: {  	[sflag:s12] =	ssyncset.done $0x0  }
0xaf: {  	s5 =	sadd.s32 s1, s9;
	[sflag:s12] =	ssyncadd.s32 $0xFFFFFC00  }
0xb0: {  	[tilespmem:s13], [sflag:$0x2] =	stream.linear.gather [hbm4b:s5+s3], $0x400, $0x38;
	[tilespmem:$0x18800] =	vst v63  }
0xb1: {  	_ =	swait.ge [sflag:s12], $0x400  }
0xb2: {  	[sflag:s12] =	ssyncset.done $0x0  }
0xb3: {  	[sflag:s12] =	ssyncadd.s32 $0xFFFFFC00  }
0xb4: {  	[tilespmem:s15], [sflag:$0x1] =	stream.indirect.gather [hbm4b:s4+s14], $0x80, s3, s14, $0xb8;
	[tilespmem:$0x18800] =	vst v63  }
0xb5: {  	_ =	swait.ge [sflag:s16], $0x4000  }
0xb6: {  	[sflag:s16] =	ssyncset.done $0x0  }
0xb7: {  	[sflag:s16] =	ssyncadd.s32 $0xFFFFC000  }
0xb8: {  	[spmem:s2] =	stream.indirect.scatter.add.f32 [tilespmem:s15], [sflag:$0x2], $0x80, s13, s14, $0xb8;
	[tilespmem:$0x18800] =	vst v63  }
0xb9: {  	_ =	swait.ge [sflag:s12], $0x4000  }
0xba: {  	[sflag:s12] =	ssyncset.done $0x0  }
0xbb: {  	[sflag:s12] =	ssyncadd.s32 $0xFFFFC000  }
0xbc: {  	[tilespmem:s15], [sflag:$0x1] =	stream.indirect.gather [hbm4b:s4+s14], $0x80, s14, s14, $0xb8;
	[tilespmem:$0x18800] =	vst v63  }
0xbd: {  	_ =	swait.ge [sflag:s16], $0x4000  }
0xbe: {  	[sflag:s16] =	ssyncset.done $0x0  }
0xbf: {  	[sflag:s16] =	ssyncadd.s32 $0xFFFFC000  }
0xc0: {  	[spmem:s2] =	stream.indirect.scatter.add.f32 [tilespmem:s15], [sflag:$0x2], $0x80, s17, s14, $0xb8;
	[tilespmem:$0x18800] =	vst v63  }
0xc1: {  	_ =	swait.ge [sflag:s12], $0x4000  }
0xc2: {  	[sflag:s12] =	ssyncset.done $0x0  }
0xc3: {  	[sflag:s12] =	ssyncadd.s32 $0xFFFFC000  }
0xc4: {  	[tilespmem:s15], [sflag:$0x1] =	stream.indirect.gather [hbm4b:s4+s14], $0x80, s18, s14, $0xb8;
	[tilespmem:$0x18800] =	vst v63  }
0xc5: {  	_ =	swait.ge [sflag:s16], $0x4000  }
0xc6: {  	[sflag:s16] =	ssyncset.done $0x0  }
0xc7: {  	[sflag:s16] =	ssyncadd.s32 $0xFFFFC000  }
0xc8: {  	[spmem:s2] =	stream.indirect.scatter.add.f32 [tilespmem:s15], [sflag:$0x2], $0x80, s19, s14, $0xb8;
	[tilespmem:$0x18800] =	vst v63  }
0xc9: {  	_ =	swait.ge [sflag:s12], $0x4000  }
0xca: {  	[sflag:s12] =	ssyncset.done $0x0  }
0xcb: {  	[sflag:s12] =	ssyncadd.s32 $0xFFFFC000  }
0xcc: {  	[tilespmem:s15], [sflag:$0x1] =	stream.indirect.gather [hbm4b:s4+s14], $0x80, s20, s14, $0xb8;
	[tilespmem:$0x18800] =	vst v63  }
0xcd: {  	_ =	swait.ge [sflag:s16], $0x4000  }
0xce: {  	[sflag:s16] =	ssyncset.done $0x0  }
0xcf: {  	[sflag:s16] =	ssyncadd.s32 $0xFFFFC000  }
0xd0: {  	[spmem:s2] =	stream.indirect.scatter.add.f32 [tilespmem:s15], [sflag:$0x2], $0x80, s21, s14, $0xb8;
	[tilespmem:$0x18800] =	vst v63  }
0xd1: {  	_ =	swait.ge [sflag:s12], $0x4000  }
0xd2: {  	[sflag:s12] =	ssyncset.done $0x0  }
0xd3: {  	[sflag:s12] =	ssyncadd.s32 $0xFFFFC000  }
0xd4: {  	[tilespmem:s15], [sflag:$0x1] =	stream.indirect.gather [hbm4b:s4+s14], $0x80, s22, s14, $0xb8;
	[tilespmem:$0x18800] =	vst v63  }
0xd5: {  	_ =	swait.ge [sflag:s16], $0x4000  }
0xd6: {  	[sflag:s16] =	ssyncset.done $0x0  }
0xd7: {  	[sflag:s16] =	ssyncadd.s32 $0xFFFFC000  }
0xd8: {  	[spmem:s2] =	stream.indirect.scatter.add.f32 [tilespmem:s15], [sflag:$0x2], $0x80, s23, s14, $0xb8;
	[tilespmem:$0x18800] =	vst v63  }
0xd9: {  	_ =	swait.ge [sflag:s12], $0x4000  }
0xda: {  	[sflag:s12] =	ssyncset.done $0x0  }
0xdb: {  	[sflag:s12] =	ssyncadd.s32 $0xFFFFC000  }
0xdc: {  	[tilespmem:s15], [sflag:$0x1] =	stream.indirect.gather [hbm4b:s4+s14], $0x80, s24, s14, $0xb8;
	[tilespmem:$0x18800] =	vst v63  }
0xdd: {  	_ =	swait.ge [sflag:s16], $0x4000  }
0xde: {  	[sflag:s16] =	ssyncset.done $0x0  }
0xdf: {  	[sflag:s16] =	ssyncadd.s32 $0xFFFFC000  }
0xe0: {  	[spmem:s2] =	stream.indirect.scatter.add.f32 [tilespmem:s15], [sflag:$0x2], $0x80, s25, s14, $0xb8;
	[tilespmem:$0x18800] =	vst v63  }
0xe1: {  	_ =	swait.ge [sflag:s12], $0x4000  }
0xe2: {  	[sflag:s12] =	ssyncset.done $0x0  }
0xe3: {  	[sflag:s12] =	ssyncadd.s32 $0xFFFFC000  }
0xe4: {  	[tilespmem:s15], [sflag:$0x1] =	stream.indirect.gather [hbm4b:s4+s14], $0x80, s26, s14, $0xb8;
	[tilespmem:$0x18800] =	vst v63  }
0xe5: {  	_ =	swait.ge [sflag:s16], $0x4000  }
0xe6: {  	[sflag:s16] =	ssyncset.done $0x0  }
0xe7: {  	[sflag:s16] =	ssyncadd.s32 $0xFFFFC000  }
0xe8: {  	[spmem:s2] =	stream.indirect.scatter.add.f32 [tilespmem:s15], [sflag:$0x2], $0x80, s28, s14, $0xb8;
	[tilespmem:$0x18800] =	vst v63  }
0xe9: {  	_ =	swait.ge [sflag:s12], $0x4000  }
0xea: {  	[sflag:s12] =	ssyncset.done $0x0  }
0xeb: {  	[sflag:s12] =	ssyncadd.s32 $0xFFFFC000  }
0xec: {  	[tilespmem:s15], [sflag:$0x1] =	stream.indirect.gather [hbm4b:s4+s14], $0x80, s29, s14, $0xb8;
	[tilespmem:$0x18800] =	vst v63  }
0xed: {  	_ =	swait.ge [sflag:s16], $0x4000  }
0xee: {  	[sflag:s16] =	ssyncset.done $0x0  }
0xef: {  	[sflag:s16] =	ssyncadd.s32 $0xFFFFC000  }
0xf0: {  	[spmem:s2] =	stream.indirect.scatter.add.f32 [tilespmem:s15], [sflag:$0x2], $0x80, s30, s14, $0xb8;
	[tilespmem:$0x18800] =	vst v63  }
0xf1: {  	_ =	swait.ge [sflag:s12], $0x4000  }
0xf2: {  	[sflag:s12] =	ssyncset.done $0x0  }
0xf3: {  	[sflag:s12] =	ssyncadd.s32 $0xFFFFC000  }
0xf4: {  	[bflag:$0x0] =	sbarrier.arrive $0xFFFF  }
0xf5: {  	s7 =	rddreg [dreg:$0x5]  }
0xf6: {  	[hbm:s7], [sflag:s6] =	dma.local [spmem:s11], $0x2800  }
0xf7: {  	_ =	swait.ge [sflag:s12], $0x2800  }
0xf8: {  	s31 =	sadd.s32 $0x1, s31;
	s8 =	rddreg [dreg:$0x6]  }
0xf9: {  	p0 =	sne.s32 s31, s8  }
.Ltmp1:
0xfa: {  	_ = 	snop;
	(pc) =	sbr.rel @p0 .LBB2_1-.Ltmp1, $3  }
0xfb: {  	_ =	sdelay $0x1  }
0xfc: {  	[sflag:s12] =	ssyncset.done $0x0  }
0xfd: {  	[sflag:s12] =	ssyncadd.s32 $0xFFFFD800  }
0xfe: {  	_ =	sfence.sel $0x180000  }
0xff: {  	[bflag:$0x0] =	sbarrier.arrive $0xFFFF  }
0x100: {  	_ =	strace $0x9000004A  }
0x101: {  	s0 =	stileid.u32;
	[bflag:$0x2] =	sbarrier.arrive $0xFFFF  }
0x102: {  	p0 =	sne.s32 s0, $0x0;
	s0 =	rddreg [dreg:$0x3]  }
0x103: {  	s0 =	sadd.s32 @!p0 $0x100000, s0  }
0x104: {  	[sflag:s0] =	ssyncadd.tile.s32 @!p0 $0x1;
	_ =	shalt  }
.Lfunc_end2:
_tile_overlayer_lowered:
.L_overlay_start_2:
0x105: {  	(tag) =	ssettag $0x2  }
0x106: {  	s0 =	rddreg [dreg:$0x0];
	s2 =	stileid.u32  }
0x107: {  	s1 =	rddreg [dreg:$0x1];
	p0 =	sne.s32 s2, $0x0  }
0x108: {  	s3 =	rddreg [dreg:$0x2];
	[bflag:$0x3] =	sbarrier.arrive $0xFFFF;
	s2 =	simm.s32 @!p0 $0x1C02  }
0x109: {  	[timem:s3], [sflag:s2] =	dma.local @!p0 [hbm:s0], s1  }
0x10a: {  	s0 =	simm.s32 @!p0 $0x2  }
0x10b: {  	_ =	swait.ge @!p0 [sflag:s0], s1  }
0x10c: {  	s1 =	ssub.s32 @!p0 $0x0, s1;
	[sflag:s0] =	ssyncset.done @!p0 $0x0  }
0x10d: {  	[sflag:s0] =	ssyncadd.s32 @!p0 s1  }
0x10e: {  	[bflag:$0x3] =	sbarrier.arrive $0xFFFF  }
0x10f: {  	_ =	shalt  }

// kernel: kernel.14.cloned.1.call-start
scs
__scs_entry_jumppad:
0x0: {  	(pc) =	sbr.rel $0x88, $3  }
0x1: {  	(tag) =	ssettag $0x0;
	lr =	simm.s32 $0x1  }
0x2: {  	[smem:$0x3F96] =	sst lr;
	_ =	strace $0xD0000000  }
0x3: {  	_ = 	snop  }
0x4: {  	_ = 	snop  }
0x5: {  	_ = 	snop  }
0x6: {  	_ = 	snop  }
0x7: {  	_ = 	snop  }
__scs_overlays_trampoline_lowered:
0x8: {  	[smem:$0x3FA5] =	sst s0  }
0x9: {  	[smem:$0x3FA6] =	sst s1  }
0xa: {  	[smem:$0x3FA7] =	sst s2  }
0xb: {  	[smem:$0x3FA8] =	sst s3  }
0xc: {  	[smem:$0x3FA9] =	sst s4  }
0xd: {  	[smem:$0x3FAA] =	sst s5  }
0xe: {  	[smem:$0x3FAB] =	sst s6  }
0xf: {  	[smem:$0x3FAC] =	sst s7  }
0x10: {  	[smem:$0x3FAD] =	sst s8  }
0x11: {  	[smem:$0x3FAE] =	sst s9;
	s0 =	simm.s32 @!p0 $0x0  }
0x12: {  	s1 =	sld [smem:$0x3F94];
	s0 =	simm.s32 @p0 $0x1  }
0x13: {  	[smem:$0x3FAF] =	sst s0;
	s0 =	simm.s32 @!p1 $0x0  }
0x14: {  	s2 =	sld [smem:$0x3F93];
	s0 =	simm.s32 @p1 $0x1  }
0x15: {  	[smem:$0x3FB0] =	sst s0;
	s0 =	simm.s32 @!p2 $0x0  }
0x16: {  	s3 =	sld [smem:$0x3FDB];
	s0 =	simm.s32 @p2 $0x1  }
0x17: {  	s4 =	simm.s32 $0x1BF5;
	[smem:$0x3FB2] =	sst s0  }
0x18: {  	s0 =	sld [smem:$0x3F95];
	_ =	swait.ge [sflag:s4], $0x0  }
0x19: {  	s7 =	sld [smem:$0x3F96]  }
0x1a: {  	s8 =	sadd.s32 $0xFFFFE003, lr  }
0x1b: {  	s9 =	sadd.s32 $0xFFFFFEF7, lr;
	s5 =	simm.s32 $0xFFFFFFFF;
	p2 =	slt.u32 s8, $0xFFFFF086  }
0x1c: {  	p1 =	slt.u32 s9, $0xF7A;
	s5 =	simm.s32 @!p2 $0x0  }
0x1d: {  	s5 =	simm.s32 @p1 $0x1;
	p0 =	seq.s32 s7, s2  }
0x1e: {  	s7 =	smul.u32 @!p0 $0xF7A, s2;
	p2 =	seq.s32 @!p0 s5, $0x0  }
0x1f: {  	s9 =	smul.u32 $0xF7A, s1;
	s8 =	simm.s32 @!p0 $0x1BF5;
	p2 =	por !p2, p0  }
0x20: {  	[sflag:s8] =	ssyncset.s32 @!p0 $0xFFFFF086;
	s6 =	sadd.s32 @!p0 s3, s7;
	s7 =	simm.s32 @!p0 $0x108  }
0x21: {  	s3 =	sadd.s32 s3, s9;
	s6 =	sadd.s32 @!p0 $0x88, s6;
	s7 =	simm.s32 @p2 $0x1082  }
0x22: {  	[simem:s7], [sflag:s8] =	dma.local @!p0 [hbm:s6], $0xF7A  }
0x23: {  	s9 =	sor.u32 $0xD0000000, s2;
	s6 =	simm.s32 $0x108;
	_ =	swait.ge @!p0 [sflag:s8], $0x0  }
0x24: {  	s3 =	sadd.s32 $0x88, s3;
	s6 =	simm.s32 @!p1 $0x1082;
	[sflag:s4] =	ssyncset.s32 $0xFFFFF086  }
0x25: {  	[simem:s6], [sflag:s4] =	dma.local [hbm:s3], $0xF7A  }
0x26: {  	[smem:$0x3F96] =	sst s1;
	(tag) =	ssettag s2;
	_ =	strace s9  }
0x27: {  	s1 =	sld [smem:$0x3FA6]  }
0x28: {  	s2 =	sld [smem:$0x3FA7]  }
0x29: {  	s4 =	sld [smem:$0x3FA9]  }
0x2a: {  	p0 =	seq.s32 s5, $0x0;
	s5 =	sld [smem:$0x3FAA]  }
0x2b: {  	s6 =	sld [smem:$0x3FAB]  }
0x2c: {  	s7 =	sld [smem:$0x3FAC]  }
0x2d: {  	s3 =	simm.s32 $0x108;
	s8 =	sld [smem:$0x3FAD]  }
0x2e: {  	s3 =	simm.s32 @!p0 $0x1082;
	s9 =	sld [smem:$0x3FAE]  }
0x2f: {  	lr =	sadd.s32 s0, s3;
	s0 =	sld [smem:$0x3FA5]  }
0x30: {  	s3 =	sld [smem:$0x3FA8]  }
0x31: {  	[smem:$0x3FB1] =	sst s10  }
0x32: {  	s10 =	sld [smem:$0x3FAF];
	_ =	sdelay $0x3  }
0x33: {  	p0 =	seq.s32 s10, $0x1;
	s10 =	sld [smem:$0x3FB1];
	_ =	sdelay $0x3  }
0x34: {  	[smem:$0x3FB1] =	sst s10  }
0x35: {  	s10 =	sld [smem:$0x3FB0];
	_ =	sdelay $0x3  }
0x36: {  	p1 =	seq.s32 s10, $0x1;
	s10 =	sld [smem:$0x3FB1];
	_ =	sdelay $0x3  }
0x37: {  	[smem:$0x3FB1] =	sst s10  }
0x38: {  	s10 =	sld [smem:$0x3FB2]  }
0x39: {  	_ = 	snop;
	(pc) =	sbr.ind lr, $3  }
0x3a: {  	_ = 	snop  }
0x3b: {  	_ = 	snop  }
0x3c: {  	p2 =	seq.s32 s10, $0x1;
	s10 =	sld [smem:$0x3FB1]  }
0x3d: {  	_ =	shalt  }
0x3e: {  	_ =	shalt  }
0x3f: {  	_ =	shalt  }
0x40: {  	_ =	shalt  }
0x41: {  	_ =	shalt  }
0x42: {  	_ =	shalt  }
0x43: {  	_ =	shalt  }
0x44: {  	_ =	shalt  }
0x45: {  	_ =	shalt  }
0x46: {  	_ =	shalt  }
0x47: {  	_ =	shalt  }
0x48: {  	_ =	shalt  }
0x49: {  	_ =	shalt  }
0x4a: {  	_ =	shalt  }
0x4b: {  	_ =	shalt  }
0x4c: {  	_ =	shalt  }
0x4d: {  	_ =	shalt  }
0x4e: {  	_ =	shalt  }
0x4f: {  	_ =	shalt  }
0x50: {  	_ =	shalt  }
0x51: {  	_ =	shalt  }
0x52: {  	_ =	shalt  }
0x53: {  	_ =	shalt  }
0x54: {  	_ =	shalt  }
0x55: {  	_ =	shalt  }
0x56: {  	_ =	shalt  }
0x57: {  	_ =	shalt  }
0x58: {  	_ =	shalt  }
0x59: {  	_ =	shalt  }
0x5a: {  	_ =	shalt  }
0x5b: {  	_ =	shalt  }
0x5c: {  	_ =	shalt  }
0x5d: {  	_ =	shalt  }
0x5e: {  	_ =	shalt  }
0x5f: {  	_ =	shalt  }
0x60: {  	_ =	shalt  }
0x61: {  	_ =	shalt  }
0x62: {  	_ =	shalt  }
0x63: {  	_ =	shalt  }
0x64: {  	_ =	shalt  }
0x65: {  	_ =	shalt  }
0x66: {  	_ =	shalt  }
0x67: {  	_ =	shalt  }
0x68: {  	_ =	shalt  }
0x69: {  	_ =	shalt  }
0x6a: {  	_ =	shalt  }
0x6b: {  	_ =	shalt  }
0x6c: {  	_ =	shalt  }
0x6d: {  	_ =	shalt  }
0x6e: {  	_ =	shalt  }
0x6f: {  	_ =	shalt  }
0x70: {  	_ =	shalt  }
0x71: {  	_ =	shalt  }
0x72: {  	_ =	shalt  }
0x73: {  	_ =	shalt  }
0x74: {  	_ =	shalt  }
0x75: {  	_ =	shalt  }
0x76: {  	_ =	shalt  }
0x77: {  	_ =	shalt  }
0x78: {  	_ =	shalt  }
0x79: {  	_ =	shalt  }
0x7a: {  	_ =	shalt  }
0x7b: {  	_ =	shalt  }
0x7c: {  	_ =	shalt  }
0x7d: {  	_ =	shalt  }
0x7e: {  	_ =	shalt  }
0x7f: {  	_ =	shalt  }
0x80: {  	_ =	shalt  }
0x81: {  	_ =	shalt  }
0x82: {  	_ =	shalt  }
0x83: {  	_ =	shalt  }
0x84: {  	_ =	shalt  }
0x85: {  	_ =	shalt  }
0x86: {  	_ =	shalt  }
0x87: {  	_ =	shalt  }
.Lfunc_end0:
.L_simem_size_0:
called_computation.2_lowered:
.L_overlay_start_0:
0x88: {  	s2 =	sld [smem:$0x3FD9]  }
0x89: {  	s3 =	sld [smem:$0x3FFE];
	_ =	sdelay $0x1  }
0x8a: {  	s1 =	srdreg.scid  }
0x8b: {  	s0 =	sand.u32 $0x1, s1  }
0x8c: {  	s17 =	sshll.u32 s0, $0xA;
	s2 =	sadd.s32 s3, s2  }
0x8d: {  	s2 =	sadd.s32 s2, s17  }
0x8e: {  	[smem:$0x3FBD] =	sst s2  }
0x8f: {  	_ = 	snop  }
0x90: {  	s2 =	sld [smem:$0x3FD0];
	(tm) =	ssettm $0x1  }
0x91: {  	s18 =	sld [smem:$0x3FFB];
	_ =	sdelay $0x3  }
0x92: {  	_ =	strace s18  }
0x93: {  	s3 =	sld [smem:$0x3FFC];
	_ =	sdelay $0x3  }
0x94: {  	_ =	strace s3  }
0x95: {  	s3 =	sld [smem:$0x3FFD];
	_ =	sdelay $0x3  }
0x96: {  	_ =	strace s3  }
0x97: {  	_ =	strace $0x8FFFFFFF  }
0x98: {  	s19 =	sld [smem:$0x3FDB];
	_ =	sdelay $0x1  }
0x99: {  	s4 =	simm.s32 $_scs_section_size  }
0x9a: {  	s5 =	simm.s32 $_size__tile_overlayer_lowered;
	s6 =	simm.s32 $_tile_overlayer_lowered  }
0x9b: {  	s22 =	simm.s32 $0x1BFF;
	s21 =	sshll.u32 s6, $0x1;
	s3 =	sadd.s32 s4, s19  }
0x9c: {  	s7 =	simm.s32 $0x0;
	s20 =	sshll.u32 s5, $0x1;
	s5 =	sadd.s32 s21, s3  }
0x9d: {  	[timem:s7], [sflag:s22] =	dma.local [hbm:s5], s20  }
0x9e: {  	_ =	swait.ge [sflag:s22], s20  }
0x9f: {  	s4 =	ssub.s32 $0x0, s20;
	[sflag:s22] =	ssyncset.done $0x0  }
0xa0: {  	[sflag:s22] =	ssyncadd.s32 s4;
	_ =	sdelay $0x1  }
0xa1: {  	s23 =	simm.s32 $0x1B8B  }
0xa2: {  	_ =	swait.ge [sflag:s23], $0x1  }
0xa3: {  	[sflag:s23] =	ssyncset.done $0x0  }
0xa4: {  	s25 =	simm.s32 $0x1B8E;
	s24 =	sld [smem:$0x3FFE];
	[sflag:s23] =	ssyncadd.s32 $0xFFFFFFFF  }
0xa5: {  	s26 =	simm.s32 $execute0_lowered;
	[smem:$0x3FD2] =	sst s25  }
0xa6: {  	s5 =	sshll.u32 s26, $0x1;
	_ =	strace $0x8000004C;
	[dreg:$0x1] =	wrdreg $0xFFFFFFFF  }
0xa7: {  	s28 =	simm.s32 $_size_execute0_lowered;
	s3 =	sadd.s32 s3, s5;
	[dreg:$0x0] =	wrdreg $0x0  }
0xa8: {  	s5 =	sshll.u32 s28, $0x1;
	[dreg:$0x2] =	wrdreg s3  }
0xa9: {  	[dreg:$0x3] =	wrdreg s5  }
0xaa: {  	[dreg:$0x4] =	wrdreg $0xC0  }
0xab: {  	_ =	task [dreg:s7], $0x5FFFF  }
0xac: {  	[dreg:$0x1] =	wrdreg $0xFFFFFFFF  }
0xad: {  	[dreg:$0x0] =	wrdreg $0x60  }
0xae: {  	[dreg:$0x2] =	wrdreg s2  }
0xaf: {  	[dreg:$0x3] =	wrdreg s24  }
0xb0: {  	[dreg:$0x4] =	wrdreg $0x20000  }
0xb1: {  	[dreg:$0x5] =	wrdreg $0x9  }
0xb2: {  	_ =	task.clear_ibuf [dreg:s7], $0x6FFFF;
	_ =	strace $0x9000004C  }
0xb3: {  	s29 =	simm.s32 $0x9;
	_ =	strace $0x8000004E  }
0xb4: {  	_ =	swait.ge [sflag:s29], $0x1  }
0xb5: {  	[sflag:s29] =	ssyncadd.s32 $0xFFFFFFFF  }
0xb6: {  	_ =	strace $0x9000004E  }
0xb7: {  	_ =	sfence  }
0xb8: {  	s30 =	sld [smem:$0x0];
	_ =	sdelay $0x2  }
0xb9: {  	s31 =	sshll.u32 s1, $0xD;
	s1 =	sshrl.u32 s1, $0x2  }
0xba: {  	s3 =	sand.u32 $0x4000, s31;
	s1 =	sadd.s32 s1, s30  }
0xbb: {  	s0 =	sor.u32 s3, s0;
	s1 =	sshll.u32 s1, $0x11  }
0xbc: {  	s0 =	sor.u32 s1, s0  }
0xbd: {  	s0 =	sadd.s32 $0x8F2B, s0  }
0xbe: {  	[sflag:s0] =	ssyncadd.remote.s32 $0x1  }
0xbf: {  	_ =	sfence.sel $0xFFFF  }
0xc0: {  	[dreg:$0x0] =	wrdreg $0xFFFFFFFF;
	(pc) =	sbr.abs _section_cstart, $3  }
0xc1: {  	[dreg:$0x1] =	wrdreg $0xFFFFFFFF  }
0xc2: {  	_ =	task.clear_ibuf [dreg:s7], $0x2FFFF;
	_ =	strace $0x9FFFFFFF  }
0xc3: {  	(tm) =	ssettm $0x7FFFFFFF  }
tec
execute0_lowered:
.L_overlay_start_1:
0x0: {  	(tag) =	ssettag $0x1  }
0x1: {  	s0 =	rddreg [dreg:$0x0]  }
0x2: {  	s1 =	srdreg.scid;
	s5 =	rddreg [dreg:$0x1]  }
0x3: {  	s12 =	stileid.u32;
	s2 =	rddreg [dreg:$0x2]  }
0x4: {  	s3 =	simm.s32 $0x0;
	s13 =	simm.s32 $0x400;
	s14 =	simm.s32 $0x80  }
0x5: {  	s15 =	simm.s32 $0x800;
	s16 =	simm.s32 $0x1;
	s17 =	simm.s32 $0x480  }
0x6: {  	s18 =	simm.s32 $0x100;
	s19 =	simm.s32 $0x500;
	s20 =	simm.s32 $0x180  }
0x7: {  	s21 =	simm.s32 $0x580;
	s22 =	simm.s32 $0x200;
	s28 =	simm.s32 $0x700  }
0x8: {  	s29 =	simm.s32 $0x380;
	s30 =	simm.s32 $0x780;
	s4 =	smul.u32 $0x5000, s12  }
0x9: {  	s31 =	simm.s32 $0x0;
	s1 =	sand.u32 $0x1, s1;
	s23 =	smul.u32 $0x7800, s12  }
0xa: {  	[smem:$0x7FF] =	sst s3;
	s24 =	sshll.u32 s12, $0x6;
	s6 =	smul.u32 $0x2800, s1  }
0xb: {  	s12 =	simm.s32 $0x2;
	s7 =	smul.u32 $0x78000, s1;
	s1 =	ssub.s32 $0x2, s1  }
0xc: {  	_ =	strace $0x8000004D;
	s8 =	sshrl.u32 s23, $0x3;
	s11 =	sshrl.u32 s1, $0x1  }
0xd: {  	s25 =	sadd.s32 s23, s2;
	s4 =	sadd.s32 s6, s4;
	s7 =	sadd.s32 s23, s7  }
0xe: {  	s8 =	sadd.s32 s8, s5;
	s1 =	ssub.s32 s1, s11;
	s6 =	sor.u32 $0x1C02, s24  }
0xf: {  	s11 =	sshrl.u32 s25, $0x3;
	s23 =	simm.s32 $0x600;
	s24 =	simm.s32 $0x280  }
0x10: {  	s25 =	simm.s32 $0x680;
	s10 =	sshrl.u32 s4, $0x3;
	s4 =	sadd.s32 $0xD200, s5  }
0x11: {  	s7 =	sshrl.u32 s7, $0x3;
	s26 =	sadd.s32 $0x1BE00, s8;
	s1 =	smax.u32 s1, $0x1  }
0x12: {  	s9 =	sadd.s32 s10, s5;
	s5 =	sadd.s32 s7, s5;
	[dreg:$0x4] =	wrdreg s26  }
0x13: {  	[dreg:$0x6] =	wrdreg s1;
	s10 =	sadd.s32 s10, s0;
	s5 =	sadd.s32 $0x83600, s5  }
0x14: {  	s26 =	simm.s32 $0x300;
	s9 =	sadd.s32 $0x3200, s9;
	[dreg:$0x5] =	wrdreg s5  }
.LBB2_1:
0x15: {  	s0 =	rddreg [dreg:$0x4]  }
0x16: {  	[spmem:s11], [sflag:s6] =	dma.local [hbm:s0], $0xF00  }
0x17: {  	_ =	swait.ge [sflag:s12], $0xF00  }
0x18: {  	[sflag:s12] =	ssyncset.done $0x0  }
0x19: {  	[sflag:s12] =	ssyncadd.s32 $0xFFFFF100  }
0x1a: {  	s7 =	sadd.s32 $0x0, s10;
	[bflag:$0x0] =	sbarrier.arrive $0xFFFF  }
0x1b: {  	[tilespmem:s3], [sflag:$0x2] =	stream.linear.gather [hbm4b:s7+s3], $0x400, $0x38;
	[tilespmem:$0x9800] =	vst v63  }
0x1c: {  	_ =	swait.ge [sflag:s12], $0x400  }
0x1d: {  	[sflag:s12] =	ssyncset.done $0x0  }
0x1e: {  	s8 =	sadd.s32 $0x0, s9;
	[sflag:s12] =	ssyncadd.s32 $0xFFFFFC00  }
0x1f: {  	[tilespmem:s13], [sflag:$0x2] =	stream.linear.gather [hbm4b:s8+s3], $0x400, $0x38;
	[tilespmem:$0x9800] =	vst v63  }
0x20: {  	_ =	swait.ge [sflag:s12], $0x400  }
0x21: {  	[sflag:s12] =	ssyncset.done $0x0  }
0x22: {  	[sflag:s12] =	ssyncadd.s32 $0xFFFFFC00  }
0x23: {  	[tilespmem:s15], [sflag:$0x1] =	stream.indirect.gather [hbm4b:s4+s14], $0x30, s3, s14, $0xb8;
	[tilespmem:$0x9800] =	vst v63  }
0x24: {  	_ =	swait.ge [sflag:s16], $0x1800  }
0x25: {  	[sflag:s16] =	ssyncset.done $0x0  }
0x26: {  	[sflag:s16] =	ssyncadd.s32 $0xFFFFE800  }
0x27: {  	[spmem:s2] =	stream.indirect.scatter.add.f32 [tilespmem:s15], [sflag:$0x2], $0x30, s13, s14, $0xb8;
	[tilespmem:$0x9800] =	vst v63  }
0x28: {  	_ =	swait.ge [sflag:s12], $0x1800  }
0x29: {  	[sflag:s12] =	ssyncset.done $0x0  }
0x2a: {  	[sflag:s12] =	ssyncadd.s32 $0xFFFFE800  }
0x2b: {  	[tilespmem:s15], [sflag:$0x1] =	stream.indirect.gather [hbm4b:s4+s14], $0x30, s14, s14, $0xb8;
	[tilespmem:$0x9800] =	vst v63  }
0x2c: {  	_ =	swait.ge [sflag:s16], $0x1800  }
0x2d: {  	[sflag:s16] =	ssyncset.done $0x0  }
0x2e: {  	[sflag:s16] =	ssyncadd.s32 $0xFFFFE800  }
0x2f: {  	[spmem:s2] =	stream.indirect.scatter.add.f32 [tilespmem:s15], [sflag:$0x2], $0x30, s17, s14, $0xb8;
	[tilespmem:$0x9800] =	vst v63  }
0x30: {  	_ =	swait.ge [sflag:s12], $0x1800  }
0x31: {  	[sflag:s12] =	ssyncset.done $0x0  }
0x32: {  	[sflag:s12] =	ssyncadd.s32 $0xFFFFE800  }
0x33: {  	[tilespmem:s15], [sflag:$0x1] =	stream.indirect.gather [hbm4b:s4+s14], $0x30, s18, s14, $0xb8;
	[tilespmem:$0x9800] =	vst v63  }
0x34: {  	_ =	swait.ge [sflag:s16], $0x1800  }
0x35: {  	[sflag:s16] =	ssyncset.done $0x0  }
0x36: {  	[sflag:s16] =	ssyncadd.s32 $0xFFFFE800  }
0x37: {  	[spmem:s2] =	stream.indirect.scatter.add.f32 [tilespmem:s15], [sflag:$0x2], $0x30, s19, s14, $0xb8;
	[tilespmem:$0x9800] =	vst v63  }
0x38: {  	_ =	swait.ge [sflag:s12], $0x1800  }
0x39: {  	[sflag:s12] =	ssyncset.done $0x0  }
0x3a: {  	[sflag:s12] =	ssyncadd.s32 $0xFFFFE800  }
0x3b: {  	[tilespmem:s15], [sflag:$0x1] =	stream.indirect.gather [hbm4b:s4+s14], $0x30, s20, s14, $0xb8;
	[tilespmem:$0x9800] =	vst v63  }
0x3c: {  	_ =	swait.ge [sflag:s16], $0x1800  }
0x3d: {  	[sflag:s16] =	ssyncset.done $0x0  }
0x3e: {  	[sflag:s16] =	ssyncadd.s32 $0xFFFFE800  }
0x3f: {  	[spmem:s2] =	stream.indirect.scatter.add.f32 [tilespmem:s15], [sflag:$0x2], $0x30, s21, s14, $0xb8;
	[tilespmem:$0x9800] =	vst v63  }
0x40: {  	_ =	swait.ge [sflag:s12], $0x1800  }
0x41: {  	[sflag:s12] =	ssyncset.done $0x0  }
0x42: {  	[sflag:s12] =	ssyncadd.s32 $0xFFFFE800  }
0x43: {  	[tilespmem:s15], [sflag:$0x1] =	stream.indirect.gather [hbm4b:s4+s14], $0x30, s22, s14, $0xb8;
	[tilespmem:$0x9800] =	vst v63  }
0x44: {  	_ =	swait.ge [sflag:s16], $0x1800  }
0x45: {  	[sflag:s16] =	ssyncset.done $0x0  }
0x46: {  	[sflag:s16] =	ssyncadd.s32 $0xFFFFE800  }
0x47: {  	[spmem:s2] =	stream.indirect.scatter.add.f32 [tilespmem:s15], [sflag:$0x2], $0x30, s23, s14, $0xb8;
	[tilespmem:$0x9800] =	vst v63  }
0x48: {  	_ =	swait.ge [sflag:s12], $0x1800  }
0x49: {  	[sflag:s12] =	ssyncset.done $0x0  }
0x4a: {  	[sflag:s12] =	ssyncadd.s32 $0xFFFFE800  }
0x4b: {  	[tilespmem:s15], [sflag:$0x1] =	stream.indirect.gather [hbm4b:s4+s14], $0x30, s24, s14, $0xb8;
	[tilespmem:$0x9800] =	vst v63  }
0x4c: {  	_ =	swait.ge [sflag:s16], $0x1800  }
0x4d: {  	[sflag:s16] =	ssyncset.done $0x0  }
0x4e: {  	[sflag:s16] =	ssyncadd.s32 $0xFFFFE800  }
0x4f: {  	[spmem:s2] =	stream.indirect.scatter.add.f32 [tilespmem:s15], [sflag:$0x2], $0x30, s25, s14, $0xb8;
	[tilespmem:$0x9800] =	vst v63  }
0x50: {  	_ =	swait.ge [sflag:s12], $0x1800  }
0x51: {  	[sflag:s12] =	ssyncset.done $0x0  }
0x52: {  	[sflag:s12] =	ssyncadd.s32 $0xFFFFE800  }
0x53: {  	[tilespmem:s15], [sflag:$0x1] =	stream.indirect.gather [hbm4b:s4+s14], $0x30, s26, s14, $0xb8;
	[tilespmem:$0x9800] =	vst v63  }
0x54: {  	_ =	swait.ge [sflag:s16], $0x1800  }
0x55: {  	[sflag:s16] =	ssyncset.done $0x0  }
0x56: {  	[sflag:s16] =	ssyncadd.s32 $0xFFFFE800  }
0x57: {  	[spmem:s2] =	stream.indirect.scatter.add.f32 [tilespmem:s15], [sflag:$0x2], $0x30, s28, s14, $0xb8;
	[tilespmem:$0x9800] =	vst v63  }
0x58: {  	_ =	swait.ge [sflag:s12], $0x1800  }
0x59: {  	[sflag:s12] =	ssyncset.done $0x0  }
0x5a: {  	[sflag:s12] =	ssyncadd.s32 $0xFFFFE800  }
0x5b: {  	[tilespmem:s15], [sflag:$0x1] =	stream.indirect.gather [hbm4b:s4+s14], $0x30, s29, s14, $0xb8;
	[tilespmem:$0x9800] =	vst v63  }
0x5c: {  	_ =	swait.ge [sflag:s16], $0x1800  }
0x5d: {  	[sflag:s16] =	ssyncset.done $0x0  }
0x5e: {  	[sflag:s16] =	ssyncadd.s32 $0xFFFFE800  }
0x5f: {  	[spmem:s2] =	stream.indirect.scatter.add.f32 [tilespmem:s15], [sflag:$0x2], $0x30, s30, s14, $0xb8;
	[tilespmem:$0x9800] =	vst v63  }
0x60: {  	_ =	swait.ge [sflag:s12], $0x1800  }
0x61: {  	s1 =	simm.s32 $0x80;
	s0 =	simm.s32 $0x100;
	[sflag:s12] =	ssyncset.done $0x0  }
.LBB2_2:
0x62: {  	s7 =	sadd.s32 s1, s10  }
0x63: {  	[sflag:s12] =	ssyncadd.s32 $0xFFFFE800;
	s8 =	smov.u32 s0;
	s5 =	sadd.s32 $0x80, s0  }
0x64: {  	[tilespmem:s3], [sflag:$0x2] =	stream.linear.gather [hbm4b:s7+s3], $0x400, $0x38;
	[tilespmem:$0x9800] =	vst v63  }
0x65: {  	p0 =	sne.s32 s0, $0x480;
	_ =	swait.ge [sflag:s12], $0x400  }
0x66: {  	[sflag:s12] =	ssyncset.done $0x0  }
0x67: {  	s0 =	sadd.s32 s1, s9;
	s1 =	smov.u32 s8;
	[sflag:s12] =	ssyncadd.s32 $0xFFFFFC00  }
0x68: {  	[tilespmem:s13], [sflag:$0x2] =	stream.linear.gather [hbm4b:s0+s3], $0x400, $0x38;
	[tilespmem:$0x9800] =	vst v63  }
0x69: {  	_ =	swait.ge [sflag:s12], $0x400  }
0x6a: {  	[sflag:s12] =	ssyncset.done $0x0  }
0x6b: {  	[sflag:s12] =	ssyncadd.s32 $0xFFFFFC00  }
0x6c: {  	[tilespmem:s15], [sflag:$0x1] =	stream.indirect.gather [hbm4b:s4+s14], $0x30, s3, s14, $0xb8;
	[tilespmem:$0x9800] =	vst v63  }
0x6d: {  	_ =	swait.ge [sflag:s16], $0x1800  }
0x6e: {  	[sflag:s16] =	ssyncset.done $0x0  }
0x6f: {  	[sflag:s16] =	ssyncadd.s32 $0xFFFFE800  }
0x70: {  	[spmem:s2] =	stream.indirect.scatter.add.f32 [tilespmem:s15], [sflag:$0x2], $0x30, s13, s14, $0xb8;
	[tilespmem:$0x9800] =	vst v63  }
0x71: {  	_ =	swait.ge [sflag:s12], $0x1800  }
0x72: {  	[sflag:s12] =	ssyncset.done $0x0  }
0x73: {  	[sflag:s12] =	ssyncadd.s32 $0xFFFFE800  }
0x74: {  	[tilespmem:s15], [sflag:$0x1] =	stream.indirect.gather [hbm4b:s4+s14], $0x30, s14, s14, $0xb8;
	[tilespmem:$0x9800] =	vst v63  }
0x75: {  	_ =	swait.ge [sflag:s16], $0x1800  }
0x76: {  	[sflag:s16] =	ssyncset.done $0x0  }
0x77: {  	[sflag:s16] =	ssyncadd.s32 $0xFFFFE800  }
0x78: {  	[spmem:s2] =	stream.indirect.scatter.add.f32 [tilespmem:s15], [sflag:$0x2], $0x30, s17, s14, $0xb8;
	[tilespmem:$0x9800] =	vst v63  }
0x79: {  	_ =	swait.ge [sflag:s12], $0x1800  }
0x7a: {  	[sflag:s12] =	ssyncset.done $0x0  }
0x7b: {  	[sflag:s12] =	ssyncadd.s32 $0xFFFFE800  }
0x7c: {  	[tilespmem:s15], [sflag:$0x1] =	stream.indirect.gather [hbm4b:s4+s14], $0x30, s18, s14, $0xb8;
	[tilespmem:$0x9800] =	vst v63  }
0x7d: {  	_ =	swait.ge [sflag:s16], $0x1800  }
0x7e: {  	[sflag:s16] =	ssyncset.done $0x0  }
0x7f: {  	[sflag:s16] =	ssyncadd.s32 $0xFFFFE800  }
0x80: {  	[spmem:s2] =	stream.indirect.scatter.add.f32 [tilespmem:s15], [sflag:$0x2], $0x30, s19, s14, $0xb8;
	[tilespmem:$0x9800] =	vst v63  }
0x81: {  	_ =	swait.ge [sflag:s12], $0x1800  }
0x82: {  	[sflag:s12] =	ssyncset.done $0x0  }
0x83: {  	[sflag:s12] =	ssyncadd.s32 $0xFFFFE800  }
0x84: {  	[tilespmem:s15], [sflag:$0x1] =	stream.indirect.gather [hbm4b:s4+s14], $0x30, s20, s14, $0xb8;
	[tilespmem:$0x9800] =	vst v63  }
0x85: {  	_ =	swait.ge [sflag:s16], $0x1800  }
0x86: {  	[sflag:s16] =	ssyncset.done $0x0  }
0x87: {  	[sflag:s16] =	ssyncadd.s32 $0xFFFFE800  }
0x88: {  	[spmem:s2] =	stream.indirect.scatter.add.f32 [tilespmem:s15], [sflag:$0x2], $0x30, s21, s14, $0xb8;
	[tilespmem:$0x9800] =	vst v63  }
0x89: {  	_ =	swait.ge [sflag:s12], $0x1800  }
0x8a: {  	[sflag:s12] =	ssyncset.done $0x0  }
0x8b: {  	[sflag:s12] =	ssyncadd.s32 $0xFFFFE800  }
0x8c: {  	[tilespmem:s15], [sflag:$0x1] =	stream.indirect.gather [hbm4b:s4+s14], $0x30, s22, s14, $0xb8;
	[tilespmem:$0x9800] =	vst v63  }
0x8d: {  	_ =	swait.ge [sflag:s16], $0x1800  }
0x8e: {  	[sflag:s16] =	ssyncset.done $0x0  }
0x8f: {  	[sflag:s16] =	ssyncadd.s32 $0xFFFFE800  }
0x90: {  	[spmem:s2] =	stream.indirect.scatter.add.f32 [tilespmem:s15], [sflag:$0x2], $0x30, s23, s14, $0xb8;
	[tilespmem:$0x9800] =	vst v63  }
0x91: {  	_ =	swait.ge [sflag:s12], $0x1800  }
0x92: {  	[sflag:s12] =	ssyncset.done $0x0  }
0x93: {  	[sflag:s12] =	ssyncadd.s32 $0xFFFFE800  }
0x94: {  	[tilespmem:s15], [sflag:$0x1] =	stream.indirect.gather [hbm4b:s4+s14], $0x30, s24, s14, $0xb8;
	[tilespmem:$0x9800] =	vst v63  }
0x95: {  	_ =	swait.ge [sflag:s16], $0x1800  }
0x96: {  	[sflag:s16] =	ssyncset.done $0x0  }
0x97: {  	[sflag:s16] =	ssyncadd.s32 $0xFFFFE800  }
0x98: {  	[spmem:s2] =	stream.indirect.scatter.add.f32 [tilespmem:s15], [sflag:$0x2], $0x30, s25, s14, $0xb8;
	[tilespmem:$0x9800] =	vst v63  }
0x99: {  	_ =	swait.ge [sflag:s12], $0x1800  }
0x9a: {  	[sflag:s12] =	ssyncset.done $0x0  }
0x9b: {  	[sflag:s12] =	ssyncadd.s32 $0xFFFFE800  }
0x9c: {  	[tilespmem:s15], [sflag:$0x1] =	stream.indirect.gather [hbm4b:s4+s14], $0x30, s26, s14, $0xb8;
	[tilespmem:$0x9800] =	vst v63  }
0x9d: {  	_ =	swait.ge [sflag:s16], $0x1800  }
0x9e: {  	[sflag:s16] =	ssyncset.done $0x0  }
0x9f: {  	[sflag:s16] =	ssyncadd.s32 $0xFFFFE800  }
0xa0: {  	[spmem:s2] =	stream.indirect.scatter.add.f32 [tilespmem:s15], [sflag:$0x2], $0x30, s28, s14, $0xb8;
	[tilespmem:$0x9800] =	vst v63  }
0xa1: {  	_ =	swait.ge [sflag:s12], $0x1800  }
0xa2: {  	[sflag:s12] =	ssyncset.done $0x0  }
0xa3: {  	[sflag:s12] =	ssyncadd.s32 $0xFFFFE800  }
0xa4: {  	[tilespmem:s15], [sflag:$0x1] =	stream.indirect.gather [hbm4b:s4+s14], $0x30, s29, s14, $0xb8;
	[tilespmem:$0x9800] =	vst v63  }
0xa5: {  	_ =	swait.ge [sflag:s16], $0x1800  }
.Ltmp0:
0xa6: {  	[sflag:s16] =	ssyncset.done $0x0;
	(pc) =	sbr.rel @p0 .LBB2_2-.Ltmp0, $4  }
0xa7: {  	[sflag:s16] =	ssyncadd.s32 $0xFFFFE800  }
0xa8: {  	[spmem:s2] =	stream.indirect.scatter.add.f32 [tilespmem:s15], [sflag:$0x2], $0x30, s30, s14, $0xb8;
	[tilespmem:$0x9800] =	vst v63  }
0xa9: {  	_ =	swait.ge [sflag:s12], $0x1800  }
0xaa: {  	s0 =	smov.u32 s5;
	[sflag:s12] =	ssyncset.done $0x0  }
0xab: {  	s0 =	sadd.s32 s1, s10;
	[sflag:s12] =	ssyncadd.s32 $0xFFFFE800  }
0xac: {  	[tilespmem:s3], [sflag:$0x2] =	stream.linear.gather [hbm4b:s0+s3], $0x400, $0x38;
	[tilespmem:$0x9800] =	vst v63  }
0xad: {  	_ =	swait.ge [sflag:s12], $0x400  }
0xae: {  	[sflag:s12] =	ssyncset.done $0x0  }
0xaf: {  	s5 =	sadd.s32 s1, s9;
	[sflag:s12] =	ssyncadd.s32 $0xFFFFFC00  }
0xb0: {  	[tilespmem:s13], [sflag:$0x2] =	stream.linear.gather [hbm4b:s5+s3], $0x400, $0x38;
	[tilespmem:$0x9800] =	vst v63  }
0xb1: {  	_ =	swait.ge [sflag:s12], $0x400  }
0xb2: {  	[sflag:s12] =	ssyncset.done $0x0  }
0xb3: {  	[sflag:s12] =	ssyncadd.s32 $0xFFFFFC00  }
0xb4: {  	[tilespmem:s15], [sflag:$0x1] =	stream.indirect.gather [hbm4b:s4+s14], $0x30, s3, s14, $0xb8;
	[tilespmem:$0x9800] =	vst v63  }
0xb5: {  	_ =	swait.ge [sflag:s16], $0x1800  }
0xb6: {  	[sflag:s16] =	ssyncset.done $0x0  }
0xb7: {  	[sflag:s16] =	ssyncadd.s32 $0xFFFFE800  }
0xb8: {  	[spmem:s2] =	stream.indirect.scatter.add.f32 [tilespmem:s15], [sflag:$0x2], $0x30, s13, s14, $0xb8;
	[tilespmem:$0x9800] =	vst v63  }
0xb9: {  	_ =	swait.ge [sflag:s12], $0x1800  }
0xba: {  	[sflag:s12] =	ssyncset.done $0x0  }
0xbb: {  	[sflag:s12] =	ssyncadd.s32 $0xFFFFE800  }
0xbc: {  	[tilespmem:s15], [sflag:$0x1] =	stream.indirect.gather [hbm4b:s4+s14], $0x30, s14, s14, $0xb8;
	[tilespmem:$0x9800] =	vst v63  }
0xbd: {  	_ =	swait.ge [sflag:s16], $0x1800  }
0xbe: {  	[sflag:s16] =	ssyncset.done $0x0  }
0xbf: {  	[sflag:s16] =	ssyncadd.s32 $0xFFFFE800  }
0xc0: {  	[spmem:s2] =	stream.indirect.scatter.add.f32 [tilespmem:s15], [sflag:$0x2], $0x30, s17, s14, $0xb8;
	[tilespmem:$0x9800] =	vst v63  }
0xc1: {  	_ =	swait.ge [sflag:s12], $0x1800  }
0xc2: {  	[sflag:s12] =	ssyncset.done $0x0  }
0xc3: {  	[sflag:s12] =	ssyncadd.s32 $0xFFFFE800  }
0xc4: {  	[tilespmem:s15], [sflag:$0x1] =	stream.indirect.gather [hbm4b:s4+s14], $0x30, s18, s14, $0xb8;
	[tilespmem:$0x9800] =	vst v63  }
0xc5: {  	_ =	swait.ge [sflag:s16], $0x1800  }
0xc6: {  	[sflag:s16] =	ssyncset.done $0x0  }
0xc7: {  	[sflag:s16] =	ssyncadd.s32 $0xFFFFE800  }
0xc8: {  	[spmem:s2] =	stream.indirect.scatter.add.f32 [tilespmem:s15], [sflag:$0x2], $0x30, s19, s14, $0xb8;
	[tilespmem:$0x9800] =	vst v63  }
0xc9: {  	_ =	swait.ge [sflag:s12], $0x1800  }
0xca: {  	[sflag:s12] =	ssyncset.done $0x0  }
0xcb: {  	[sflag:s12] =	ssyncadd.s32 $0xFFFFE800  }
0xcc: {  	[tilespmem:s15], [sflag:$0x1] =	stream.indirect.gather [hbm4b:s4+s14], $0x30, s20, s14, $0xb8;
	[tilespmem:$0x9800] =	vst v63  }
0xcd: {  	_ =	swait.ge [sflag:s16], $0x1800  }
0xce: {  	[sflag:s16] =	ssyncset.done $0x0  }
0xcf: {  	[sflag:s16] =	ssyncadd.s32 $0xFFFFE800  }
0xd0: {  	[spmem:s2] =	stream.indirect.scatter.add.f32 [tilespmem:s15], [sflag:$0x2], $0x30, s21, s14, $0xb8;
	[tilespmem:$0x9800] =	vst v63  }
0xd1: {  	_ =	swait.ge [sflag:s12], $0x1800  }
0xd2: {  	[sflag:s12] =	ssyncset.done $0x0  }
0xd3: {  	[sflag:s12] =	ssyncadd.s32 $0xFFFFE800  }
0xd4: {  	[tilespmem:s15], [sflag:$0x1] =	stream.indirect.gather [hbm4b:s4+s14], $0x30, s22, s14, $0xb8;
	[tilespmem:$0x9800] =	vst v63  }
0xd5: {  	_ =	swait.ge [sflag:s16], $0x1800  }
0xd6: {  	[sflag:s16] =	ssyncset.done $0x0  }
0xd7: {  	[sflag:s16] =	ssyncadd.s32 $0xFFFFE800  }
0xd8: {  	[spmem:s2] =	stream.indirect.scatter.add.f32 [tilespmem:s15], [sflag:$0x2], $0x30, s23, s14, $0xb8;
	[tilespmem:$0x9800] =	vst v63  }
0xd9: {  	_ =	swait.ge [sflag:s12], $0x1800  }
0xda: {  	[sflag:s12] =	ssyncset.done $0x0  }
0xdb: {  	[sflag:s12] =	ssyncadd.s32 $0xFFFFE800  }
0xdc: {  	[tilespmem:s15], [sflag:$0x1] =	stream.indirect.gather [hbm4b:s4+s14], $0x30, s24, s14, $0xb8;
	[tilespmem:$0x9800] =	vst v63  }
0xdd: {  	_ =	swait.ge [sflag:s16], $0x1800  }
0xde: {  	[sflag:s16] =	ssyncset.done $0x0  }
0xdf: {  	[sflag:s16] =	ssyncadd.s32 $0xFFFFE800  }
0xe0: {  	[spmem:s2] =	stream.indirect.scatter.add.f32 [tilespmem:s15], [sflag:$0x2], $0x30, s25, s14, $0xb8;
	[tilespmem:$0x9800] =	vst v63  }
0xe1: {  	_ =	swait.ge [sflag:s12], $0x1800  }
0xe2: {  	[sflag:s12] =	ssyncset.done $0x0  }
0xe3: {  	[sflag:s12] =	ssyncadd.s32 $0xFFFFE800  }
0xe4: {  	[tilespmem:s15], [sflag:$0x1] =	stream.indirect.gather [hbm4b:s4+s14], $0x30, s26, s14, $0xb8;
	[tilespmem:$0x9800] =	vst v63  }
0xe5: {  	_ =	swait.ge [sflag:s16], $0x1800  }
0xe6: {  	[sflag:s16] =	ssyncset.done $0x0  }
0xe7: {  	[sflag:s16] =	ssyncadd.s32 $0xFFFFE800  }
0xe8: {  	[spmem:s2] =	stream.indirect.scatter.add.f32 [tilespmem:s15], [sflag:$0x2], $0x30, s28, s14, $0xb8;
	[tilespmem:$0x9800] =	vst v63  }
0xe9: {  	_ =	swait.ge [sflag:s12], $0x1800  }
0xea: {  	[sflag:s12] =	ssyncset.done $0x0  }
0xeb: {  	[sflag:s12] =	ssyncadd.s32 $0xFFFFE800  }
0xec: {  	[tilespmem:s15], [sflag:$0x1] =	stream.indirect.gather [hbm4b:s4+s14], $0x30, s29, s14, $0xb8;
	[tilespmem:$0x9800] =	vst v63  }
0xed: {  	_ =	swait.ge [sflag:s16], $0x1800  }
0xee: {  	[sflag:s16] =	ssyncset.done $0x0  }
0xef: {  	[sflag:s16] =	ssyncadd.s32 $0xFFFFE800  }
0xf0: {  	[spmem:s2] =	stream.indirect.scatter.add.f32 [tilespmem:s15], [sflag:$0x2], $0x30, s30, s14, $0xb8;
	[tilespmem:$0x9800] =	vst v63  }
0xf1: {  	_ =	swait.ge [sflag:s12], $0x1800  }
0xf2: {  	[sflag:s12] =	ssyncset.done $0x0  }
0xf3: {  	[sflag:s12] =	ssyncadd.s32 $0xFFFFE800  }
0xf4: {  	[bflag:$0x0] =	sbarrier.arrive $0xFFFF  }
0xf5: {  	s7 =	rddreg [dreg:$0x5]  }
0xf6: {  	[hbm:s7], [sflag:s6] =	dma.local [spmem:s11], $0xF00  }
0xf7: {  	_ =	swait.ge [sflag:s12], $0xF00  }
0xf8: {  	s31 =	sadd.s32 $0x1, s31;
	s8 =	rddreg [dreg:$0x6]  }
0xf9: {  	p0 =	sne.s32 s31, s8  }
.Ltmp1:
0xfa: {  	_ = 	snop;
	(pc) =	sbr.rel @p0 .LBB2_1-.Ltmp1, $3  }
0xfb: {  	_ =	sdelay $0x1  }
0xfc: {  	[sflag:s12] =	ssyncset.done $0x0  }
0xfd: {  	[sflag:s12] =	ssyncadd.s32 $0xFFFFF100  }
0xfe: {  	_ =	sfence.sel $0x180000  }
0xff: {  	[bflag:$0x0] =	sbarrier.arrive $0xFFFF  }
0x100: {  	_ =	strace $0x9000004D  }
0x101: {  	s0 =	stileid.u32;
	[bflag:$0x2] =	sbarrier.arrive $0xFFFF  }
0x102: {  	p0 =	sne.s32 s0, $0x0;
	s0 =	rddreg [dreg:$0x3]  }
0x103: {  	s0 =	sadd.s32 @!p0 $0x100000, s0  }
0x104: {  	[sflag:s0] =	ssyncadd.tile.s32 @!p0 $0x1;
	_ =	shalt  }
.Lfunc_end2:
_tile_overlayer_lowered:
.L_overlay_start_2:
0x105: {  	(tag) =	ssettag $0x2  }
0x106: {  	s0 =	rddreg [dreg:$0x0];
	s2 =	stileid.u32  }
0x107: {  	s1 =	rddreg [dreg:$0x1];
	p0 =	sne.s32 s2, $0x0  }
0x108: {  	s3 =	rddreg [dreg:$0x2];
	[bflag:$0x3] =	sbarrier.arrive $0xFFFF;
	s2 =	simm.s32 @!p0 $0x1C02  }
0x109: {  	[timem:s3], [sflag:s2] =	dma.local @!p0 [hbm:s0], s1  }
0x10a: {  	s0 =	simm.s32 @!p0 $0x2  }
0x10b: {  	_ =	swait.ge @!p0 [sflag:s0], s1  }
0x10c: {  	s1 =	ssub.s32 @!p0 $0x0, s1;
	[sflag:s0] =	ssyncset.done @!p0 $0x0  }
0x10d: {  	[sflag:s0] =	ssyncadd.s32 @!p0 s1  }
0x10e: {  	[bflag:$0x3] =	sbarrier.arrive $0xFFFF  }
0x10f: {  	_ =	shalt  }

// kernel: kernel.8.cloned.1.call-start
scs
__scs_entry_jumppad:
0x0: {  	(pc) =	sbr.rel $0x88, $3  }
0x1: {  	(tag) =	ssettag $0x0;
	lr =	simm.s32 $0x1  }
0x2: {  	[smem:$0x3F96] =	sst lr;
	_ =	strace $0xD0000000  }
0x3: {  	_ = 	snop  }
0x4: {  	_ = 	snop  }
0x5: {  	_ = 	snop  }
0x6: {  	_ = 	snop  }
0x7: {  	_ = 	snop  }
__scs_overlays_trampoline_lowered:
0x8: {  	[smem:$0x3FA5] =	sst s0  }
0x9: {  	[smem:$0x3FA6] =	sst s1  }
0xa: {  	[smem:$0x3FA7] =	sst s2  }
0xb: {  	[smem:$0x3FA8] =	sst s3  }
0xc: {  	[smem:$0x3FA9] =	sst s4  }
0xd: {  	[smem:$0x3FAA] =	sst s5  }
0xe: {  	[smem:$0x3FAB] =	sst s6  }
0xf: {  	[smem:$0x3FAC] =	sst s7  }
0x10: {  	[smem:$0x3FAD] =	sst s8  }
0x11: {  	[smem:$0x3FAE] =	sst s9;
	s0 =	simm.s32 @!p0 $0x0  }
0x12: {  	s1 =	sld [smem:$0x3F94];
	s0 =	simm.s32 @p0 $0x1  }
0x13: {  	[smem:$0x3FAF] =	sst s0;
	s0 =	simm.s32 @!p1 $0x0  }
0x14: {  	s2 =	sld [smem:$0x3F93];
	s0 =	simm.s32 @p1 $0x1  }
0x15: {  	[smem:$0x3FB0] =	sst s0;
	s0 =	simm.s32 @!p2 $0x0  }
0x16: {  	s3 =	sld [smem:$0x3FDB];
	s0 =	simm.s32 @p2 $0x1  }
0x17: {  	s4 =	simm.s32 $0x1BF5;
	[smem:$0x3FB2] =	sst s0  }
0x18: {  	s0 =	sld [smem:$0x3F95];
	_ =	swait.ge [sflag:s4], $0x0  }
0x19: {  	s7 =	sld [smem:$0x3F96]  }
0x1a: {  	s8 =	sadd.s32 $0xFFFFE003, lr  }
0x1b: {  	s9 =	sadd.s32 $0xFFFFFEF7, lr;
	s5 =	simm.s32 $0xFFFFFFFF;
	p2 =	slt.u32 s8, $0xFFFFF086  }
0x1c: {  	p1 =	slt.u32 s9, $0xF7A;
	s5 =	simm.s32 @!p2 $0x0  }
0x1d: {  	s5 =	simm.s32 @p1 $0x1;
	p0 =	seq.s32 s7, s2  }
0x1e: {  	s7 =	smul.u32 @!p0 $0xF7A, s2;
	p2 =	seq.s32 @!p0 s5, $0x0  }
0x1f: {  	s9 =	smul.u32 $0xF7A, s1;
	s8 =	simm.s32 @!p0 $0x1BF5;
	p2 =	por !p2, p0  }
0x20: {  	[sflag:s8] =	ssyncset.s32 @!p0 $0xFFFFF086;
	s6 =	sadd.s32 @!p0 s3, s7;
	s7 =	simm.s32 @!p0 $0x108  }
0x21: {  	s3 =	sadd.s32 s3, s9;
	s6 =	sadd.s32 @!p0 $0x88, s6;
	s7 =	simm.s32 @p2 $0x1082  }
0x22: {  	[simem:s7], [sflag:s8] =	dma.local @!p0 [hbm:s6], $0xF7A  }
0x23: {  	s9 =	sor.u32 $0xD0000000, s2;
	s6 =	simm.s32 $0x108;
	_ =	swait.ge @!p0 [sflag:s8], $0x0  }
0x24: {  	s3 =	sadd.s32 $0x88, s3;
	s6 =	simm.s32 @!p1 $0x1082;
	[sflag:s4] =	ssyncset.s32 $0xFFFFF086  }
0x25: {  	[simem:s6], [sflag:s4] =	dma.local [hbm:s3], $0xF7A  }
0x26: {  	[smem:$0x3F96] =	sst s1;
	(tag) =	ssettag s2;
	_ =	strace s9  }
0x27: {  	s1 =	sld [smem:$0x3FA6]  }
0x28: {  	s2 =	sld [smem:$0x3FA7]  }
0x29: {  	s4 =	sld [smem:$0x3FA9]  }
0x2a: {  	p0 =	seq.s32 s5, $0x0;
	s5 =	sld [smem:$0x3FAA]  }
0x2b: {  	s6 =	sld [smem:$0x3FAB]  }
0x2c: {  	s7 =	sld [smem:$0x3FAC]  }
0x2d: {  	s3 =	simm.s32 $0x108;
	s8 =	sld [smem:$0x3FAD]  }
0x2e: {  	s3 =	simm.s32 @!p0 $0x1082;
	s9 =	sld [smem:$0x3FAE]  }
0x2f: {  	lr =	sadd.s32 s0, s3;
	s0 =	sld [smem:$0x3FA5]  }
0x30: {  	s3 =	sld [smem:$0x3FA8]  }
0x31: {  	[smem:$0x3FB1] =	sst s10  }
0x32: {  	s10 =	sld [smem:$0x3FAF];
	_ =	sdelay $0x3  }
0x33: {  	p0 =	seq.s32 s10, $0x1;
	s10 =	sld [smem:$0x3FB1];
	_ =	sdelay $0x3  }
0x34: {  	[smem:$0x3FB1] =	sst s10  }
0x35: {  	s10 =	sld [smem:$0x3FB0];
	_ =	sdelay $0x3  }
0x36: {  	p1 =	seq.s32 s10, $0x1;
	s10 =	sld [smem:$0x3FB1];
	_ =	sdelay $0x3  }
0x37: {  	[smem:$0x3FB1] =	sst s10  }
0x38: {  	s10 =	sld [smem:$0x3FB2]  }
0x39: {  	_ = 	snop;
	(pc) =	sbr.ind lr, $3  }
0x3a: {  	_ = 	snop  }
0x3b: {  	_ = 	snop  }
0x3c: {  	p2 =	seq.s32 s10, $0x1;
	s10 =	sld [smem:$0x3FB1]  }
0x3d: {  	_ =	shalt  }
0x3e: {  	_ =	shalt  }
0x3f: {  	_ =	shalt  }
0x40: {  	_ =	shalt  }
0x41: {  	_ =	shalt  }
0x42: {  	_ =	shalt  }
0x43: {  	_ =	shalt  }
0x44: {  	_ =	shalt  }
0x45: {  	_ =	shalt  }
0x46: {  	_ =	shalt  }
0x47: {  	_ =	shalt  }
0x48: {  	_ =	shalt  }
0x49: {  	_ =	shalt  }
0x4a: {  	_ =	shalt  }
0x4b: {  	_ =	shalt  }
0x4c: {  	_ =	shalt  }
0x4d: {  	_ =	shalt  }
0x4e: {  	_ =	shalt  }
0x4f: {  	_ =	shalt  }
0x50: {  	_ =	shalt  }
0x51: {  	_ =	shalt  }
0x52: {  	_ =	shalt  }
0x53: {  	_ =	shalt  }
0x54: {  	_ =	shalt  }
0x55: {  	_ =	shalt  }
0x56: {  	_ =	shalt  }
0x57: {  	_ =	shalt  }
0x58: {  	_ =	shalt  }
0x59: {  	_ =	shalt  }
0x5a: {  	_ =	shalt  }
0x5b: {  	_ =	shalt  }
0x5c: {  	_ =	shalt  }
0x5d: {  	_ =	shalt  }
0x5e: {  	_ =	shalt  }
0x5f: {  	_ =	shalt  }
0x60: {  	_ =	shalt  }
0x61: {  	_ =	shalt  }
0x62: {  	_ =	shalt  }
0x63: {  	_ =	shalt  }
0x64: {  	_ =	shalt  }
0x65: {  	_ =	shalt  }
0x66: {  	_ =	shalt  }
0x67: {  	_ =	shalt  }
0x68: {  	_ =	shalt  }
0x69: {  	_ =	shalt  }
0x6a: {  	_ =	shalt  }
0x6b: {  	_ =	shalt  }
0x6c: {  	_ =	shalt  }
0x6d: {  	_ =	shalt  }
0x6e: {  	_ =	shalt  }
0x6f: {  	_ =	shalt  }
0x70: {  	_ =	shalt  }
0x71: {  	_ =	shalt  }
0x72: {  	_ =	shalt  }
0x73: {  	_ =	shalt  }
0x74: {  	_ =	shalt  }
0x75: {  	_ =	shalt  }
0x76: {  	_ =	shalt  }
0x77: {  	_ =	shalt  }
0x78: {  	_ =	shalt  }
0x79: {  	_ =	shalt  }
0x7a: {  	_ =	shalt  }
0x7b: {  	_ =	shalt  }
0x7c: {  	_ =	shalt  }
0x7d: {  	_ =	shalt  }
0x7e: {  	_ =	shalt  }
0x7f: {  	_ =	shalt  }
0x80: {  	_ =	shalt  }
0x81: {  	_ =	shalt  }
0x82: {  	_ =	shalt  }
0x83: {  	_ =	shalt  }
0x84: {  	_ =	shalt  }
0x85: {  	_ =	shalt  }
0x86: {  	_ =	shalt  }
0x87: {  	_ =	shalt  }
.Lfunc_end0:
.L_simem_size_0:
called_computation_lowered:
.L_overlay_start_0:
0x88: {  	s2 =	sld [smem:$0x3FD9]  }
0x89: {  	s3 =	sld [smem:$0x3FFE];
	_ =	sdelay $0x1  }
0x8a: {  	s1 =	srdreg.scid  }
0x8b: {  	s0 =	sand.u32 $0x1, s1  }
0x8c: {  	s17 =	sshll.u32 s0, $0xA;
	s2 =	sadd.s32 s3, s2  }
0x8d: {  	s2 =	sadd.s32 s2, s17  }
0x8e: {  	[smem:$0x3FBD] =	sst s2  }
0x8f: {  	_ = 	snop  }
0x90: {  	s2 =	sld [smem:$0x3FC9]  }
0x91: {  	s18 =	sld [smem:$0x3FD0];
	(tm) =	ssettm $0x1  }
0x92: {  	s4 =	sld [smem:$0x3FFB];
	_ =	sdelay $0x3  }
0x93: {  	_ =	strace s4  }
0x94: {  	s4 =	sld [smem:$0x3FFC];
	_ =	sdelay $0x3  }
0x95: {  	_ =	strace s4  }
0x96: {  	s4 =	sld [smem:$0x3FFD];
	_ =	sdelay $0x3  }
0x97: {  	_ =	strace s4  }
0x98: {  	_ =	strace $0x8FFFFFFF  }
0x99: {  	s19 =	sld [smem:$0x3FDB];
	_ =	sdelay $0x1  }
0x9a: {  	s5 =	simm.s32 $_scs_section_size  }
0x9b: {  	s6 =	simm.s32 $_size__tile_overlayer_lowered;
	s7 =	simm.s32 $_tile_overlayer_lowered  }
0x9c: {  	s22 =	simm.s32 $0x1BFF;
	s21 =	sshll.u32 s7, $0x1;
	s4 =	sadd.s32 s5, s19  }
0x9d: {  	s8 =	simm.s32 $0x0;
	s20 =	sshll.u32 s6, $0x1;
	s6 =	sadd.s32 s21, s4  }
0x9e: {  	[timem:s8], [sflag:s22] =	dma.local [hbm:s6], s20  }
0x9f: {  	_ =	swait.ge [sflag:s22], s20  }
0xa0: {  	s5 =	ssub.s32 $0x0, s20;
	[sflag:s22] =	ssyncset.done $0x0  }
0xa1: {  	[sflag:s22] =	ssyncadd.s32 s5;
	_ =	sdelay $0x1  }
0xa2: {  	s23 =	simm.s32 $0x1B8B  }
0xa3: {  	_ =	swait.ge [sflag:s23], $0x1  }
0xa4: {  	[sflag:s23] =	ssyncset.done $0x0  }
0xa5: {  	s25 =	simm.s32 $0x1B8E;
	s24 =	sld [smem:$0x3FFE];
	[sflag:s23] =	ssyncadd.s32 $0xFFFFFFFF  }
0xa6: {  	s26 =	simm.s32 $execute0_lowered;
	[smem:$0x3FD2] =	sst s25  }
0xa7: {  	s6 =	sshll.u32 s26, $0x1;
	_ =	strace $0x80000046;
	[dreg:$0x1] =	wrdreg $0xFFFFFFFF  }
0xa8: {  	s28 =	simm.s32 $_size_execute0_lowered;
	s4 =	sadd.s32 s4, s6;
	[dreg:$0x0] =	wrdreg $0x0  }
0xa9: {  	s6 =	sshll.u32 s28, $0x1;
	[dreg:$0x2] =	wrdreg s4  }
0xaa: {  	[dreg:$0x3] =	wrdreg s6  }
0xab: {  	[dreg:$0x4] =	wrdreg $0xC0  }
0xac: {  	_ =	task [dreg:s8], $0x5FFFF  }
0xad: {  	[dreg:$0x1] =	wrdreg $0xFFFFFFFF  }
0xae: {  	[dreg:$0x0] =	wrdreg $0x60  }
0xaf: {  	[dreg:$0x2] =	wrdreg s18  }
0xb0: {  	[dreg:$0x3] =	wrdreg s24  }
0xb1: {  	[dreg:$0x4] =	wrdreg s2  }
0xb2: {  	[dreg:$0x5] =	wrdreg $0x48000  }
0xb3: {  	[dreg:$0x6] =	wrdreg $0x190000  }
0xb4: {  	[dreg:$0x7] =	wrdreg $0x9  }
0xb5: {  	_ =	task.clear_ibuf [dreg:s8], $0x8FFFF;
	_ =	strace $0x90000046  }
0xb6: {  	s29 =	simm.s32 $0x9;
	_ =	strace $0x80000048  }
0xb7: {  	_ =	swait.ge [sflag:s29], $0x1  }
0xb8: {  	[sflag:s29] =	ssyncadd.s32 $0xFFFFFFFF  }
0xb9: {  	_ =	strace $0x90000048  }
0xba: {  	_ =	sfence  }
0xbb: {  	s30 =	sld [smem:$0x0];
	_ =	sdelay $0x2  }
0xbc: {  	s31 =	sshll.u32 s1, $0xD;
	s1 =	sshrl.u32 s1, $0x2  }
0xbd: {  	s3 =	sand.u32 $0x4000, s31;
	s1 =	sadd.s32 s1, s30  }
0xbe: {  	s0 =	sor.u32 s3, s0;
	s1 =	sshll.u32 s1, $0x11  }
0xbf: {  	s0 =	sor.u32 s1, s0  }
0xc0: {  	s0 =	sadd.s32 $0x8F2B, s0  }
0xc1: {  	[sflag:s0] =	ssyncadd.remote.s32 $0x1  }
0xc2: {  	_ =	sfence.sel $0xFFFF  }
0xc3: {  	[dreg:$0x0] =	wrdreg $0xFFFFFFFF;
	(pc) =	sbr.abs _section_cstart, $3  }
0xc4: {  	[dreg:$0x1] =	wrdreg $0xFFFFFFFF  }
0xc5: {  	_ =	task.clear_ibuf [dreg:s8], $0x2FFFF;
	_ =	strace $0x9FFFFFFF  }
0xc6: {  	(tm) =	ssettm $0x7FFFFFFF  }
0xc7: {  	_ =	shalt  }
tec
execute0_lowered:
.L_overlay_start_1:
0x0: {  	(tag) =	ssettag $0x1  }
0x1: {  	s0 =	rddreg [dreg:$0x0]  }
0x2: {  	s2 =	rddreg [dreg:$0x1]  }
0x3: {  	s1 =	rddreg [dreg:$0x2];
	s4 =	srdreg.scid  }
0x4: {  	s16 =	stileid.u32;
	s3 =	rddreg [dreg:$0x3];
	s5 =	simm.s32 $0x0  }
0x5: {  	s18 =	simm.s32 $0x18800;
	s28 =	simm.s32 $0x580;
	s7 =	smul.u32 $0x5000, s16  }
0x6: {  	s29 =	simm.s32 $0x200;
	s30 =	simm.s32 $0x600;
	s19 =	smul.u32 $0x14000, s16  }
0x7: {  	s6 =	sand.u32 $0x1, s4;
	s4 =	rddreg [dreg:$0x4];
	s9 =	smul.u32 $0x2800, s16  }
0x8: {  	s31 =	simm.s32 $0x280;
	[smem:$0x7FF] =	sst s5;
	s8 =	smul.u32 $0x2800, s6  }
0x9: {  	s15 =	sadd.s32 $0x35200, s2;
	s23 =	sshll.u32 s16, $0x6;
	s11 =	smul.u32 $0x140000, s6  }
0xa: {  	s16 =	simm.s32 $0x2;
	_ =	strace $0x80000047;
	s14 =	smul.u32 $0x28000, s6  }
0xb: {  	[dreg:$0x6] =	wrdreg s15;
	s6 =	ssub.s32 $0x2, s6;
	s12 =	sshrl.u32 s19, $0x3  }
0xc: {  	s13 =	sshrl.u32 s9, $0x3;
	s20 =	sshrl.u32 s6, $0x1;
	s21 =	sadd.s32 s19, s3  }
0xd: {  	s7 =	sadd.s32 s8, s7;
	s12 =	sadd.s32 s12, s2;
	s13 =	sadd.s32 s13, s2  }
0xe: {  	s11 =	sadd.s32 s19, s11;
	s14 =	sadd.s32 s9, s14;
	s6 =	ssub.s32 s6, s20  }
0xf: {  	s9 =	sadd.s32 s9, s4;
	s19 =	simm.s32 $0x400;
	s20 =	simm.s32 $0x80  }
0x10: {  	s7 =	sshrl.u32 s7, $0x3;
	s11 =	sshrl.u32 s11, $0x3;
	s14 =	sshrl.u32 s14, $0x3  }
0x11: {  	s22 =	sadd.s32 $0xD200, s12;
	s12 =	sor.u32 $0x1C02, s23;
	s24 =	sadd.s32 $0x35400, s13  }
0x12: {  	s26 =	smax.u32 s6, $0x1;
	s15 =	sshrl.u32 s9, $0x3;
	s23 =	simm.s32 $0x480  }
0x13: {  	s6 =	simm.s32 $0x700;
	s9 =	simm.s32 $0x780;
	[dreg:$0x7] =	wrdreg s22  }
0x14: {  	s10 =	sadd.s32 s7, s2;
	s11 =	sadd.s32 s11, s2;
	[dreg:$0x9] =	wrdreg s24  }
0x15: {  	s2 =	sadd.s32 s14, s2;
	[dreg:$0xc] =	wrdreg s26;
	s14 =	sadd.s32 s7, s0  }
0x16: {  	s22 =	simm.s32 $0x1;
	s24 =	simm.s32 $0x100;
	s26 =	simm.s32 $0x180  }
0x17: {  	s0 =	simm.s32 $0x300;
	s7 =	simm.s32 $0x380;
	[dreg:$0x8] =	wrdreg s12  }
0x18: {  	[dreg:$0xe] =	wrdreg s15;
	s25 =	sadd.s32 $0x3A400, s11;
	s2 =	sadd.s32 $0x8A400, s2  }
0x19: {  	s13 =	sadd.s32 $0x3200, s10;
	s11 =	sshrl.u32 s21, $0x3;
	[dreg:$0xa] =	wrdreg s25  }
0x1a: {  	s21 =	simm.s32 $0x800;
	s10 =	simm.s32 $0x0;
	[dreg:$0xb] =	wrdreg s2  }
0x1b: {  	s25 =	simm.s32 $0x500;
	s2 =	simm.s32 $0x680;
	[dreg:$0xd] =	wrdreg s11  }
.LBB2_1:
0x1c: {  	s8 =	rddreg [dreg:$0x7]  }
0x1d: {  	[spmem:s11], [sflag:s12] =	dma.local [hbm:s8], $0x2800  }
0x1e: {  	_ =	swait.ge [sflag:s16], $0x2800  }
0x1f: {  	[sflag:s16] =	ssyncset.done $0x0  }
0x20: {  	s11 =	rddreg [dreg:$0x9];
	[sflag:s16] =	ssyncadd.s32 $0xFFFFD800  }
0x21: {  	[spmem:s15], [sflag:s12] =	dma.local [hbm:s11], $0x500  }
0x22: {  	_ =	swait.ge [sflag:s16], $0x500  }
0x23: {  	[sflag:s16] =	ssyncset.done $0x0  }
0x24: {  	s12 =	rddreg [dreg:$0x6];
	[sflag:s16] =	ssyncadd.s32 $0xFFFFFB00  }
0x25: {  	[tilespmem:s18], [sflag:$0x2] =	stream.linear.gather [hbm4b:s12+s5], $0x800, $0x38;
	[tilespmem:$0x1B800] =	vst v63  }
0x26: {  	_ =	swait.ge [sflag:s16], $0x800  }
0x27: {  	[sflag:s16] =	ssyncset.done $0x0  }
0x28: {  	[sflag:s16] =	ssyncadd.s32 $0xFFFFF800  }
0x29: {  	s15 =	sadd.s32 $0x0, s14;
	[bflag:$0x0] =	sbarrier.arrive $0xFFFF  }
0x2a: {  	[tilespmem:s5], [sflag:$0x2] =	stream.linear.gather [hbm4b:s15+s5], $0x400, $0x38;
	[tilespmem:$0x1B800] =	vst v63  }
0x2b: {  	_ =	swait.ge [sflag:s16], $0x400  }
0x2c: {  	[sflag:s16] =	ssyncset.done $0x0  }
0x2d: {  	s17 =	sadd.s32 $0x0, s13;
	[sflag:s16] =	ssyncadd.s32 $0xFFFFFC00  }
0x2e: {  	[tilespmem:s19], [sflag:$0x2] =	stream.linear.gather [hbm4b:s17+s5], $0x400, $0x38;
	[tilespmem:$0x1B800] =	vst v63  }
0x2f: {  	_ =	swait.ge [sflag:s16], $0x400  }
0x30: {  	[sflag:s16] =	ssyncset.done $0x0  }
0x31: {  	[sflag:s16] =	ssyncadd.s32 $0xFFFFFC00  }
0x32: {  	[tilespmem:s21], [sflag:$0x1] =	stream.indirect.gather [hbm4b:s1+s20], $0x80, s5, s20, $0xb8;
	[tilespmem:$0x1B800] =	vst v63  }
0x33: {  	_ =	swait.ge [sflag:s22], $0x4000  }
0x34: {  	[sflag:s22] =	ssyncset.done $0x0  }
0x35: {  	[sflag:s22] =	ssyncadd.s32 $0xFFFFC000  }
0x36: {  	[spmem:s3] =	stream.indirect.scatter.add.f32 [tilespmem:s21], [sflag:$0x2], $0x80, s19, s20, $0xb8;
	[tilespmem:$0x1B800] =	vst v63  }
0x37: {  	_ =	swait.ge [sflag:s16], $0x4000  }
0x38: {  	[sflag:s16] =	ssyncset.done $0x0  }
0x39: {  	[sflag:s16] =	ssyncadd.s32 $0xFFFFC000  }
0x3a: {  	[spmem:s4] =	stream.indirect.scatter.add.f32 [tilespmem:s18], [sflag:$0x2], $0x10, s19, s20, $0xb8;
	[tilespmem:$0x1B800] =	vst v63  }
0x3b: {  	_ =	swait.ge [sflag:s16], $0x800  }
0x3c: {  	[sflag:s16] =	ssyncset.done $0x0  }
0x3d: {  	[sflag:s16] =	ssyncadd.s32 $0xFFFFF800  }
0x3e: {  	[tilespmem:s21], [sflag:$0x1] =	stream.indirect.gather [hbm4b:s1+s20], $0x80, s20, s20, $0xb8;
	[tilespmem:$0x1B800] =	vst v63  }
0x3f: {  	_ =	swait.ge [sflag:s22], $0x4000  }
0x40: {  	[sflag:s22] =	ssyncset.done $0x0  }
0x41: {  	[sflag:s22] =	ssyncadd.s32 $0xFFFFC000  }
0x42: {  	[spmem:s3] =	stream.indirect.scatter.add.f32 [tilespmem:s21], [sflag:$0x2], $0x80, s23, s20, $0xb8;
	[tilespmem:$0x1B800] =	vst v63  }
0x43: {  	_ =	swait.ge [sflag:s16], $0x4000  }
0x44: {  	[sflag:s16] =	ssyncset.done $0x0  }
0x45: {  	[sflag:s16] =	ssyncadd.s32 $0xFFFFC000  }
0x46: {  	[spmem:s4] =	stream.indirect.scatter.add.f32 [tilespmem:s18], [sflag:$0x2], $0x10, s23, s20, $0xb8;
	[tilespmem:$0x1B800] =	vst v63  }
0x47: {  	_ =	swait.ge [sflag:s16], $0x800  }
0x48: {  	[sflag:s16] =	ssyncset.done $0x0  }
0x49: {  	[sflag:s16] =	ssyncadd.s32 $0xFFFFF800  }
0x4a: {  	[tilespmem:s21], [sflag:$0x1] =	stream.indirect.gather [hbm4b:s1+s20], $0x80, s24, s20, $0xb8;
	[tilespmem:$0x1B800] =	vst v63  }
0x4b: {  	_ =	swait.ge [sflag:s22], $0x4000  }
0x4c: {  	[sflag:s22] =	ssyncset.done $0x0  }
0x4d: {  	[sflag:s22] =	ssyncadd.s32 $0xFFFFC000  }
0x4e: {  	[spmem:s3] =	stream.indirect.scatter.add.f32 [tilespmem:s21], [sflag:$0x2], $0x80, s25, s20, $0xb8;
	[tilespmem:$0x1B800] =	vst v63  }
0x4f: {  	_ =	swait.ge [sflag:s16], $0x4000  }
0x50: {  	[sflag:s16] =	ssyncset.done $0x0  }
0x51: {  	[sflag:s16] =	ssyncadd.s32 $0xFFFFC000  }
0x52: {  	[spmem:s4] =	stream.indirect.scatter.add.f32 [tilespmem:s18], [sflag:$0x2], $0x10, s25, s20, $0xb8;
	[tilespmem:$0x1B800] =	vst v63  }
0x53: {  	_ =	swait.ge [sflag:s16], $0x800  }
0x54: {  	[sflag:s16] =	ssyncset.done $0x0  }
0x55: {  	[sflag:s16] =	ssyncadd.s32 $0xFFFFF800  }
0x56: {  	[tilespmem:s21], [sflag:$0x1] =	stream.indirect.gather [hbm4b:s1+s20], $0x80, s26, s20, $0xb8;
	[tilespmem:$0x1B800] =	vst v63  }
0x57: {  	_ =	swait.ge [sflag:s22], $0x4000  }
0x58: {  	[sflag:s22] =	ssyncset.done $0x0  }
0x59: {  	[sflag:s22] =	ssyncadd.s32 $0xFFFFC000  }
0x5a: {  	[spmem:s3] =	stream.indirect.scatter.add.f32 [tilespmem:s21], [sflag:$0x2], $0x80, s28, s20, $0xb8;
	[tilespmem:$0x1B800] =	vst v63  }
0x5b: {  	_ =	swait.ge [sflag:s16], $0x4000  }
0x5c: {  	[sflag:s16] =	ssyncset.done $0x0  }
0x5d: {  	[sflag:s16] =	ssyncadd.s32 $0xFFFFC000  }
0x5e: {  	[spmem:s4] =	stream.indirect.scatter.add.f32 [tilespmem:s18], [sflag:$0x2], $0x10, s28, s20, $0xb8;
	[tilespmem:$0x1B800] =	vst v63  }
0x5f: {  	_ =	swait.ge [sflag:s16], $0x800  }
0x60: {  	[sflag:s16] =	ssyncset.done $0x0  }
0x61: {  	[sflag:s16] =	ssyncadd.s32 $0xFFFFF800  }
0x62: {  	[tilespmem:s21], [sflag:$0x1] =	stream.indirect.gather [hbm4b:s1+s20], $0x80, s29, s20, $0xb8;
	[tilespmem:$0x1B800] =	vst v63  }
0x63: {  	_ =	swait.ge [sflag:s22], $0x4000  }
0x64: {  	[sflag:s22] =	ssyncset.done $0x0  }
0x65: {  	[sflag:s22] =	ssyncadd.s32 $0xFFFFC000  }
0x66: {  	[spmem:s3] =	stream.indirect.scatter.add.f32 [tilespmem:s21], [sflag:$0x2], $0x80, s30, s20, $0xb8;
	[tilespmem:$0x1B800] =	vst v63  }
0x67: {  	_ =	swait.ge [sflag:s16], $0x4000  }
0x68: {  	[sflag:s16] =	ssyncset.done $0x0  }
0x69: {  	[sflag:s16] =	ssyncadd.s32 $0xFFFFC000  }
0x6a: {  	[spmem:s4] =	stream.indirect.scatter.add.f32 [tilespmem:s18], [sflag:$0x2], $0x10, s30, s20, $0xb8;
	[tilespmem:$0x1B800] =	vst v63  }
0x6b: {  	_ =	swait.ge [sflag:s16], $0x800  }
0x6c: {  	[sflag:s16] =	ssyncset.done $0x0  }
0x6d: {  	[sflag:s16] =	ssyncadd.s32 $0xFFFFF800  }
0x6e: {  	[tilespmem:s21], [sflag:$0x1] =	stream.indirect.gather [hbm4b:s1+s20], $0x80, s31, s20, $0xb8;
	[tilespmem:$0x1B800] =	vst v63  }
0x6f: {  	_ =	swait.ge [sflag:s22], $0x4000  }
0x70: {  	[sflag:s22] =	ssyncset.done $0x0  }
0x71: {  	[sflag:s22] =	ssyncadd.s32 $0xFFFFC000  }
0x72: {  	[spmem:s3] =	stream.indirect.scatter.add.f32 [tilespmem:s21], [sflag:$0x2], $0x80, s2, s20, $0xb8;
	[tilespmem:$0x1B800] =	vst v63  }
0x73: {  	_ =	swait.ge [sflag:s16], $0x4000  }
0x74: {  	[sflag:s16] =	ssyncset.done $0x0  }
0x75: {  	[sflag:s16] =	ssyncadd.s32 $0xFFFFC000  }
0x76: {  	[spmem:s4] =	stream.indirect.scatter.add.f32 [tilespmem:s18], [sflag:$0x2], $0x10, s2, s20, $0xb8;
	[tilespmem:$0x1B800] =	vst v63  }
0x77: {  	_ =	swait.ge [sflag:s16], $0x800  }
0x78: {  	[sflag:s16] =	ssyncset.done $0x0  }
0x79: {  	[sflag:s16] =	ssyncadd.s32 $0xFFFFF800  }
0x7a: {  	[tilespmem:s21], [sflag:$0x1] =	stream.indirect.gather [hbm4b:s1+s20], $0x80, s0, s20, $0xb8;
	[tilespmem:$0x1B800] =	vst v63  }
0x7b: {  	_ =	swait.ge [sflag:s22], $0x4000  }
0x7c: {  	[sflag:s22] =	ssyncset.done $0x0  }
0x7d: {  	[sflag:s22] =	ssyncadd.s32 $0xFFFFC000  }
0x7e: {  	[spmem:s3] =	stream.indirect.scatter.add.f32 [tilespmem:s21], [sflag:$0x2], $0x80, s6, s20, $0xb8;
	[tilespmem:$0x1B800] =	vst v63  }
0x7f: {  	_ =	swait.ge [sflag:s16], $0x4000  }
0x80: {  	[sflag:s16] =	ssyncset.done $0x0  }
0x81: {  	[sflag:s16] =	ssyncadd.s32 $0xFFFFC000  }
0x82: {  	[spmem:s4] =	stream.indirect.scatter.add.f32 [tilespmem:s18], [sflag:$0x2], $0x10, s6, s20, $0xb8;
	[tilespmem:$0x1B800] =	vst v63  }
0x83: {  	_ =	swait.ge [sflag:s16], $0x800  }
0x84: {  	[sflag:s16] =	ssyncset.done $0x0  }
0x85: {  	[sflag:s16] =	ssyncadd.s32 $0xFFFFF800  }
0x86: {  	[tilespmem:s21], [sflag:$0x1] =	stream.indirect.gather [hbm4b:s1+s20], $0x80, s7, s20, $0xb8;
	[tilespmem:$0x1B800] =	vst v63  }
0x87: {  	_ =	swait.ge [sflag:s22], $0x4000  }
0x88: {  	[sflag:s22] =	ssyncset.done $0x0  }
0x89: {  	[sflag:s22] =	ssyncadd.s32 $0xFFFFC000  }
0x8a: {  	[spmem:s3] =	stream.indirect.scatter.add.f32 [tilespmem:s21], [sflag:$0x2], $0x80, s9, s20, $0xb8;
	[tilespmem:$0x1B800] =	vst v63  }
0x8b: {  	_ =	swait.ge [sflag:s16], $0x4000  }
0x8c: {  	[sflag:s16] =	ssyncset.done $0x0  }
0x8d: {  	[sflag:s16] =	ssyncadd.s32 $0xFFFFC000  }
0x8e: {  	[spmem:s4] =	stream.indirect.scatter.add.f32 [tilespmem:s18], [sflag:$0x2], $0x10, s9, s20, $0xb8;
	[tilespmem:$0x1B800] =	vst v63  }
0x8f: {  	_ =	swait.ge [sflag:s16], $0x800  }
0x90: {  	s11 =	simm.s32 $0x80;
	s12 =	simm.s32 $0x100;
	[sflag:s16] =	ssyncset.done $0x0  }
.LBB2_2:
0x91: {  	s17 =	sadd.s32 s11, s14  }
0x92: {  	[sflag:s16] =	ssyncadd.s32 $0xFFFFF800;
	s8 =	smov.u32 s12;
	s15 =	sadd.s32 $0x80, s12  }
0x93: {  	[tilespmem:s5], [sflag:$0x2] =	stream.linear.gather [hbm4b:s17+s5], $0x400, $0x38;
	[tilespmem:$0x1B800] =	vst v63  }
0x94: {  	p0 =	sne.s32 s12, $0x480;
	_ =	swait.ge [sflag:s16], $0x400  }
0x95: {  	[sflag:s16] =	ssyncset.done $0x0  }
0x96: {  	s12 =	sadd.s32 s11, s13;
	s11 =	smov.u32 s8;
	[sflag:s16] =	ssyncadd.s32 $0xFFFFFC00  }
0x97: {  	[tilespmem:s19], [sflag:$0x2] =	stream.linear.gather [hbm4b:s12+s5], $0x400, $0x38;
	[tilespmem:$0x1B800] =	vst v63  }
0x98: {  	_ =	swait.ge [sflag:s16], $0x400  }
0x99: {  	[sflag:s16] =	ssyncset.done $0x0  }
0x9a: {  	[sflag:s16] =	ssyncadd.s32 $0xFFFFFC00  }
0x9b: {  	[tilespmem:s21], [sflag:$0x1] =	stream.indirect.gather [hbm4b:s1+s20], $0x80, s5, s20, $0xb8;
	[tilespmem:$0x1B800] =	vst v63  }
0x9c: {  	_ =	swait.ge [sflag:s22], $0x4000  }
0x9d: {  	[sflag:s22] =	ssyncset.done $0x0  }
0x9e: {  	[sflag:s22] =	ssyncadd.s32 $0xFFFFC000  }
0x9f: {  	[spmem:s3] =	stream.indirect.scatter.add.f32 [tilespmem:s21], [sflag:$0x2], $0x80, s19, s20, $0xb8;
	[tilespmem:$0x1B800] =	vst v63  }
0xa0: {  	_ =	swait.ge [sflag:s16], $0x4000  }
0xa1: {  	[sflag:s16] =	ssyncset.done $0x0  }
0xa2: {  	[sflag:s16] =	ssyncadd.s32 $0xFFFFC000  }
0xa3: {  	[spmem:s4] =	stream.indirect.scatter.add.f32 [tilespmem:s18], [sflag:$0x2], $0x10, s19, s20, $0xb8;
	[tilespmem:$0x1B800] =	vst v63  }
0xa4: {  	_ =	swait.ge [sflag:s16], $0x800  }
0xa5: {  	[sflag:s16] =	ssyncset.done $0x0  }
0xa6: {  	[sflag:s16] =	ssyncadd.s32 $0xFFFFF800  }
0xa7: {  	[tilespmem:s21], [sflag:$0x1] =	stream.indirect.gather [hbm4b:s1+s20], $0x80, s20, s20, $0xb8;
	[tilespmem:$0x1B800] =	vst v63  }
0xa8: {  	_ =	swait.ge [sflag:s22], $0x4000  }
0xa9: {  	[sflag:s22] =	ssyncset.done $0x0  }
0xaa: {  	[sflag:s22] =	ssyncadd.s32 $0xFFFFC000  }
0xab: {  	[spmem:s3] =	stream.indirect.scatter.add.f32 [tilespmem:s21], [sflag:$0x2], $0x80, s23, s20, $0xb8;
	[tilespmem:$0x1B800] =	vst v63  }
0xac: {  	_ =	swait.ge [sflag:s16], $0x4000  }
0xad: {  	[sflag:s16] =	ssyncset.done $0x0  }
0xae: {  	[sflag:s16] =	ssyncadd.s32 $0xFFFFC000  }
0xaf: {  	[spmem:s4] =	stream.indirect.scatter.add.f32 [tilespmem:s18], [sflag:$0x2], $0x10, s23, s20, $0xb8;
	[tilespmem:$0x1B800] =	vst v63  }
0xb0: {  	_ =	swait.ge [sflag:s16], $0x800  }
0xb1: {  	[sflag:s16] =	ssyncset.done $0x0  }
0xb2: {  	[sflag:s16] =	ssyncadd.s32 $0xFFFFF800  }
0xb3: {  	[tilespmem:s21], [sflag:$0x1] =	stream.indirect.gather [hbm4b:s1+s20], $0x80, s24, s20, $0xb8;
	[tilespmem:$0x1B800] =	vst v63  }
0xb4: {  	_ =	swait.ge [sflag:s22], $0x4000  }
0xb5: {  	[sflag:s22] =	ssyncset.done $0x0  }
0xb6: {  	[sflag:s22] =	ssyncadd.s32 $0xFFFFC000  }
0xb7: {  	[spmem:s3] =	stream.indirect.scatter.add.f32 [tilespmem:s21], [sflag:$0x2], $0x80, s25, s20, $0xb8;
	[tilespmem:$0x1B800] =	vst v63  }
0xb8: {  	_ =	swait.ge [sflag:s16], $0x4000  }
0xb9: {  	[sflag:s16] =	ssyncset.done $0x0  }
0xba: {  	[sflag:s16] =	ssyncadd.s32 $0xFFFFC000  }
0xbb: {  	[spmem:s4] =	stream.indirect.scatter.add.f32 [tilespmem:s18], [sflag:$0x2], $0x10, s25, s20, $0xb8;
	[tilespmem:$0x1B800] =	vst v63  }
0xbc: {  	_ =	swait.ge [sflag:s16], $0x800  }
0xbd: {  	[sflag:s16] =	ssyncset.done $0x0  }
0xbe: {  	[sflag:s16] =	ssyncadd.s32 $0xFFFFF800  }
0xbf: {  	[tilespmem:s21], [sflag:$0x1] =	stream.indirect.gather [hbm4b:s1+s20], $0x80, s26, s20, $0xb8;
	[tilespmem:$0x1B800] =	vst v63  }
0xc0: {  	_ =	swait.ge [sflag:s22], $0x4000  }
0xc1: {  	[sflag:s22] =	ssyncset.done $0x0  }
0xc2: {  	[sflag:s22] =	ssyncadd.s32 $0xFFFFC000  }
0xc3: {  	[spmem:s3] =	stream.indirect.scatter.add.f32 [tilespmem:s21], [sflag:$0x2], $0x80, s28, s20, $0xb8;
	[tilespmem:$0x1B800] =	vst v63  }
0xc4: {  	_ =	swait.ge [sflag:s16], $0x4000  }
0xc5: {  	[sflag:s16] =	ssyncset.done $0x0  }
0xc6: {  	[sflag:s16] =	ssyncadd.s32 $0xFFFFC000  }
0xc7: {  	[spmem:s4] =	stream.indirect.scatter.add.f32 [tilespmem:s18], [sflag:$0x2], $0x10, s28, s20, $0xb8;
	[tilespmem:$0x1B800] =	vst v63  }
0xc8: {  	_ =	swait.ge [sflag:s16], $0x800  }
0xc9: {  	[sflag:s16] =	ssyncset.done $0x0  }
0xca: {  	[sflag:s16] =	ssyncadd.s32 $0xFFFFF800  }
0xcb: {  	[tilespmem:s21], [sflag:$0x1] =	stream.indirect.gather [hbm4b:s1+s20], $0x80, s29, s20, $0xb8;
	[tilespmem:$0x1B800] =	vst v63  }
0xcc: {  	_ =	swait.ge [sflag:s22], $0x4000  }
0xcd: {  	[sflag:s22] =	ssyncset.done $0x0  }
0xce: {  	[sflag:s22] =	ssyncadd.s32 $0xFFFFC000  }
0xcf: {  	[spmem:s3] =	stream.indirect.scatter.add.f32 [tilespmem:s21], [sflag:$0x2], $0x80, s30, s20, $0xb8;
	[tilespmem:$0x1B800] =	vst v63  }
0xd0: {  	_ =	swait.ge [sflag:s16], $0x4000  }
0xd1: {  	[sflag:s16] =	ssyncset.done $0x0  }
0xd2: {  	[sflag:s16] =	ssyncadd.s32 $0xFFFFC000  }
0xd3: {  	[spmem:s4] =	stream.indirect.scatter.add.f32 [tilespmem:s18], [sflag:$0x2], $0x10, s30, s20, $0xb8;
	[tilespmem:$0x1B800] =	vst v63  }
0xd4: {  	_ =	swait.ge [sflag:s16], $0x800  }
0xd5: {  	[sflag:s16] =	ssyncset.done $0x0  }
0xd6: {  	[sflag:s16] =	ssyncadd.s32 $0xFFFFF800  }
0xd7: {  	[tilespmem:s21], [sflag:$0x1] =	stream.indirect.gather [hbm4b:s1+s20], $0x80, s31, s20, $0xb8;
	[tilespmem:$0x1B800] =	vst v63  }
0xd8: {  	_ =	swait.ge [sflag:s22], $0x4000  }
0xd9: {  	[sflag:s22] =	ssyncset.done $0x0  }
0xda: {  	[sflag:s22] =	ssyncadd.s32 $0xFFFFC000  }
0xdb: {  	[spmem:s3] =	stream.indirect.scatter.add.f32 [tilespmem:s21], [sflag:$0x2], $0x80, s2, s20, $0xb8;
	[tilespmem:$0x1B800] =	vst v63  }
0xdc: {  	_ =	swait.ge [sflag:s16], $0x4000  }
0xdd: {  	[sflag:s16] =	ssyncset.done $0x0  }
0xde: {  	[sflag:s16] =	ssyncadd.s32 $0xFFFFC000  }
0xdf: {  	[spmem:s4] =	stream.indirect.scatter.add.f32 [tilespmem:s18], [sflag:$0x2], $0x10, s2, s20, $0xb8;
	[tilespmem:$0x1B800] =	vst v63  }
0xe0: {  	_ =	swait.ge [sflag:s16], $0x800  }
0xe1: {  	[sflag:s16] =	ssyncset.done $0x0  }
0xe2: {  	[sflag:s16] =	ssyncadd.s32 $0xFFFFF800  }
0xe3: {  	[tilespmem:s21], [sflag:$0x1] =	stream.indirect.gather [hbm4b:s1+s20], $0x80, s0, s20, $0xb8;
	[tilespmem:$0x1B800] =	vst v63  }
0xe4: {  	_ =	swait.ge [sflag:s22], $0x4000  }
0xe5: {  	[sflag:s22] =	ssyncset.done $0x0  }
0xe6: {  	[sflag:s22] =	ssyncadd.s32 $0xFFFFC000  }
0xe7: {  	[spmem:s3] =	stream.indirect.scatter.add.f32 [tilespmem:s21], [sflag:$0x2], $0x80, s6, s20, $0xb8;
	[tilespmem:$0x1B800] =	vst v63  }
0xe8: {  	_ =	swait.ge [sflag:s16], $0x4000  }
0xe9: {  	[sflag:s16] =	ssyncset.done $0x0  }
0xea: {  	[sflag:s16] =	ssyncadd.s32 $0xFFFFC000  }
0xeb: {  	[spmem:s4] =	stream.indirect.scatter.add.f32 [tilespmem:s18], [sflag:$0x2], $0x10, s6, s20, $0xb8;
	[tilespmem:$0x1B800] =	vst v63  }
0xec: {  	_ =	swait.ge [sflag:s16], $0x800  }
0xed: {  	[sflag:s16] =	ssyncset.done $0x0  }
0xee: {  	[sflag:s16] =	ssyncadd.s32 $0xFFFFF800  }
0xef: {  	[tilespmem:s21], [sflag:$0x1] =	stream.indirect.gather [hbm4b:s1+s20], $0x80, s7, s20, $0xb8;
	[tilespmem:$0x1B800] =	vst v63  }
0xf0: {  	_ =	swait.ge [sflag:s22], $0x4000  }
0xf1: {  	[sflag:s22] =	ssyncset.done $0x0  }
0xf2: {  	[sflag:s22] =	ssyncadd.s32 $0xFFFFC000  }
0xf3: {  	[spmem:s3] =	stream.indirect.scatter.add.f32 [tilespmem:s21], [sflag:$0x2], $0x80, s9, s20, $0xb8;
	[tilespmem:$0x1B800] =	vst v63  }
0xf4: {  	_ =	swait.ge [sflag:s16], $0x4000  }
.Ltmp0:
0xf5: {  	[sflag:s16] =	ssyncset.done $0x0;
	(pc) =	sbr.rel @p0 .LBB2_2-.Ltmp0, $4  }
0xf6: {  	[sflag:s16] =	ssyncadd.s32 $0xFFFFC000  }
0xf7: {  	[spmem:s4] =	stream.indirect.scatter.add.f32 [tilespmem:s18], [sflag:$0x2], $0x10, s9, s20, $0xb8;
	[tilespmem:$0x1B800] =	vst v63  }
0xf8: {  	_ =	swait.ge [sflag:s16], $0x800  }
0xf9: {  	s12 =	smov.u32 s15;
	[sflag:s16] =	ssyncset.done $0x0  }
0xfa: {  	s8 =	sadd.s32 s11, s14;
	[sflag:s16] =	ssyncadd.s32 $0xFFFFF800  }
0xfb: {  	[tilespmem:s5], [sflag:$0x2] =	stream.linear.gather [hbm4b:s8+s5], $0x400, $0x38;
	[tilespmem:$0x1B800] =	vst v63  }
0xfc: {  	_ =	swait.ge [sflag:s16], $0x400  }
0xfd: {  	[sflag:s16] =	ssyncset.done $0x0  }
0xfe: {  	s12 =	sadd.s32 s11, s13;
	[sflag:s16] =	ssyncadd.s32 $0xFFFFFC00  }
0xff: {  	[tilespmem:s19], [sflag:$0x2] =	stream.linear.gather [hbm4b:s12+s5], $0x400, $0x38;
	[tilespmem:$0x1B800] =	vst v63  }
0x100: {  	_ =	swait.ge [sflag:s16], $0x400  }
0x101: {  	[sflag:s16] =	ssyncset.done $0x0  }
0x102: {  	[sflag:s16] =	ssyncadd.s32 $0xFFFFFC00  }
0x103: {  	[tilespmem:s21], [sflag:$0x1] =	stream.indirect.gather [hbm4b:s1+s20], $0x80, s5, s20, $0xb8;
	[tilespmem:$0x1B800] =	vst v63  }
0x104: {  	_ =	swait.ge [sflag:s22], $0x4000  }
0x105: {  	[sflag:s22] =	ssyncset.done $0x0  }
0x106: {  	[sflag:s22] =	ssyncadd.s32 $0xFFFFC000  }
0x107: {  	[spmem:s3] =	stream.indirect.scatter.add.f32 [tilespmem:s21], [sflag:$0x2], $0x80, s19, s20, $0xb8;
	[tilespmem:$0x1B800] =	vst v63  }
0x108: {  	_ =	swait.ge [sflag:s16], $0x4000  }
0x109: {  	[sflag:s16] =	ssyncset.done $0x0  }
0x10a: {  	[sflag:s16] =	ssyncadd.s32 $0xFFFFC000  }
0x10b: {  	[spmem:s4] =	stream.indirect.scatter.add.f32 [tilespmem:s18], [sflag:$0x2], $0x10, s19, s20, $0xb8;
	[tilespmem:$0x1B800] =	vst v63  }
0x10c: {  	_ =	swait.ge [sflag:s16], $0x800  }
0x10d: {  	[sflag:s16] =	ssyncset.done $0x0  }
0x10e: {  	[sflag:s16] =	ssyncadd.s32 $0xFFFFF800  }
0x10f: {  	[tilespmem:s21], [sflag:$0x1] =	stream.indirect.gather [hbm4b:s1+s20], $0x80, s20, s20, $0xb8;
	[tilespmem:$0x1B800] =	vst v63  }
0x110: {  	_ =	swait.ge [sflag:s22], $0x4000  }
0x111: {  	[sflag:s22] =	ssyncset.done $0x0  }
0x112: {  	[sflag:s22] =	ssyncadd.s32 $0xFFFFC000  }
0x113: {  	[spmem:s3] =	stream.indirect.scatter.add.f32 [tilespmem:s21], [sflag:$0x2], $0x80, s23, s20, $0xb8;
	[tilespmem:$0x1B800] =	vst v63  }
0x114: {  	_ =	swait.ge [sflag:s16], $0x4000  }
0x115: {  	[sflag:s16] =	ssyncset.done $0x0  }
0x116: {  	[sflag:s16] =	ssyncadd.s32 $0xFFFFC000  }
0x117: {  	[spmem:s4] =	stream.indirect.scatter.add.f32 [tilespmem:s18], [sflag:$0x2], $0x10, s23, s20, $0xb8;
	[tilespmem:$0x1B800] =	vst v63  }
0x118: {  	_ =	swait.ge [sflag:s16], $0x800  }
0x119: {  	[sflag:s16] =	ssyncset.done $0x0  }
0x11a: {  	[sflag:s16] =	ssyncadd.s32 $0xFFFFF800  }
0x11b: {  	[tilespmem:s21], [sflag:$0x1] =	stream.indirect.gather [hbm4b:s1+s20], $0x80, s24, s20, $0xb8;
	[tilespmem:$0x1B800] =	vst v63  }
0x11c: {  	_ =	swait.ge [sflag:s22], $0x4000  }
0x11d: {  	[sflag:s22] =	ssyncset.done $0x0  }
0x11e: {  	[sflag:s22] =	ssyncadd.s32 $0xFFFFC000  }
0x11f: {  	[spmem:s3] =	stream.indirect.scatter.add.f32 [tilespmem:s21], [sflag:$0x2], $0x80, s25, s20, $0xb8;
	[tilespmem:$0x1B800] =	vst v63  }
0x120: {  	_ =	swait.ge [sflag:s16], $0x4000  }
0x121: {  	[sflag:s16] =	ssyncset.done $0x0  }
0x122: {  	[sflag:s16] =	ssyncadd.s32 $0xFFFFC000  }
0x123: {  	[spmem:s4] =	stream.indirect.scatter.add.f32 [tilespmem:s18], [sflag:$0x2], $0x10, s25, s20, $0xb8;
	[tilespmem:$0x1B800] =	vst v63  }
0x124: {  	_ =	swait.ge [sflag:s16], $0x800  }
0x125: {  	[sflag:s16] =	ssyncset.done $0x0  }
0x126: {  	[sflag:s16] =	ssyncadd.s32 $0xFFFFF800  }
0x127: {  	[tilespmem:s21], [sflag:$0x1] =	stream.indirect.gather [hbm4b:s1+s20], $0x80, s26, s20, $0xb8;
	[tilespmem:$0x1B800] =	vst v63  }
0x128: {  	_ =	swait.ge [sflag:s22], $0x4000  }
0x129: {  	[sflag:s22] =	ssyncset.done $0x0  }
0x12a: {  	[sflag:s22] =	ssyncadd.s32 $0xFFFFC000  }
0x12b: {  	[spmem:s3] =	stream.indirect.scatter.add.f32 [tilespmem:s21], [sflag:$0x2], $0x80, s28, s20, $0xb8;
	[tilespmem:$0x1B800] =	vst v63  }
0x12c: {  	_ =	swait.ge [sflag:s16], $0x4000  }
0x12d: {  	[sflag:s16] =	ssyncset.done $0x0  }
0x12e: {  	[sflag:s16] =	ssyncadd.s32 $0xFFFFC000  }
0x12f: {  	[spmem:s4] =	stream.indirect.scatter.add.f32 [tilespmem:s18], [sflag:$0x2], $0x10, s28, s20, $0xb8;
	[tilespmem:$0x1B800] =	vst v63  }
0x130: {  	_ =	swait.ge [sflag:s16], $0x800  }
0x131: {  	[sflag:s16] =	ssyncset.done $0x0  }
0x132: {  	[sflag:s16] =	ssyncadd.s32 $0xFFFFF800  }
0x133: {  	[tilespmem:s21], [sflag:$0x1] =	stream.indirect.gather [hbm4b:s1+s20], $0x80, s29, s20, $0xb8;
	[tilespmem:$0x1B800] =	vst v63  }
0x134: {  	_ =	swait.ge [sflag:s22], $0x4000  }
0x135: {  	[sflag:s22] =	ssyncset.done $0x0  }
0x136: {  	[sflag:s22] =	ssyncadd.s32 $0xFFFFC000  }
0x137: {  	[spmem:s3] =	stream.indirect.scatter.add.f32 [tilespmem:s21], [sflag:$0x2], $0x80, s30, s20, $0xb8;
	[tilespmem:$0x1B800] =	vst v63  }
0x138: {  	_ =	swait.ge [sflag:s16], $0x4000  }
0x139: {  	[sflag:s16] =	ssyncset.done $0x0  }
0x13a: {  	[sflag:s16] =	ssyncadd.s32 $0xFFFFC000  }
0x13b: {  	[spmem:s4] =	stream.indirect.scatter.add.f32 [tilespmem:s18], [sflag:$0x2], $0x10, s30, s20, $0xb8;
	[tilespmem:$0x1B800] =	vst v63  }
0x13c: {  	_ =	swait.ge [sflag:s16], $0x800  }
0x13d: {  	[sflag:s16] =	ssyncset.done $0x0  }
0x13e: {  	[sflag:s16] =	ssyncadd.s32 $0xFFFFF800  }
0x13f: {  	[tilespmem:s21], [sflag:$0x1] =	stream.indirect.gather [hbm4b:s1+s20], $0x80, s31, s20, $0xb8;
	[tilespmem:$0x1B800] =	vst v63  }
0x140: {  	_ =	swait.ge [sflag:s22], $0x4000  }
0x141: {  	[sflag:s22] =	ssyncset.done $0x0  }
0x142: {  	[sflag:s22] =	ssyncadd.s32 $0xFFFFC000  }
0x143: {  	[spmem:s3] =	stream.indirect.scatter.add.f32 [tilespmem:s21], [sflag:$0x2], $0x80, s2, s20, $0xb8;
	[tilespmem:$0x1B800] =	vst v63  }
0x144: {  	_ =	swait.ge [sflag:s16], $0x4000  }
0x145: {  	[sflag:s16] =	ssyncset.done $0x0  }
0x146: {  	[sflag:s16] =	ssyncadd.s32 $0xFFFFC000  }
0x147: {  	[spmem:s4] =	stream.indirect.scatter.add.f32 [tilespmem:s18], [sflag:$0x2], $0x10, s2, s20, $0xb8;
	[tilespmem:$0x1B800] =	vst v63  }
0x148: {  	_ =	swait.ge [sflag:s16], $0x800  }
0x149: {  	[sflag:s16] =	ssyncset.done $0x0  }
0x14a: {  	[sflag:s16] =	ssyncadd.s32 $0xFFFFF800  }
0x14b: {  	[tilespmem:s21], [sflag:$0x1] =	stream.indirect.gather [hbm4b:s1+s20], $0x80, s0, s20, $0xb8;
	[tilespmem:$0x1B800] =	vst v63  }
0x14c: {  	_ =	swait.ge [sflag:s22], $0x4000  }
0x14d: {  	[sflag:s22] =	ssyncset.done $0x0  }
0x14e: {  	[sflag:s22] =	ssyncadd.s32 $0xFFFFC000  }
0x14f: {  	[spmem:s3] =	stream.indirect.scatter.add.f32 [tilespmem:s21], [sflag:$0x2], $0x80, s6, s20, $0xb8;
	[tilespmem:$0x1B800] =	vst v63  }
0x150: {  	_ =	swait.ge [sflag:s16], $0x4000  }
0x151: {  	[sflag:s16] =	ssyncset.done $0x0  }
0x152: {  	[sflag:s16] =	ssyncadd.s32 $0xFFFFC000  }
0x153: {  	[spmem:s4] =	stream.indirect.scatter.add.f32 [tilespmem:s18], [sflag:$0x2], $0x10, s6, s20, $0xb8;
	[tilespmem:$0x1B800] =	vst v63  }
0x154: {  	_ =	swait.ge [sflag:s16], $0x800  }
0x155: {  	[sflag:s16] =	ssyncset.done $0x0  }
0x156: {  	[sflag:s16] =	ssyncadd.s32 $0xFFFFF800  }
0x157: {  	[tilespmem:s21], [sflag:$0x1] =	stream.indirect.gather [hbm4b:s1+s20], $0x80, s7, s20, $0xb8;
	[tilespmem:$0x1B800] =	vst v63  }
0x158: {  	_ =	swait.ge [sflag:s22], $0x4000  }
0x159: {  	[sflag:s22] =	ssyncset.done $0x0  }
0x15a: {  	[sflag:s22] =	ssyncadd.s32 $0xFFFFC000  }
0x15b: {  	[spmem:s3] =	stream.indirect.scatter.add.f32 [tilespmem:s21], [sflag:$0x2], $0x80, s9, s20, $0xb8;
	[tilespmem:$0x1B800] =	vst v63  }
0x15c: {  	_ =	swait.ge [sflag:s16], $0x4000  }
0x15d: {  	[sflag:s16] =	ssyncset.done $0x0  }
0x15e: {  	[sflag:s16] =	ssyncadd.s32 $0xFFFFC000  }
0x15f: {  	[spmem:s4] =	stream.indirect.scatter.add.f32 [tilespmem:s18], [sflag:$0x2], $0x10, s9, s20, $0xb8;
	[tilespmem:$0x1B800] =	vst v63  }
0x160: {  	_ =	swait.ge [sflag:s16], $0x800  }
0x161: {  	[sflag:s16] =	ssyncset.done $0x0  }
0x162: {  	[sflag:s16] =	ssyncadd.s32 $0xFFFFF800  }
0x163: {  	[bflag:$0x0] =	sbarrier.arrive $0xFFFF  }
0x164: {  	s12 =	rddreg [dreg:$0x8]  }
0x165: {  	s15 =	rddreg [dreg:$0xa]  }
0x166: {  	s11 =	rddreg [dreg:$0xd]  }
0x167: {  	[hbm:s15], [sflag:s12] =	dma.local [spmem:s11], $0x2800  }
0x168: {  	_ =	swait.ge [sflag:s16], $0x2800  }
0x169: {  	[sflag:s16] =	ssyncset.done $0x0;
	s17 =	rddreg [dreg:$0xb]  }
0x16a: {  	s15 =	rddreg [dreg:$0xe];
	[sflag:s16] =	ssyncadd.s32 $0xFFFFD800  }
0x16b: {  	[hbm:s17], [sflag:s12] =	dma.local [spmem:s15], $0x500  }
0x16c: {  	_ =	swait.ge [sflag:s16], $0x500  }
0x16d: {  	s10 =	sadd.s32 $0x1, s10;
	s17 =	rddreg [dreg:$0xc]  }
0x16e: {  	p0 =	sne.s32 s10, s17  }
.Ltmp1:
0x16f: {  	_ = 	snop;
	(pc) =	sbr.rel @p0 .LBB2_1-.Ltmp1, $3  }
0x170: {  	_ =	sdelay $0x1  }
0x171: {  	[sflag:s16] =	ssyncset.done $0x0  }
0x172: {  	[sflag:s16] =	ssyncadd.s32 $0xFFFFFB00  }
0x173: {  	_ =	sfence.sel $0x180000  }
0x174: {  	[bflag:$0x0] =	sbarrier.arrive $0xFFFF  }
0x175: {  	_ =	strace $0x90000047  }
0x176: {  	s0 =	stileid.u32;
	[bflag:$0x2] =	sbarrier.arrive $0xFFFF  }
0x177: {  	p0 =	sne.s32 s0, $0x0;
	s0 =	rddreg [dreg:$0x5]  }
0x178: {  	s0 =	sadd.s32 @!p0 $0x100000, s0  }
0x179: {  	[sflag:s0] =	ssyncadd.tile.s32 @!p0 $0x1;
	_ =	shalt  }
.Lfunc_end2:
_tile_overlayer_lowered:
.L_overlay_start_2:
0x17a: {  	(tag) =	ssettag $0x2  }
0x17b: {  	s0 =	rddreg [dreg:$0x0];
	s2 =	stileid.u32  }
0x17c: {  	s1 =	rddreg [dreg:$0x1];
	p0 =	sne.s32 s2, $0x0  }
0x17d: {  	s3 =	rddreg [dreg:$0x2];
	[bflag:$0x3] =	sbarrier.arrive $0xFFFF;
	s2 =	simm.s32 @!p0 $0x1C02  }
0x17e: {  	[timem:s3], [sflag:s2] =	dma.local @!p0 [hbm:s0], s1  }
0x17f: {  	s0 =	simm.s32 @!p0 $0x2  }
0x180: {  	_ =	swait.ge @!p0 [sflag:s0], s1  }
0x181: {  	s1 =	ssub.s32 @!p0 $0x0, s1;
	[sflag:s0] =	ssyncset.done @!p0 $0x0  }
0x182: {  	[sflag:s0] =	ssyncadd.s32 @!p0 s1  }
0x183: {  	[bflag:$0x3] =	sbarrier.arrive $0xFFFF  }
0x184: {  	_ =	shalt  }

</sc_bundles>
